<compile_context>
chip_gen: v7x
topology: tpu7x:2x2x1
jax: 0.10.2.dev20260603
libtpu: 0.0.44.dev20260713+nightly
codegen_flags: <defaults>
</compile_context>

<pallas_src>
import jax
import jax.numpy as jnp
from jax import lax
from jax.experimental import pallas as pl
from jax.experimental.pallas import tpu as pltpu
from jax.experimental.pallas import tpu_sc as plsc

_NUM_IN = 8192
_NUM_OUT = 2048
_BF = 4
_BATCH = 4096
_L = 16
_NC = 2
_NS = 16
_NW = _NC * _NS

_S = 512
_ROWS = _S // _NW
_R = 4
_NCHUNK = _ROWS // _R
_OG = _NUM_OUT // _L

_RB = 256
_NT = 16
_CS = _NUM_IN // _NT


def _sc_body(x_hbm, t_hbm, w_hbm, tw_hbm, out_hbm,
             x_tile, t_tile, w_tile, tw_tile, out_tile,
             xs0, xs1, os0, os1):
    wid = lax.axis_index("s") * _NC + lax.axis_index("c")
    base = wid * _ROWS
    pltpu.sync_copy(w_hbm, w_tile)
    pltpu.sync_copy(tw_hbm, tw_tile)
    pltpu.sync_copy(t_hbm.at[pl.ds(base, _ROWS)], t_tile)
    lane4 = lax.broadcasted_iota(jnp.int32, (_L,), 0) * _BF
    xsems = (xs0, xs1)
    osems = (os0, os1)

    def x_copy(ci, p):
        return pltpu.make_async_copy(
            x_hbm.at[pl.ds(base + ci * _R, _R)], x_tile.at[p], xsems[p])

    def o_copy(ci, p):
        return pltpu.make_async_copy(
            out_tile.at[p], out_hbm.at[pl.ds(base + ci * _R, _R)], osems[p])

    def compute(ci, p):
        orow = out_tile.at[p]
        tbs = [plsc.load_gather(t_tile,
                                [jnp.full((_L,), ci * _R + r, jnp.int32)]
                                ).astype(jnp.float32)
               for r in range(_R)]

        @plsc.parallel_loop(0, _OG, unroll=4)
        def _(g):
            o0 = g * _L
            cb = o0 * _BF
            tw_v = tw_tile[pl.ds(o0, _L)]
            wseg = w_tile.at[pl.ds(cb, _L * _BF)]
            w_vs = [plsc.load_gather(wseg, [lane4 + j]) for j in range(_BF)]
            for r in range(_R):
                seg = x_tile.at[p, r, pl.ds(cb, _L * _BF)]
                acc = tw_v * tbs[r]
                for j in range(_BF):
                    acc = acc + w_vs[j] * plsc.load_gather(seg, [lane4 + j])
                orow[r, pl.ds(o0, _L)] = acc

    x_copy(0, 0).start()

    def pair_body(k, carry):
        for p in range(2):
            ci = 2 * k + p

            @pl.when(ci + 1 < _NCHUNK)
            def _():
                x_copy(ci + 1, 1 - p).start()

            x_copy(ci, p).wait()

            @pl.when(ci >= 2)
            def _():
                o_copy(ci - 2, p).wait()

            compute(ci, p)
            o_copy(ci, p).start()
        return carry

    lax.fori_loop(0, _NCHUNK // 2, pair_body, 0)
    o_copy(_NCHUNK - 2, 0).wait()
    o_copy(_NCHUNK - 1, 1).wait()


def _tc_body(x_ref, t_ref, w_ref, tw_ref, o_ref):
    t_term = t_ref[...].astype(jnp.float32) * tw_ref[...]
    sel_in = lax.broadcasted_iota(jnp.int32, (_CS, _CS // _BF), 0)
    sel_out = lax.broadcasted_iota(jnp.int32, (_CS, _CS // _BF), 1)
    selm = (sel_in // _BF == sel_out).astype(jnp.float32)
    for tt in range(_NT):
        y = x_ref[:, tt * _CS:(tt + 1) * _CS] * w_ref[:, tt * _CS:(tt + 1) * _CS]
        s = jnp.dot(y, selm, preferred_element_type=jnp.float32)
        o_ref[:, tt * 128:(tt + 1) * 128] = s + t_term[:, tt * 128:(tt + 1) * 128]


def kernel(x, t, weight_vals, t_weights):
    tw = t_weights.reshape(_NUM_OUT)

    mesh = plsc.VectorSubcoreMesh(core_axis_name="c", subcore_axis_name="s")
    sc_out = pl.kernel(
        _sc_body,
        out_type=jax.ShapeDtypeStruct((_S, _NUM_OUT), jnp.float32),
        mesh=mesh,
        scratch_types=[
            pltpu.VMEM((2, _R, _NUM_IN), jnp.float32),
            pltpu.VMEM((_ROWS,), jnp.int32),
            pltpu.VMEM((_NUM_IN,), jnp.float32),
            pltpu.VMEM((_NUM_OUT,), jnp.float32),
            pltpu.VMEM((2, _R, _NUM_OUT), jnp.float32),
            pltpu.SemaphoreType.DMA,
            pltpu.SemaphoreType.DMA,
            pltpu.SemaphoreType.DMA,
            pltpu.SemaphoreType.DMA,
        ],
        compiler_params=pltpu.CompilerParams(needs_layout_passes=False),
    )(x, t, weight_vals, tw)

    nb = (_BATCH - _S) // _RB
    sb = _S // _RB
    tc_out = pl.pallas_call(
        _tc_body,
        grid=(nb,),
        in_specs=[
            pl.BlockSpec((_RB, _NUM_IN), lambda i: (i + sb, 0)),
            pl.BlockSpec((_RB, 1), lambda i: (i + sb, 0)),
            pl.BlockSpec((1, _NUM_IN), lambda i: (0, 0)),
            pl.BlockSpec((1, _NUM_OUT), lambda i: (0, 0)),
        ],
        out_specs=pl.BlockSpec((_RB, _NUM_OUT), lambda i: (i + sb, 0)),
        out_shape=jax.ShapeDtypeStruct((_BATCH, _NUM_OUT), jnp.float32),
    )(x, t.reshape(_BATCH, 1), weight_vals.reshape(1, _NUM_IN),
      tw.reshape(1, _NUM_OUT))

    return lax.dynamic_update_slice(tc_out, sc_out, (0, 0))

# --- scband reference (transcript-rebuilt; emitter-appended) ---
"""Pipeline reference for scband-dendritic-branch-layer-sparse-62689342652745 (READ-ONLY COPY).

The authoritative reference and input builder live on the scoring server;
editing this copy changes nothing except your own understanding.
"""

import jax, jax.numpy as jnp
import numpy as np

NUM_IN = 8192
NUM_OUT = 2048
BF = 4
BATCH = 4096


def setup_inputs(seed: int = 0) -> dict:
    key = jax.random.key(seed)
    k1, k2, k3, k4 = jax.random.split(key, 4)
    x = jax.random.normal(k1, (BATCH, NUM_IN), dtype=jnp.float32)
    t = jax.random.randint(k2, (BATCH,), 0, 1000, dtype=jnp.int32)
    weight_vals = jax.random.normal(k3, (BF * NUM_OUT,), dtype=jnp.float32)
    t_weights = jax.random.normal(k4, (NUM_OUT, 1), dtype=jnp.float32)
    return {"x": x, "t": t, "weight_vals": weight_vals, "t_weights": t_weights}


def reference(x, t, weight_vals, t_weights):
    # Sparse COO weight matrix W has shape [num_out, num_out*branch_factor] where
    # row i has nonzeros exactly at columns [i*bf, (i+1)*bf). Therefore
    # torch.sparse.mm(W, x.T)[o, b] = sum_j weight_vals[o*bf + j] * x[b, o*bf + j]
    # i.e. a disjoint blocked (segment) weighted reduction over the input axis.
    batch = x.shape[0]
    num_out = t_weights.shape[0]
    bf = weight_vals.shape[0] // num_out
    tf = t.astype(jnp.float32).reshape(batch, 1)  # t.float().view(len(t), 1)
    xr = x.reshape(batch, num_out, bf)
    w = weight_vals.reshape(num_out, bf)
    out = jnp.sum(xr * w[None, :, :], axis=-1)  # [batch, num_out] == sparse.mm(W, x.T).T
    t_out = (t_weights @ tf.T).T  # [batch, num_out]
    return out + t_out

if __name__ == "__main__":
    import jax
    _d = setup_inputs()
    print(jax.jit(kernel)(*tuple(_d.values())))

</pallas_src>

<mosaic_0001>
#map = affine_map<(d0, d1) -> (0, 0)>
#map1 = affine_map<(d0, d1) -> (0)>
module attributes {stable_mosaic.version = 14 : i64} {
  func.func @_sc_body(%arg0: i32, %arg1: i32, %arg2: memref<4096x8192xf32, #tpu.memory_space<hbm>>, %arg3: memref<4096xi32, #tpu.memory_space<hbm>>, %arg4: memref<8192xf32, #tpu.memory_space<hbm>>, %arg5: memref<2048xf32, #tpu.memory_space<hbm>>, %arg6: memref<512x2048xf32, #tpu.memory_space<hbm>>, %arg7: memref<2x4x8192xf32, #tpu.memory_space<vmem>>, %arg8: memref<16xi32, #tpu.memory_space<vmem>>, %arg9: memref<8192xf32, #tpu.memory_space<vmem>>, %arg10: memref<2048xf32, #tpu.memory_space<vmem>>, %arg11: memref<2x4x2048xf32, #tpu.memory_space<vmem>>, %arg12: memref<!tpu.dma_semaphore, #tpu.memory_space<semaphore_mem>>, %arg13: memref<!tpu.dma_semaphore, #tpu.memory_space<semaphore_mem>>, %arg14: memref<!tpu.dma_semaphore, #tpu.memory_space<semaphore_mem>>, %arg15: memref<!tpu.dma_semaphore, #tpu.memory_space<semaphore_mem>>) attributes {dimension_semantics = [#tpu.dimension_semantics<core_parallel>, #tpu.dimension_semantics<subcore_parallel>], iteration_bounds = array<i64: 2, 16>, scalar_prefetch = 0 : i64, scratch_operands = 9 : i64, tpu.core_type = #tpu.core_type<sc_vector_subcore>, window_params = [{transform_indices = #map}, {transform_indices = #map1}, {transform_indices = #map1}, {transform_indices = #map1}, {transform_indices = #map}]} {
    %mul3A = arith.constant 2 : i32
    %mul3A_0 = arith.muli %arg1, %mul3A : i32
    %add3A = arith.addi %mul3A_0, %arg0 : i32
    %mul3A_1 = arith.constant 16 : i32
    %mul3A_2 = arith.muli %add3A, %mul3A_1 : i32
    "tpu.region"() ({
      %run_scoped3A = tpu.sem_alloc : memref<!tpu.dma_semaphore, #tpu.memory_space<semaphore_mem>>
      tpu.enqueue_dma source(%arg4 : memref<8192xf32, #tpu.memory_space<hbm>>) target(%arg9 : memref<8192xf32, #tpu.memory_space<vmem>>) target_semaphore(%run_scoped3A : memref<!tpu.dma_semaphore, #tpu.memory_space<semaphore_mem>>)
      tpu.wait_dma2 semaphore(%run_scoped3A : memref<!tpu.dma_semaphore, #tpu.memory_space<semaphore_mem>>) src(%arg4 : memref<8192xf32, #tpu.memory_space<hbm>>) dst(%arg9 : memref<8192xf32, #tpu.memory_space<vmem>>)
      tpu.yield
    }) : () -> ()
    "tpu.region"() ({
      %run_scoped3A = tpu.sem_alloc : memref<!tpu.dma_semaphore, #tpu.memory_space<semaphore_mem>>
      tpu.enqueue_dma source(%arg5 : memref<2048xf32, #tpu.memory_space<hbm>>) target(%arg10 : memref<2048xf32, #tpu.memory_space<vmem>>) target_semaphore(%run_scoped3A : memref<!tpu.dma_semaphore, #tpu.memory_space<semaphore_mem>>)
      tpu.wait_dma2 semaphore(%run_scoped3A : memref<!tpu.dma_semaphore, #tpu.memory_space<semaphore_mem>>) src(%arg5 : memref<2048xf32, #tpu.memory_space<hbm>>) dst(%arg10 : memref<2048xf32, #tpu.memory_space<vmem>>)
      tpu.yield
    }) : () -> ()
    "tpu.region"() ({
      %run_scoped3A = tpu.sem_alloc : memref<!tpu.dma_semaphore, #tpu.memory_space<semaphore_mem>>
      %dma_start3A_54 = tpu.memref_slice %arg3[%mul3A_2] : memref<4096xi32, #tpu.memory_space<hbm>> -> memref<16xi32, #tpu.memory_space<hbm>>
      %dma_start3A_55 = tpu.memref_slice %arg3[%mul3A_2] : memref<4096xi32, #tpu.memory_space<hbm>> -> memref<16xi32, #tpu.memory_space<hbm>>
      tpu.enqueue_dma source(%dma_start3A_55 : memref<16xi32, #tpu.memory_space<hbm>>) target(%arg8 : memref<16xi32, #tpu.memory_space<vmem>>) target_semaphore(%run_scoped3A : memref<!tpu.dma_semaphore, #tpu.memory_space<semaphore_mem>>)
      %dma_wait3A_56 = tpu.memref_slice %arg3[%mul3A_2] : memref<4096xi32, #tpu.memory_space<hbm>> -> memref<16xi32, #tpu.memory_space<hbm>>
      %dma_wait3A_57 = tpu.memref_slice %arg3[%mul3A_2] : memref<4096xi32, #tpu.memory_space<hbm>> -> memref<16xi32, #tpu.memory_space<hbm>>
      tpu.wait_dma2 semaphore(%run_scoped3A : memref<!tpu.dma_semaphore, #tpu.memory_space<semaphore_mem>>) src(%dma_wait3A_57 : memref<16xi32, #tpu.memory_space<hbm>>) dst(%arg8 : memref<16xi32, #tpu.memory_space<vmem>>)
      tpu.yield
    }) : () -> ()
    %iota3A = tpu.iota {dimensions = array<i32: 0>} : vector<16xi32>
    %mul3A_3 = arith.constant 4 : i32
    %mul3A_4 = vector.broadcast %mul3A_3 : i32 to vector<16xi32>
    %mul3A_5 = arith.muli %iota3A, %mul3A_4 : vector<16xi32>
    %add3A_6 = arith.constant 0 : i32
    %add3A_7 = arith.addi %mul3A_2, %add3A_6 : i32
    %dma_start3A = arith.constant 0 : i32
    %dma_start3A_8 = arith.constant 0 : i32
    %dma_start3A_9 = arith.constant 0 : i32
    %dma_start3A_10 = tpu.memref_slice %arg7[%dma_start3A, %dma_start3A_8, %dma_start3A_9] : memref<2x4x8192xf32, #tpu.memory_space<vmem>> -> memref<1x4x8192xf32, #tpu.memory_space<vmem>>
    %dma_start3A_11 = tpu.memref_squeeze %dma_start3A_10 : memref<1x4x8192xf32, #tpu.memory_space<vmem>> -> memref<4x8192xf32, #tpu.memory_space<vmem>>
    %dma_start3A_12 = arith.constant 0 : i32
    %dma_start3A_13 = tpu.memref_slice %arg2[%add3A_7, %dma_start3A_12] : memref<4096x8192xf32, #tpu.memory_space<hbm>> -> memref<4x8192xf32, #tpu.memory_space<hbm>>
    %dma_start3A_14 = arith.constant 0 : i32
    %dma_start3A_15 = arith.constant 0 : i32
    %dma_start3A_16 = tpu.memref_slice %arg7[%dma_start3A, %dma_start3A_14, %dma_start3A_15] : memref<2x4x8192xf32, #tpu.memory_space<vmem>> -> memref<1x4x8192xf32, #tpu.memory_space<vmem>>
    %dma_start3A_17 = tpu.memref_squeeze %dma_start3A_16 : memref<1x4x8192xf32, #tpu.memory_space<vmem>> -> memref<4x8192xf32, #tpu.memory_space<vmem>>
    %dma_start3A_18 = arith.constant 0 : i32
    %dma_start3A_19 = tpu.memref_slice %arg2[%add3A_7, %dma_start3A_18] : memref<4096x8192xf32, #tpu.memory_space<hbm>> -> memref<4x8192xf32, #tpu.memory_space<hbm>>
    tpu.enqueue_dma source(%dma_start3A_19 : memref<4x8192xf32, #tpu.memory_space<hbm>>) target(%dma_start3A_17 : memref<4x8192xf32, #tpu.memory_space<vmem>>) target_semaphore(%arg12 : memref<!tpu.dma_semaphore, #tpu.memory_space<semaphore_mem>>)
    %scan3A = arith.constant 0 : i32
    %scan3A_20 = arith.constant 0 : i32
    %scan3A_21 = arith.constant 2 : i32
    %scan3A_22 = arith.addi %scan3A_20, %scan3A_21 : i32
    %scan3A_23 = arith.constant 1 : i32
    scf.for %scan3A_54 = %scan3A_20 to %scan3A_22 step %scan3A_23  : i32 {
      %mul3A_55 = arith.constant 2 : i32
      %mul3A_56 = arith.muli %mul3A_55, %scan3A_54 : i32
      %add3A_57 = arith.constant 0 : i32
      %add3A_58 = arith.addi %mul3A_56, %add3A_57 : i32
      %add3A_59 = arith.constant 1 : i32
      %add3A_60 = arith.addi %add3A_58, %add3A_59 : i32
      %lt3A = arith.constant 4 : i32
      %lt3A_61 = arith.cmpi slt, %add3A_60, %lt3A : i32
      %convert_element_type3A = arith.extui %lt3A_61 : i1 to i32
      %cond3A = arith.constant 0 : i32
      %cond3A_62 = arith.cmpi ne, %convert_element_type3A, %cond3A : i32
      scf.if %cond3A_62 {
        %add3A_208 = arith.constant 1 : i32
        %add3A_209 = arith.addi %add3A_58, %add3A_208 : i32
        %mul3A_210 = arith.constant 4 : i32
        %mul3A_211 = arith.muli %add3A_209, %mul3A_210 : i32
        %add3A_212 = arith.addi %mul3A_2, %mul3A_211 : i32
        %dma_start3A_213 = arith.constant 1 : i32
        %dma_start3A_214 = arith.constant 0 : i32
        %dma_start3A_215 = arith.constant 0 : i32
        %dma_start3A_216 = tpu.memref_slice %arg7[%dma_start3A_213, %dma_start3A_214, %dma_start3A_215] : memref<2x4x8192xf32, #tpu.memory_space<vmem>> -> memref<1x4x8192xf32, #tpu.memory_space<vmem>>
        %dma_start3A_217 = tpu.memref_squeeze %dma_start3A_216 : memref<1x4x8192xf32, #tpu.memory_space<vmem>> -> memref<4x8192xf32, #tpu.memory_space<vmem>>
        %dma_start3A_218 = arith.constant 0 : i32
        %dma_start3A_219 = tpu.memref_slice %arg2[%add3A_212, %dma_start3A_218] : memref<4096x8192xf32, #tpu.memory_space<hbm>> -> memref<4x8192xf32, #tpu.memory_space<hbm>>
        %dma_start3A_220 = arith.constant 0 : i32
        %dma_start3A_221 = arith.constant 0 : i32
        %dma_start3A_222 = tpu.memref_slice %arg7[%dma_start3A_213, %dma_start3A_220, %dma_start3A_221] : memref<2x4x8192xf32, #tpu.memory_space<vmem>> -> memref<1x4x8192xf32, #tpu.memory_space<vmem>>
        %dma_start3A_223 = tpu.memref_squeeze %dma_start3A_222 : memref<1x4x8192xf32, #tpu.memory_space<vmem>> -> memref<4x8192xf32, #tpu.memory_space<vmem>>
        %dma_start3A_224 = arith.constant 0 : i32
        %dma_start3A_225 = tpu.memref_slice %arg2[%add3A_212, %dma_start3A_224] : memref<4096x8192xf32, #tpu.memory_space<hbm>> -> memref<4x8192xf32, #tpu.memory_space<hbm>>
        tpu.enqueue_dma source(%dma_start3A_225 : memref<4x8192xf32, #tpu.memory_space<hbm>>) target(%dma_start3A_223 : memref<4x8192xf32, #tpu.memory_space<vmem>>) target_semaphore(%arg13 : memref<!tpu.dma_semaphore, #tpu.memory_space<semaphore_mem>>)
      } else {
      }
      %mul3A_63 = arith.constant 4 : i32
      %mul3A_64 = arith.muli %add3A_58, %mul3A_63 : i32
      %add3A_65 = arith.addi %mul3A_2, %mul3A_64 : i32
      %dma_wait3A_66 = arith.constant 0 : i32
      %dma_wait3A_67 = arith.constant 0 : i32
      %dma_wait3A_68 = arith.constant 0 : i32
      %dma_wait3A_69 = tpu.memref_slice %arg7[%dma_wait3A_66, %dma_wait3A_67, %dma_wait3A_68] : memref<2x4x8192xf32, #tpu.memory_space<vmem>> -> memref<1x4x8192xf32, #tpu.memory_space<vmem>>
      %dma_wait3A_70 = tpu.memref_squeeze %dma_wait3A_69 : memref<1x4x8192xf32, #tpu.memory_space<vmem>> -> memref<4x8192xf32, #tpu.memory_space<vmem>>
      %dma_wait3A_71 = arith.constant 0 : i32
      %dma_wait3A_72 = tpu.memref_slice %arg2[%add3A_65, %dma_wait3A_71] : memref<4096x8192xf32, #tpu.memory_space<hbm>> -> memref<4x8192xf32, #tpu.memory_space<hbm>>
      %dma_wait3A_73 = arith.constant 0 : i32
      %dma_wait3A_74 = arith.constant 0 : i32
      %dma_wait3A_75 = tpu.memref_slice %arg7[%dma_wait3A_66, %dma_wait3A_73, %dma_wait3A_74] : memref<2x4x8192xf32, #tpu.memory_space<vmem>> -> memref<1x4x8192xf32, #tpu.memory_space<vmem>>
      %dma_wait3A_76 = tpu.memref_squeeze %dma_wait3A_75 : memref<1x4x8192xf32, #tpu.memory_space<vmem>> -> memref<4x8192xf32, #tpu.memory_space<vmem>>
      %dma_wait3A_77 = arith.constant 0 : i32
      %dma_wait3A_78 = tpu.memref_slice %arg2[%add3A_65, %dma_wait3A_77] : memref<4096x8192xf32, #tpu.memory_space<hbm>> -> memref<4x8192xf32, #tpu.memory_space<hbm>>
      tpu.wait_dma2 semaphore(%arg12 : memref<!tpu.dma_semaphore, #tpu.memory_space<semaphore_mem>>) src(%dma_wait3A_78 : memref<4x8192xf32, #tpu.memory_space<hbm>>) dst(%dma_wait3A_76 : memref<4x8192xf32, #tpu.memory_space<vmem>>)
      %ge3A = arith.constant 2 : i32
      %ge3A_79 = arith.cmpi sge, %add3A_58, %ge3A : i32
      %convert_element_type3A_80 = arith.extui %ge3A_79 : i1 to i32
      %cond3A_81 = arith.constant 0 : i32
      %cond3A_82 = arith.cmpi ne, %convert_element_type3A_80, %cond3A_81 : i32
      scf.if %cond3A_82 {
        %sub3A = arith.constant 2 : i32
        %sub3A_208 = arith.subi %add3A_58, %sub3A : i32
        %mul3A_209 = arith.constant 4 : i32
        %mul3A_210 = arith.muli %sub3A_208, %mul3A_209 : i32
        %add3A_211 = arith.addi %mul3A_2, %mul3A_210 : i32
        %dma_wait3A_212 = arith.constant 0 : i32
        %dma_wait3A_213 = arith.constant 0 : i32
        %dma_wait3A_214 = arith.constant 0 : i32
        %dma_wait3A_215 = tpu.memref_slice %arg11[%dma_wait3A_212, %dma_wait3A_213, %dma_wait3A_214] : memref<2x4x2048xf32, #tpu.memory_space<vmem>> -> memref<1x4x2048xf32, #tpu.memory_space<vmem>>
        %dma_wait3A_216 = tpu.memref_squeeze %dma_wait3A_215 : memref<1x4x2048xf32, #tpu.memory_space<vmem>> -> memref<4x2048xf32, #tpu.memory_space<vmem>>
        %dma_wait3A_217 = arith.constant 0 : i32
        %dma_wait3A_218 = tpu.memref_slice %arg6[%add3A_211, %dma_wait3A_217] : memref<512x2048xf32, #tpu.memory_space<hbm>> -> memref<4x2048xf32, #tpu.memory_space<hbm>>
        %dma_wait3A_219 = arith.constant 0 : i32
        %dma_wait3A_220 = tpu.memref_slice %arg6[%add3A_211, %dma_wait3A_219] : memref<512x2048xf32, #tpu.memory_space<hbm>> -> memref<4x2048xf32, #tpu.memory_space<hbm>>
        %dma_wait3A_221 = arith.constant 0 : i32
        %dma_wait3A_222 = arith.constant 0 : i32
        %dma_wait3A_223 = tpu.memref_slice %arg11[%dma_wait3A_212, %dma_wait3A_221, %dma_wait3A_222] : memref<2x4x2048xf32, #tpu.memory_space<vmem>> -> memref<1x4x2048xf32, #tpu.memory_space<vmem>>
        %dma_wait3A_224 = tpu.memref_squeeze %dma_wait3A_223 : memref<1x4x2048xf32, #tpu.memory_space<vmem>> -> memref<4x2048xf32, #tpu.memory_space<vmem>>
        tpu.wait_dma2 semaphore(%arg14 : memref<!tpu.dma_semaphore, #tpu.memory_space<semaphore_mem>>) src(%dma_wait3A_224 : memref<4x2048xf32, #tpu.memory_space<vmem>>) dst(%dma_wait3A_220 : memref<4x2048xf32, #tpu.memory_space<hbm>>)
      } else {
      }
      %mul3A_83 = arith.constant 4 : i32
      %mul3A_84 = arith.muli %add3A_58, %mul3A_83 : i32
      %add3A_85 = arith.constant 0 : i32
      %add3A_86 = arith.addi %mul3A_84, %add3A_85 : i32
      %broadcast_in_dim3A = vector.broadcast %add3A_86 : i32 to vector<16xi32>
      %gather3A = tpu.vector_load_idx %arg8[%broadcast_in_dim3A] : memref<16xi32, #tpu.memory_space<vmem>>[vector<16xi32>], vector<16xi32>,
      %convert_element_type3A_87 = arith.sitofp %gather3A : vector<16xi32> to vector<16xf32>
      %mul3A_88 = arith.constant 4 : i32
      %mul3A_89 = arith.muli %add3A_58, %mul3A_88 : i32
      %add3A_90 = arith.constant 1 : i32
      %add3A_91 = arith.addi %mul3A_89, %add3A_90 : i32
      %broadcast_in_dim3A_92 = vector.broadcast %add3A_91 : i32 to vector<16xi32>
      %gather3A_93 = tpu.vector_load_idx %arg8[%broadcast_in_dim3A_92] : memref<16xi32, #tpu.memory_space<vmem>>[vector<16xi32>], vector<16xi32>,
      %convert_element_type3A_94 = arith.sitofp %gather3A_93 : vector<16xi32> to vector<16xf32>
      %mul3A_95 = arith.constant 4 : i32
      %mul3A_96 = arith.muli %add3A_58, %mul3A_95 : i32
      %add3A_97 = arith.constant 2 : i32
      %add3A_98 = arith.addi %mul3A_96, %add3A_97 : i32
      %broadcast_in_dim3A_99 = vector.broadcast %add3A_98 : i32 to vector<16xi32>
      %gather3A_100 = tpu.vector_load_idx %arg8[%broadcast_in_dim3A_99] : memref<16xi32, #tpu.memory_space<vmem>>[vector<16xi32>], vector<16xi32>,
      %convert_element_type3A_101 = arith.sitofp %gather3A_100 : vector<16xi32> to vector<16xf32>
      %mul3A_102 = arith.constant 4 : i32
      %mul3A_103 = arith.muli %add3A_58, %mul3A_102 : i32
      %add3A_104 = arith.constant 3 : i32
      %add3A_105 = arith.addi %mul3A_103, %add3A_104 : i32
      %broadcast_in_dim3A_106 = vector.broadcast %add3A_105 : i32 to vector<16xi32>
      %gather3A_107 = tpu.vector_load_idx %arg8[%broadcast_in_dim3A_106] : memref<16xi32, #tpu.memory_space<vmem>>[vector<16xi32>], vector<16xi32>,
      %convert_element_type3A_108 = arith.sitofp %gather3A_107 : vector<16xi32> to vector<16xf32>
      %parallel_loop3A = arith.constant 0 : i32
      %parallel_loop3A_109 = arith.constant 128 : i32
      %parallel_loop3A_110 = arith.constant 1 : i32
      %parallel_loop3A_111 = arith.constant 0 : i32
      scf.for %parallel_loop3A_208 = %parallel_loop3A to %parallel_loop3A_109 step %parallel_loop3A_110  : i32 {
        %parallel_loop3A_209 = arith.constant 16 : i32
        %parallel_loop3A_210 = arith.muli %parallel_loop3A_208, %parallel_loop3A_209 : i32
        %parallel_loop3A_211 = arith.constant 4 : i32
        %parallel_loop3A_212 = arith.muli %parallel_loop3A_210, %parallel_loop3A_211 : i32
        %parallel_loop3A_213 = arith.index_cast %parallel_loop3A_210 : i32 to index
        %parallel_loop3A_214 = tpu.vector_load %arg10[%parallel_loop3A_213] {strides = array<i32>} : memref<2048xf32, #tpu.memory_space<vmem>>, vector<16xf32>,
        %parallel_loop3A_215 = arith.constant 0 : i32
        %parallel_loop3A_216 = vector.broadcast %parallel_loop3A_215 : i32 to vector<16xi32>
        %parallel_loop3A_217 = arith.addi %mul3A_5, %parallel_loop3A_216 : vector<16xi32>
        %parallel_loop3A_218 = tpu.memref_slice %arg9[%parallel_loop3A_212] : memref<8192xf32, #tpu.memory_space<vmem>> -> memref<64xf32, #tpu.memory_space<vmem>>
        %parallel_loop3A_219 = tpu.vector_load_idx %parallel_loop3A_218[%parallel_loop3A_217] : memref<64xf32, #tpu.memory_space<vmem>>[vector<16xi32>], vector<16xf32>,
        %parallel_loop3A_220 = arith.constant 1 : i32
        %parallel_loop3A_221 = vector.broadcast %parallel_loop3A_220 : i32 to vector<16xi32>
        %parallel_loop3A_222 = arith.addi %mul3A_5, %parallel_loop3A_221 : vector<16xi32>
        %parallel_loop3A_223 = tpu.memref_slice %arg9[%parallel_loop3A_212] : memref<8192xf32, #tpu.memory_space<vmem>> -> memref<64xf32, #tpu.memory_space<vmem>>
        %parallel_loop3A_224 = tpu.vector_load_idx %parallel_loop3A_223[%parallel_loop3A_222] : memref<64xf32, #tpu.memory_space<vmem>>[vector<16xi32>], vector<16xf32>,
        %parallel_loop3A_225 = arith.constant 2 : i32
        %parallel_loop3A_226 = vector.broadcast %parallel_loop3A_225 : i32 to vector<16xi32>
        %parallel_loop3A_227 = arith.addi %mul3A_5, %parallel_loop3A_226 : vector<16xi32>
        %parallel_loop3A_228 = tpu.memref_slice %arg9[%parallel_loop3A_212] : memref<8192xf32, #tpu.memory_space<vmem>> -> memref<64xf32, #tpu.memory_space<vmem>>
        %parallel_loop3A_229 = tpu.vector_load_idx %parallel_loop3A_228[%parallel_loop3A_227] : memref<64xf32, #tpu.memory_space<vmem>>[vector<16xi32>], vector<16xf32>,
        %parallel_loop3A_230 = arith.constant 3 : i32
        %parallel_loop3A_231 = vector.broadcast %parallel_loop3A_230 : i32 to vector<16xi32>
        %parallel_loop3A_232 = arith.addi %mul3A_5, %parallel_loop3A_231 : vector<16xi32>
        %parallel_loop3A_233 = tpu.memref_slice %arg9[%parallel_loop3A_212] : memref<8192xf32, #tpu.memory_space<vmem>> -> memref<64xf32, #tpu.memory_space<vmem>>
        %parallel_loop3A_234 = tpu.vector_load_idx %parallel_loop3A_233[%parallel_loop3A_232] : memref<64xf32, #tpu.memory_space<vmem>>[vector<16xi32>], vector<16xf32>,
        %parallel_loop3A_235 = arith.mulf %parallel_loop3A_214, %convert_element_type3A_87 : vector<16xf32>
        %parallel_loop3A_236 = arith.constant 0 : i32
        %parallel_loop3A_237 = vector.broadcast %parallel_loop3A_236 : i32 to vector<16xi32>
        %parallel_loop3A_238 = arith.addi %mul3A_5, %parallel_loop3A_237 : vector<16xi32>
        %parallel_loop3A_239 = arith.constant 0 : i32
        %parallel_loop3A_240 = arith.constant 0 : i32
        %parallel_loop3A_241 = tpu.memref_slice %arg7[%parallel_loop3A_239, %parallel_loop3A_240, %parallel_loop3A_212] : memref<2x4x8192xf32, #tpu.memory_space<vmem>> -> memref<1x1x64xf32, #tpu.memory_space<vmem>>
        %parallel_loop3A_242 = tpu.memref_squeeze %parallel_loop3A_241 : memref<1x1x64xf32, #tpu.memory_space<vmem>> -> memref<64xf32, #tpu.memory_space<vmem>>
        %parallel_loop3A_243 = tpu.vector_load_idx %parallel_loop3A_242[%parallel_loop3A_238] : memref<64xf32, #tpu.memory_space<vmem>>[vector<16xi32>], vector<16xf32>,
        %parallel_loop3A_244 = arith.mulf %parallel_loop3A_219, %parallel_loop3A_243 : vector<16xf32>
        %parallel_loop3A_245 = arith.addf %parallel_loop3A_235, %parallel_loop3A_244 : vector<16xf32>
        %parallel_loop3A_246 = arith.constant 1 : i32
        %parallel_loop3A_247 = vector.broadcast %parallel_loop3A_246 : i32 to vector<16xi32>
        %parallel_loop3A_248 = arith.addi %mul3A_5, %parallel_loop3A_247 : vector<16xi32>
        %parallel_loop3A_249 = arith.constant 0 : i32
        %parallel_loop3A_250 = arith.constant 0 : i32
        %parallel_loop3A_251 = tpu.memref_slice %arg7[%parallel_loop3A_249, %parallel_loop3A_250, %parallel_loop3A_212] : memref<2x4x8192xf32, #tpu.memory_space<vmem>> -> memref<1x1x64xf32, #tpu.memory_space<vmem>>
        %parallel_loop3A_252 = tpu.memref_squeeze %parallel_loop3A_251 : memref<1x1x64xf32, #tpu.memory_space<vmem>> -> memref<64xf32, #tpu.memory_space<vmem>>
        %parallel_loop3A_253 = tpu.vector_load_idx %parallel_loop3A_252[%parallel_loop3A_248] : memref<64xf32, #tpu.memory_space<vmem>>[vector<16xi32>], vector<16xf32>,
        %parallel_loop3A_254 = arith.mulf %parallel_loop3A_224, %parallel_loop3A_253 : vector<16xf32>
        %parallel_loop3A_255 = arith.addf %parallel_loop3A_245, %parallel_loop3A_254 : vector<16xf32>
        %parallel_loop3A_256 = arith.constant 2 : i32
        %parallel_loop3A_257 = vector.broadcast %parallel_loop3A_256 : i32 to vector<16xi32>
        %parallel_loop3A_258 = arith.addi %mul3A_5, %parallel_loop3A_257 : vector<16xi32>
        %parallel_loop3A_259 = arith.constant 0 : i32
        %parallel_loop3A_260 = arith.constant 0 : i32
        %parallel_loop3A_261 = tpu.memref_slice %arg7[%parallel_loop3A_259, %parallel_loop3A_260, %parallel_loop3A_212] : memref<2x4x8192xf32, #tpu.memory_space<vmem>> -> memref<1x1x64xf32, #tpu.memory_space<vmem>>
        %parallel_loop3A_262 = tpu.memref_squeeze %parallel_loop3A_261 : memref<1x1x64xf32, #tpu.memory_space<vmem>> -> memref<64xf32, #tpu.memory_space<vmem>>
        %parallel_loop3A_263 = tpu.vector_load_idx %parallel_loop3A_262[%parallel_loop3A_258] : memref<64xf32, #tpu.memory_space<vmem>>[vector<16xi32>], vector<16xf32>,
        %parallel_loop3A_264 = arith.mulf %parallel_loop3A_229, %parallel_loop3A_263 : vector<16xf32>
        %parallel_loop3A_265 = arith.addf %parallel_loop3A_255, %parallel_loop3A_264 : vector<16xf32>
        %parallel_loop3A_266 = arith.constant 3 : i32
        %parallel_loop3A_267 = vector.broadcast %parallel_loop3A_266 : i32 to vector<16xi32>
        %parallel_loop3A_268 = arith.addi %mul3A_5, %parallel_loop3A_267 : vector<16xi32>
        %parallel_loop3A_269 = arith.constant 0 : i32
        %parallel_loop3A_270 = arith.constant 0 : i32
        %parallel_loop3A_271 = tpu.memref_slice %arg7[%parallel_loop3A_269, %parallel_loop3A_270, %parallel_loop3A_212] : memref<2x4x8192xf32, #tpu.memory_space<vmem>> -> memref<1x1x64xf32, #tpu.memory_space<vmem>>
        %parallel_loop3A_272 = tpu.memref_squeeze %parallel_loop3A_271 : memref<1x1x64xf32, #tpu.memory_space<vmem>> -> memref<64xf32, #tpu.memory_space<vmem>>
        %parallel_loop3A_273 = tpu.vector_load_idx %parallel_loop3A_272[%parallel_loop3A_268] : memref<64xf32, #tpu.memory_space<vmem>>[vector<16xi32>], vector<16xf32>,
        %parallel_loop3A_274 = arith.mulf %parallel_loop3A_234, %parallel_loop3A_273 : vector<16xf32>
        %parallel_loop3A_275 = arith.addf %parallel_loop3A_265, %parallel_loop3A_274 : vector<16xf32>
        %parallel_loop3A_276 = arith.constant 0 : i32
        %parallel_loop3A_277 = arith.constant 0 : i32
        %parallel_loop3A_278 = arith.constant 0 : i32
        %parallel_loop3A_279 = tpu.memref_slice %arg11[%parallel_loop3A_111, %parallel_loop3A_277, %parallel_loop3A_278] : memref<2x4x2048xf32, #tpu.memory_space<vmem>> -> memref<1x4x2048xf32, #tpu.memory_space<vmem>>
        %parallel_loop3A_280 = tpu.memref_squeeze %parallel_loop3A_279 : memref<1x4x2048xf32, #tpu.memory_space<vmem>> -> memref<4x2048xf32, #tpu.memory_space<vmem>>
        %parallel_loop3A_281 = arith.index_cast %parallel_loop3A_276 : i32 to index
        %parallel_loop3A_282 = arith.index_cast %parallel_loop3A_210 : i32 to index
        %parallel_loop3A_283 = tpu.vector_load %parallel_loop3A_280[%parallel_loop3A_281, %parallel_loop3A_282] {strides = array<i32>} : memref<4x2048xf32, #tpu.memory_space<vmem>>, vector<16xf32>,
        tpu.vector_store %parallel_loop3A_280[%parallel_loop3A_281, %parallel_loop3A_282], %parallel_loop3A_275 {strides = array<i32>} : memref<4x2048xf32, #tpu.memory_space<vmem>>, vector<16xf32>,
        %parallel_loop3A_284 = arith.mulf %parallel_loop3A_214, %convert_element_type3A_94 : vector<16xf32>
        %parallel_loop3A_285 = arith.constant 0 : i32
        %parallel_loop3A_286 = vector.broadcast %parallel_loop3A_285 : i32 to vector<16xi32>
        %parallel_loop3A_287 = arith.addi %mul3A_5, %parallel_loop3A_286 : vector<16xi32>
        %parallel_loop3A_288 = arith.constant 0 : i32
        %parallel_loop3A_289 = arith.constant 1 : i32
        %parallel_loop3A_290 = tpu.memref_slice %arg7[%parallel_loop3A_288, %parallel_loop3A_289, %parallel_loop3A_212] : memref<2x4x8192xf32, #tpu.memory_space<vmem>> -> memref<1x1x64xf32, #tpu.memory_space<vmem>>
        %parallel_loop3A_291 = tpu.memref_squeeze %parallel_loop3A_290 : memref<1x1x64xf32, #tpu.memory_space<vmem>> -> memref<64xf32, #tpu.memory_space<vmem>>
        %parallel_loop3A_292 = tpu.vector_load_idx %parallel_loop3A_291[%parallel_loop3A_287] : memref<64xf32, #tpu.memory_space<vmem>>[vector<16xi32>], vector<16xf32>,
        %parallel_loop3A_293 = arith.mulf %parallel_loop3A_219, %parallel_loop3A_292 : vector<16xf32>
        %parallel_loop3A_294 = arith.addf %parallel_loop3A_284, %parallel_loop3A_293 : vector<16xf32>
        %parallel_loop3A_295 = arith.constant 1 : i32
        %parallel_loop3A_296 = vector.broadcast %parallel_loop3A_295 : i32 to vector<16xi32>
        %parallel_loop3A_297 = arith.addi %mul3A_5, %parallel_loop3A_296 : vector<16xi32>
        %parallel_loop3A_298 = arith.constant 0 : i32
        %parallel_loop3A_299 = arith.constant 1 : i32
        %parallel_loop3A_300 = tpu.memref_slice %arg7[%parallel_loop3A_298, %parallel_loop3A_299, %parallel_loop3A_212] : memref<2x4x8192xf32, #tpu.memory_space<vmem>> -> memref<1x1x64xf32, #tpu.memory_space<vmem>>
        %parallel_loop3A_301 = tpu.memref_squeeze %parallel_loop3A_300 : memref<1x1x64xf32, #tpu.memory_space<vmem>> -> memref<64xf32, #tpu.memory_space<vmem>>
        %parallel_loop3A_302 = tpu.vector_load_idx %parallel_loop3A_301[%parallel_loop3A_297] : memref<64xf32, #tpu.memory_space<vmem>>[vector<16xi32>], vector<16xf32>,
        %parallel_loop3A_303 = arith.mulf %parallel_loop3A_224, %parallel_loop3A_302 : vector<16xf32>
        %parallel_loop3A_304 = arith.addf %parallel_loop3A_294, %parallel_loop3A_303 : vector<16xf32>
        %parallel_loop3A_305 = arith.constant 2 : i32
        %parallel_loop3A_306 = vector.broadcast %parallel_loop3A_305 : i32 to vector<16xi32>
        %parallel_loop3A_307 = arith.addi %mul3A_5, %parallel_loop3A_306 : vector<16xi32>
        %parallel_loop3A_308 = arith.constant 0 : i32
        %parallel_loop3A_309 = arith.constant 1 : i32
        %parallel_loop3A_310 = tpu.memref_slice %arg7[%parallel_loop3A_308, %parallel_loop3A_309, %parallel_loop3A_212] : memref<2x4x8192xf32, #tpu.memory_space<vmem>> -> memref<1x1x64xf32, #tpu.memory_space<vmem>>
        %parallel_loop3A_311 = tpu.memref_squeeze %parallel_loop3A_310 : memref<1x1x64xf32, #tpu.memory_space<vmem>> -> memref<64xf32, #tpu.memory_space<vmem>>
        %parallel_loop3A_312 = tpu.vector_load_idx %parallel_loop3A_311[%parallel_loop3A_307] : memref<64xf32, #tpu.memory_space<vmem>>[vector<16xi32>], vector<16xf32>,
        %parallel_loop3A_313 = arith.mulf %parallel_loop3A_229, %parallel_loop3A_312 : vector<16xf32>
        %parallel_loop3A_314 = arith.addf %parallel_loop3A_304, %parallel_loop3A_313 : vector<16xf32>
        %parallel_loop3A_315 = arith.constant 3 : i32
        %parallel_loop3A_316 = vector.broadcast %parallel_loop3A_315 : i32 to vector<16xi32>
        %parallel_loop3A_317 = arith.addi %mul3A_5, %parallel_loop3A_316 : vector<16xi32>
        %parallel_loop3A_318 = arith.constant 0 : i32
        %parallel_loop3A_319 = arith.constant 1 : i32
        %parallel_loop3A_320 = tpu.memref_slice %arg7[%parallel_loop3A_318, %parallel_loop3A_319, %parallel_loop3A_212] : memref<2x4x8192xf32, #tpu.memory_space<vmem>> -> memref<1x1x64xf32, #tpu.memory_space<vmem>>
        %parallel_loop3A_321 = tpu.memref_squeeze %parallel_loop3A_320 : memref<1x1x64xf32, #tpu.memory_space<vmem>> -> memref<64xf32, #tpu.memory_space<vmem>>
        %parallel_loop3A_322 = tpu.vector_load_idx %parallel_loop3A_321[%parallel_loop3A_317] : memref<64xf32, #tpu.memory_space<vmem>>[vector<16xi32>], vector<16xf32>,
        %parallel_loop3A_323 = arith.mulf %parallel_loop3A_234, %parallel_loop3A_322 : vector<16xf32>
        %parallel_loop3A_324 = arith.addf %parallel_loop3A_314, %parallel_loop3A_323 : vector<16xf32>
        %parallel_loop3A_325 = arith.constant 1 : i32
        %parallel_loop3A_326 = arith.constant 0 : i32
        %parallel_loop3A_327 = arith.constant 0 : i32
        %parallel_loop3A_328 = tpu.memref_slice %arg11[%parallel_loop3A_111, %parallel_loop3A_326, %parallel_loop3A_327] : memref<2x4x2048xf32, #tpu.memory_space<vmem>> -> memref<1x4x2048xf32, #tpu.memory_space<vmem>>
        %parallel_loop3A_329 = tpu.memref_squeeze %parallel_loop3A_328 : memref<1x4x2048xf32, #tpu.memory_space<vmem>> -> memref<4x2048xf32, #tpu.memory_space<vmem>>
        %parallel_loop3A_330 = arith.index_cast %parallel_loop3A_325 : i32 to index
        %parallel_loop3A_331 = arith.index_cast %parallel_loop3A_210 : i32 to index
        %parallel_loop3A_332 = tpu.vector_load %parallel_loop3A_329[%parallel_loop3A_330, %parallel_loop3A_331] {strides = array<i32>} : memref<4x2048xf32, #tpu.memory_space<vmem>>, vector<16xf32>,
        tpu.vector_store %parallel_loop3A_329[%parallel_loop3A_330, %parallel_loop3A_331], %parallel_loop3A_324 {strides = array<i32>} : memref<4x2048xf32, #tpu.memory_space<vmem>>, vector<16xf32>,
        %parallel_loop3A_333 = arith.mulf %parallel_loop3A_214, %convert_element_type3A_101 : vector<16xf32>
        %parallel_loop3A_334 = arith.constant 0 : i32
        %parallel_loop3A_335 = vector.broadcast %parallel_loop3A_334 : i32 to vector<16xi32>
        %parallel_loop3A_336 = arith.addi %mul3A_5, %parallel_loop3A_335 : vector<16xi32>
        %parallel_loop3A_337 = arith.constant 0 : i32
        %parallel_loop3A_338 = arith.constant 2 : i32
        %parallel_loop3A_339 = tpu.memref_slice %arg7[%parallel_loop3A_337, %parallel_loop3A_338, %parallel_loop3A_212] : memref<2x4x8192xf32, #tpu.memory_space<vmem>> -> memref<1x1x64xf32, #tpu.memory_space<vmem>>
        %parallel_loop3A_340 = tpu.memref_squeeze %parallel_loop3A_339 : memref<1x1x64xf32, #tpu.memory_space<vmem>> -> memref<64xf32, #tpu.memory_space<vmem>>
        %parallel_loop3A_341 = tpu.vector_load_idx %parallel_loop3A_340[%parallel_loop3A_336] : memref<64xf32, #tpu.memory_space<vmem>>[vector<16xi32>], vector<16xf32>,
        %parallel_loop3A_342 = arith.mulf %parallel_loop3A_219, %parallel_loop3A_341 : vector<16xf32>
        %parallel_loop3A_343 = arith.addf %parallel_loop3A_333, %parallel_loop3A_342 : vector<16xf32>
        %parallel_loop3A_344 = arith.constant 1 : i32
        %parallel_loop3A_345 = vector.broadcast %parallel_loop3A_344 : i32 to vector<16xi32>
        %parallel_loop3A_346 = arith.addi %mul3A_5, %parallel_loop3A_345 : vector<16xi32>
        %parallel_loop3A_347 = arith.constant 0 : i32
        %parallel_loop3A_348 = arith.constant 2 : i32
        %parallel_loop3A_349 = tpu.memref_slice %arg7[%parallel_loop3A_347, %parallel_loop3A_348, %parallel_loop3A_212] : memref<2x4x8192xf32, #tpu.memory_space<vmem>> -> memref<1x1x64xf32, #tpu.memory_space<vmem>>
        %parallel_loop3A_350 = tpu.memref_squeeze %parallel_loop3A_349 : memref<1x1x64xf32, #tpu.memory_space<vmem>> -> memref<64xf32, #tpu.memory_space<vmem>>
        %parallel_loop3A_351 = tpu.vector_load_idx %parallel_loop3A_350[%parallel_loop3A_346] : memref<64xf32, #tpu.memory_space<vmem>>[vector<16xi32>], vector<16xf32>,
        %parallel_loop3A_352 = arith.mulf %parallel_loop3A_224, %parallel_loop3A_351 : vector<16xf32>
        %parallel_loop3A_353 = arith.addf %parallel_loop3A_343, %parallel_loop3A_352 : vector<16xf32>
        %parallel_loop3A_354 = arith.constant 2 : i32
        %parallel_loop3A_355 = vector.broadcast %parallel_loop3A_354 : i32 to vector<16xi32>
        %parallel_loop3A_356 = arith.addi %mul3A_5, %parallel_loop3A_355 : vector<16xi32>
        %parallel_loop3A_357 = arith.constant 0 : i32
        %parallel_loop3A_358 = arith.constant 2 : i32
        %parallel_loop3A_359 = tpu.memref_slice %arg7[%parallel_loop3A_357, %parallel_loop3A_358, %parallel_loop3A_212] : memref<2x4x8192xf32, #tpu.memory_space<vmem>> -> memref<1x1x64xf32, #tpu.memory_space<vmem>>
        %parallel_loop3A_360 = tpu.memref_squeeze %parallel_loop3A_359 : memref<1x1x64xf32, #tpu.memory_space<vmem>> -> memref<64xf32, #tpu.memory_space<vmem>>
        %parallel_loop3A_361 = tpu.vector_load_idx %parallel_loop3A_360[%parallel_loop3A_356] : memref<64xf32, #tpu.memory_space<vmem>>[vector<16xi32>], vector<16xf32>,
        %parallel_loop3A_362 = arith.mulf %parallel_loop3A_229, %parallel_loop3A_361 : vector<16xf32>
        %parallel_loop3A_363 = arith.addf %parallel_loop3A_353, %parallel_loop3A_362 : vector<16xf32>
        %parallel_loop3A_364 = arith.constant 3 : i32
        %parallel_loop3A_365 = vector.broadcast %parallel_loop3A_364 : i32 to vector<16xi32>
        %parallel_loop3A_366 = arith.addi %mul3A_5, %parallel_loop3A_365 : vector<16xi32>
        %parallel_loop3A_367 = arith.constant 0 : i32
        %parallel_loop3A_368 = arith.constant 2 : i32
        %parallel_loop3A_369 = tpu.memref_slice %arg7[%parallel_loop3A_367, %parallel_loop3A_368, %parallel_loop3A_212] : memref<2x4x8192xf32, #tpu.memory_space<vmem>> -> memref<1x1x64xf32, #tpu.memory_space<vmem>>
        %parallel_loop3A_370 = tpu.memref_squeeze %parallel_loop3A_369 : memref<1x1x64xf32, #tpu.memory_space<vmem>> -> memref<64xf32, #tpu.memory_space<vmem>>
        %parallel_loop3A_371 = tpu.vector_load_idx %parallel_loop3A_370[%parallel_loop3A_366] : memref<64xf32, #tpu.memory_space<vmem>>[vector<16xi32>], vector<16xf32>,
        %parallel_loop3A_372 = arith.mulf %parallel_loop3A_234, %parallel_loop3A_371 : vector<16xf32>
        %parallel_loop3A_373 = arith.addf %parallel_loop3A_363, %parallel_loop3A_372 : vector<16xf32>
        %parallel_loop3A_374 = arith.constant 2 : i32
        %parallel_loop3A_375 = arith.constant 0 : i32
        %parallel_loop3A_376 = arith.constant 0 : i32
        %parallel_loop3A_377 = tpu.memref_slice %arg11[%parallel_loop3A_111, %parallel_loop3A_375, %parallel_loop3A_376] : memref<2x4x2048xf32, #tpu.memory_space<vmem>> -> memref<1x4x2048xf32, #tpu.memory_space<vmem>>
        %parallel_loop3A_378 = tpu.memref_squeeze %parallel_loop3A_377 : memref<1x4x2048xf32, #tpu.memory_space<vmem>> -> memref<4x2048xf32, #tpu.memory_space<vmem>>
        %parallel_loop3A_379 = arith.index_cast %parallel_loop3A_374 : i32 to index
        %parallel_loop3A_380 = arith.index_cast %parallel_loop3A_210 : i32 to index
        %parallel_loop3A_381 = tpu.vector_load %parallel_loop3A_378[%parallel_loop3A_379, %parallel_loop3A_380] {strides = array<i32>} : memref<4x2048xf32, #tpu.memory_space<vmem>>, vector<16xf32>,
        tpu.vector_store %parallel_loop3A_378[%parallel_loop3A_379, %parallel_loop3A_380], %parallel_loop3A_373 {strides = array<i32>} : memref<4x2048xf32, #tpu.memory_space<vmem>>, vector<16xf32>,
        %parallel_loop3A_382 = arith.mulf %parallel_loop3A_214, %convert_element_type3A_108 : vector<16xf32>
        %parallel_loop3A_383 = arith.constant 0 : i32
        %parallel_loop3A_384 = vector.broadcast %parallel_loop3A_383 : i32 to vector<16xi32>
        %parallel_loop3A_385 = arith.addi %mul3A_5, %parallel_loop3A_384 : vector<16xi32>
        %parallel_loop3A_386 = arith.constant 0 : i32
        %parallel_loop3A_387 = arith.constant 3 : i32
        %parallel_loop3A_388 = tpu.memref_slice %arg7[%parallel_loop3A_386, %parallel_loop3A_387, %parallel_loop3A_212] : memref<2x4x8192xf32, #tpu.memory_space<vmem>> -> memref<1x1x64xf32, #tpu.memory_space<vmem>>
        %parallel_loop3A_389 = tpu.memref_squeeze %parallel_loop3A_388 : memref<1x1x64xf32, #tpu.memory_space<vmem>> -> memref<64xf32, #tpu.memory_space<vmem>>
        %parallel_loop3A_390 = tpu.vector_load_idx %parallel_loop3A_389[%parallel_loop3A_385] : memref<64xf32, #tpu.memory_space<vmem>>[vector<16xi32>], vector<16xf32>,
        %parallel_loop3A_391 = arith.mulf %parallel_loop3A_219, %parallel_loop3A_390 : vector<16xf32>
        %parallel_loop3A_392 = arith.addf %parallel_loop3A_382, %parallel_loop3A_391 : vector<16xf32>
        %parallel_loop3A_393 = arith.constant 1 : i32
        %parallel_loop3A_394 = vector.broadcast %parallel_loop3A_393 : i32 to vector<16xi32>
        %parallel_loop3A_395 = arith.addi %mul3A_5, %parallel_loop3A_394 : vector<16xi32>
        %parallel_loop3A_396 = arith.constant 0 : i32
        %parallel_loop3A_397 = arith.constant 3 : i32
        %parallel_loop3A_398 = tpu.memref_slice %arg7[%parallel_loop3A_396, %parallel_loop3A_397, %parallel_loop3A_212] : memref<2x4x8192xf32, #tpu.memory_space<vmem>> -> memref<1x1x64xf32, #tpu.memory_space<vmem>>
        %parallel_loop3A_399 = tpu.memref_squeeze %parallel_loop3A_398 : memref<1x1x64xf32, #tpu.memory_space<vmem>> -> memref<64xf32, #tpu.memory_space<vmem>>
        %parallel_loop3A_400 = tpu.vector_load_idx %parallel_loop3A_399[%parallel_loop3A_395] : memref<64xf32, #tpu.memory_space<vmem>>[vector<16xi32>], vector<16xf32>,
        %parallel_loop3A_401 = arith.mulf %parallel_loop3A_224, %parallel_loop3A_400 : vector<16xf32>
        %parallel_loop3A_402 = arith.addf %parallel_loop3A_392, %parallel_loop3A_401 : vector<16xf32>
        %parallel_loop3A_403 = arith.constant 2 : i32
        %parallel_loop3A_404 = vector.broadcast %parallel_loop3A_403 : i32 to vector<16xi32>
        %parallel_loop3A_405 = arith.addi %mul3A_5, %parallel_loop3A_404 : vector<16xi32>
        %parallel_loop3A_406 = arith.constant 0 : i32
        %parallel_loop3A_407 = arith.constant 3 : i32
        %parallel_loop3A_408 = tpu.memref_slice %arg7[%parallel_loop3A_406, %parallel_loop3A_407, %parallel_loop3A_212] : memref<2x4x8192xf32, #tpu.memory_space<vmem>> -> memref<1x1x64xf32, #tpu.memory_space<vmem>>
        %parallel_loop3A_409 = tpu.memref_squeeze %parallel_loop3A_408 : memref<1x1x64xf32, #tpu.memory_space<vmem>> -> memref<64xf32, #tpu.memory_space<vmem>>
        %parallel_loop3A_410 = tpu.vector_load_idx %parallel_loop3A_409[%parallel_loop3A_405] : memref<64xf32, #tpu.memory_space<vmem>>[vector<16xi32>], vector<16xf32>,
        %parallel_loop3A_411 = arith.mulf %parallel_loop3A_229, %parallel_loop3A_410 : vector<16xf32>
        %parallel_loop3A_412 = arith.addf %parallel_loop3A_402, %parallel_loop3A_411 : vector<16xf32>
        %parallel_loop3A_413 = arith.constant 3 : i32
        %parallel_loop3A_414 = vector.broadcast %parallel_loop3A_413 : i32 to vector<16xi32>
        %parallel_loop3A_415 = arith.addi %mul3A_5, %parallel_loop3A_414 : vector<16xi32>
        %parallel_loop3A_416 = arith.constant 0 : i32
        %parallel_loop3A_417 = arith.constant 3 : i32
        %parallel_loop3A_418 = tpu.memref_slice %arg7[%parallel_loop3A_416, %parallel_loop3A_417, %parallel_loop3A_212] : memref<2x4x8192xf32, #tpu.memory_space<vmem>> -> memref<1x1x64xf32, #tpu.memory_space<vmem>>
        %parallel_loop3A_419 = tpu.memref_squeeze %parallel_loop3A_418 : memref<1x1x64xf32, #tpu.memory_space<vmem>> -> memref<64xf32, #tpu.memory_space<vmem>>
        %parallel_loop3A_420 = tpu.vector_load_idx %parallel_loop3A_419[%parallel_loop3A_415] : memref<64xf32, #tpu.memory_space<vmem>>[vector<16xi32>], vector<16xf32>,
        %parallel_loop3A_421 = arith.mulf %parallel_loop3A_234, %parallel_loop3A_420 : vector<16xf32>
        %parallel_loop3A_422 = arith.addf %parallel_loop3A_412, %parallel_loop3A_421 : vector<16xf32>
        %parallel_loop3A_423 = arith.constant 3 : i32
        %parallel_loop3A_424 = arith.constant 0 : i32
        %parallel_loop3A_425 = arith.constant 0 : i32
        %parallel_loop3A_426 = tpu.memref_slice %arg11[%parallel_loop3A_111, %parallel_loop3A_424, %parallel_loop3A_425] : memref<2x4x2048xf32, #tpu.memory_space<vmem>> -> memref<1x4x2048xf32, #tpu.memory_space<vmem>>
        %parallel_loop3A_427 = tpu.memref_squeeze %parallel_loop3A_426 : memref<1x4x2048xf32, #tpu.memory_space<vmem>> -> memref<4x2048xf32, #tpu.memory_space<vmem>>
        %parallel_loop3A_428 = arith.index_cast %parallel_loop3A_423 : i32 to index
        %parallel_loop3A_429 = arith.index_cast %parallel_loop3A_210 : i32 to index
        %parallel_loop3A_430 = tpu.vector_load %parallel_loop3A_427[%parallel_loop3A_428, %parallel_loop3A_429] {strides = array<i32>} : memref<4x2048xf32, #tpu.memory_space<vmem>>, vector<16xf32>,
        tpu.vector_store %parallel_loop3A_427[%parallel_loop3A_428, %parallel_loop3A_429], %parallel_loop3A_422 {strides = array<i32>} : memref<4x2048xf32, #tpu.memory_space<vmem>>, vector<16xf32>,
      } {sc.loop_unroll_factor = 4 : i64, sc.parallel_access}
      %mul3A_112 = arith.constant 4 : i32
      %mul3A_113 = arith.muli %add3A_58, %mul3A_112 : i32
      %add3A_114 = arith.addi %mul3A_2, %mul3A_113 : i32
      %dma_start3A_115 = arith.constant 0 : i32
      %dma_start3A_116 = arith.constant 0 : i32
      %dma_start3A_117 = arith.constant 0 : i32
      %dma_start3A_118 = tpu.memref_slice %arg11[%dma_start3A_115, %dma_start3A_116, %dma_start3A_117] : memref<2x4x2048xf32, #tpu.memory_space<vmem>> -> memref<1x4x2048xf32, #tpu.memory_space<vmem>>
      %dma_start3A_119 = tpu.memref_squeeze %dma_start3A_118 : memref<1x4x2048xf32, #tpu.memory_space<vmem>> -> memref<4x2048xf32, #tpu.memory_space<vmem>>
      %dma_start3A_120 = arith.constant 0 : i32
      %dma_start3A_121 = tpu.memref_slice %arg6[%add3A_114, %dma_start3A_120] : memref<512x2048xf32, #tpu.memory_space<hbm>> -> memref<4x2048xf32, #tpu.memory_space<hbm>>
      %dma_start3A_122 = arith.constant 0 : i32
      %dma_start3A_123 = tpu.memref_slice %arg6[%add3A_114, %dma_start3A_122] : memref<512x2048xf32, #tpu.memory_space<hbm>> -> memref<4x2048xf32, #tpu.memory_space<hbm>>
      %dma_start3A_124 = arith.constant 0 : i32
      %dma_start3A_125 = arith.constant 0 : i32
      %dma_start3A_126 = tpu.memref_slice %arg11[%dma_start3A_115, %dma_start3A_124, %dma_start3A_125] : memref<2x4x2048xf32, #tpu.memory_space<vmem>> -> memref<1x4x2048xf32, #tpu.memory_space<vmem>>
      %dma_start3A_127 = tpu.memref_squeeze %dma_start3A_126 : memref<1x4x2048xf32, #tpu.memory_space<vmem>> -> memref<4x2048xf32, #tpu.memory_space<vmem>>
      tpu.enqueue_dma source(%dma_start3A_127 : memref<4x2048xf32, #tpu.memory_space<vmem>>) target(%dma_start3A_123 : memref<4x2048xf32, #tpu.memory_space<hbm>>) target_semaphore(%arg14 : memref<!tpu.dma_semaphore, #tpu.memory_space<semaphore_mem>>)
      %mul3A_128 = arith.constant 2 : i32
      %mul3A_129 = arith.muli %mul3A_128, %scan3A_54 : i32
      %add3A_130 = arith.constant 1 : i32
      %add3A_131 = arith.addi %mul3A_129, %add3A_130 : i32
      %add3A_132 = arith.constant 1 : i32
      %add3A_133 = arith.addi %add3A_131, %add3A_132 : i32
      %lt3A_134 = arith.constant 4 : i32
      %lt3A_135 = arith.cmpi slt, %add3A_133, %lt3A_134 : i32
      %convert_element_type3A_136 = arith.extui %lt3A_135 : i1 to i32
      %cond3A_137 = arith.constant 0 : i32
      %cond3A_138 = arith.cmpi ne, %convert_element_type3A_136, %cond3A_137 : i32
      scf.if %cond3A_138 {
        %add3A_208 = arith.constant 1 : i32
        %add3A_209 = arith.addi %add3A_131, %add3A_208 : i32
        %mul3A_210 = arith.constant 4 : i32
        %mul3A_211 = arith.muli %add3A_209, %mul3A_210 : i32
        %add3A_212 = arith.addi %mul3A_2, %mul3A_211 : i32
        %dma_start3A_213 = arith.constant 0 : i32
        %dma_start3A_214 = arith.constant 0 : i32
        %dma_start3A_215 = arith.constant 0 : i32
        %dma_start3A_216 = tpu.memref_slice %arg7[%dma_start3A_213, %dma_start3A_214, %dma_start3A_215] : memref<2x4x8192xf32, #tpu.memory_space<vmem>> -> memref<1x4x8192xf32, #tpu.memory_space<vmem>>
        %dma_start3A_217 = tpu.memref_squeeze %dma_start3A_216 : memref<1x4x8192xf32, #tpu.memory_space<vmem>> -> memref<4x8192xf32, #tpu.memory_space<vmem>>
        %dma_start3A_218 = arith.constant 0 : i32
        %dma_start3A_219 = tpu.memref_slice %arg2[%add3A_212, %dma_start3A_218] : memref<4096x8192xf32, #tpu.memory_space<hbm>> -> memref<4x8192xf32, #tpu.memory_space<hbm>>
        %dma_start3A_220 = arith.constant 0 : i32
        %dma_start3A_221 = arith.constant 0 : i32
        %dma_start3A_222 = tpu.memref_slice %arg7[%dma_start3A_213, %dma_start3A_220, %dma_start3A_221] : memref<2x4x8192xf32, #tpu.memory_space<vmem>> -> memref<1x4x8192xf32, #tpu.memory_space<vmem>>
        %dma_start3A_223 = tpu.memref_squeeze %dma_start3A_222 : memref<1x4x8192xf32, #tpu.memory_space<vmem>> -> memref<4x8192xf32, #tpu.memory_space<vmem>>
        %dma_start3A_224 = arith.constant 0 : i32
        %dma_start3A_225 = tpu.memref_slice %arg2[%add3A_212, %dma_start3A_224] : memref<4096x8192xf32, #tpu.memory_space<hbm>> -> memref<4x8192xf32, #tpu.memory_space<hbm>>
        tpu.enqueue_dma source(%dma_start3A_225 : memref<4x8192xf32, #tpu.memory_space<hbm>>) target(%dma_start3A_223 : memref<4x8192xf32, #tpu.memory_space<vmem>>) target_semaphore(%arg12 : memref<!tpu.dma_semaphore, #tpu.memory_space<semaphore_mem>>)
      } else {
      }
      %mul3A_139 = arith.constant 4 : i32
      %mul3A_140 = arith.muli %add3A_131, %mul3A_139 : i32
      %add3A_141 = arith.addi %mul3A_2, %mul3A_140 : i32
      %dma_wait3A_142 = arith.constant 1 : i32
      %dma_wait3A_143 = arith.constant 0 : i32
      %dma_wait3A_144 = arith.constant 0 : i32
      %dma_wait3A_145 = tpu.memref_slice %arg7[%dma_wait3A_142, %dma_wait3A_143, %dma_wait3A_144] : memref<2x4x8192xf32, #tpu.memory_space<vmem>> -> memref<1x4x8192xf32, #tpu.memory_space<vmem>>
      %dma_wait3A_146 = tpu.memref_squeeze %dma_wait3A_145 : memref<1x4x8192xf32, #tpu.memory_space<vmem>> -> memref<4x8192xf32, #tpu.memory_space<vmem>>
      %dma_wait3A_147 = arith.constant 0 : i32
      %dma_wait3A_148 = tpu.memref_slice %arg2[%add3A_141, %dma_wait3A_147] : memref<4096x8192xf32, #tpu.memory_space<hbm>> -> memref<4x8192xf32, #tpu.memory_space<hbm>>
      %dma_wait3A_149 = arith.constant 0 : i32
      %dma_wait3A_150 = arith.constant 0 : i32
      %dma_wait3A_151 = tpu.memref_slice %arg7[%dma_wait3A_142, %dma_wait3A_149, %dma_wait3A_150] : memref<2x4x8192xf32, #tpu.memory_space<vmem>> -> memref<1x4x8192xf32, #tpu.memory_space<vmem>>
      %dma_wait3A_152 = tpu.memref_squeeze %dma_wait3A_151 : memref<1x4x8192xf32, #tpu.memory_space<vmem>> -> memref<4x8192xf32, #tpu.memory_space<vmem>>
      %dma_wait3A_153 = arith.constant 0 : i32
      %dma_wait3A_154 = tpu.memref_slice %arg2[%add3A_141, %dma_wait3A_153] : memref<4096x8192xf32, #tpu.memory_space<hbm>> -> memref<4x8192xf32, #tpu.memory_space<hbm>>
      tpu.wait_dma2 semaphore(%arg13 : memref<!tpu.dma_semaphore, #tpu.memory_space<semaphore_mem>>) src(%dma_wait3A_154 : memref<4x8192xf32, #tpu.memory_space<hbm>>) dst(%dma_wait3A_152 : memref<4x8192xf32, #tpu.memory_space<vmem>>)
      %ge3A_155 = arith.constant 2 : i32
      %ge3A_156 = arith.cmpi sge, %add3A_131, %ge3A_155 : i32
      %convert_element_type3A_157 = arith.extui %ge3A_156 : i1 to i32
      %cond3A_158 = arith.constant 0 : i32
      %cond3A_159 = arith.cmpi ne, %convert_element_type3A_157, %cond3A_158 : i32
      scf.if %cond3A_159 {
        %sub3A = arith.constant 2 : i32
        %sub3A_208 = arith.subi %add3A_131, %sub3A : i32
        %mul3A_209 = arith.constant 4 : i32
        %mul3A_210 = arith.muli %sub3A_208, %mul3A_209 : i32
        %add3A_211 = arith.addi %mul3A_2, %mul3A_210 : i32
        %dma_wait3A_212 = arith.constant 1 : i32
        %dma_wait3A_213 = arith.constant 0 : i32
        %dma_wait3A_214 = arith.constant 0 : i32
        %dma_wait3A_215 = tpu.memref_slice %arg11[%dma_wait3A_212, %dma_wait3A_213, %dma_wait3A_214] : memref<2x4x2048xf32, #tpu.memory_space<vmem>> -> memref<1x4x2048xf32, #tpu.memory_space<vmem>>
        %dma_wait3A_216 = tpu.memref_squeeze %dma_wait3A_215 : memref<1x4x2048xf32, #tpu.memory_space<vmem>> -> memref<4x2048xf32, #tpu.memory_space<vmem>>
        %dma_wait3A_217 = arith.constant 0 : i32
        %dma_wait3A_218 = tpu.memref_slice %arg6[%add3A_211, %dma_wait3A_217] : memref<512x2048xf32, #tpu.memory_space<hbm>> -> memref<4x2048xf32, #tpu.memory_space<hbm>>
        %dma_wait3A_219 = arith.constant 0 : i32
        %dma_wait3A_220 = tpu.memref_slice %arg6[%add3A_211, %dma_wait3A_219] : memref<512x2048xf32, #tpu.memory_space<hbm>> -> memref<4x2048xf32, #tpu.memory_space<hbm>>
        %dma_wait3A_221 = arith.constant 0 : i32
        %dma_wait3A_222 = arith.constant 0 : i32
        %dma_wait3A_223 = tpu.memref_slice %arg11[%dma_wait3A_212, %dma_wait3A_221, %dma_wait3A_222] : memref<2x4x2048xf32, #tpu.memory_space<vmem>> -> memref<1x4x2048xf32, #tpu.memory_space<vmem>>
        %dma_wait3A_224 = tpu.memref_squeeze %dma_wait3A_223 : memref<1x4x2048xf32, #tpu.memory_space<vmem>> -> memref<4x2048xf32, #tpu.memory_space<vmem>>
        tpu.wait_dma2 semaphore(%arg15 : memref<!tpu.dma_semaphore, #tpu.memory_space<semaphore_mem>>) src(%dma_wait3A_224 : memref<4x2048xf32, #tpu.memory_space<vmem>>) dst(%dma_wait3A_220 : memref<4x2048xf32, #tpu.memory_space<hbm>>)
      } else {
      }
      %mul3A_160 = arith.constant 4 : i32
      %mul3A_161 = arith.muli %add3A_131, %mul3A_160 : i32
      %add3A_162 = arith.constant 0 : i32
      %add3A_163 = arith.addi %mul3A_161, %add3A_162 : i32
      %broadcast_in_dim3A_164 = vector.broadcast %add3A_163 : i32 to vector<16xi32>
      %gather3A_165 = tpu.vector_load_idx %arg8[%broadcast_in_dim3A_164] : memref<16xi32, #tpu.memory_space<vmem>>[vector<16xi32>], vector<16xi32>,
      %convert_element_type3A_166 = arith.sitofp %gather3A_165 : vector<16xi32> to vector<16xf32>
      %mul3A_167 = arith.constant 4 : i32
      %mul3A_168 = arith.muli %add3A_131, %mul3A_167 : i32
      %add3A_169 = arith.constant 1 : i32
      %add3A_170 = arith.addi %mul3A_168, %add3A_169 : i32
      %broadcast_in_dim3A_171 = vector.broadcast %add3A_170 : i32 to vector<16xi32>
      %gather3A_172 = tpu.vector_load_idx %arg8[%broadcast_in_dim3A_171] : memref<16xi32, #tpu.memory_space<vmem>>[vector<16xi32>], vector<16xi32>,
      %convert_element_type3A_173 = arith.sitofp %gather3A_172 : vector<16xi32> to vector<16xf32>
      %mul3A_174 = arith.constant 4 : i32
      %mul3A_175 = arith.muli %add3A_131, %mul3A_174 : i32
      %add3A_176 = arith.constant 2 : i32
      %add3A_177 = arith.addi %mul3A_175, %add3A_176 : i32
      %broadcast_in_dim3A_178 = vector.broadcast %add3A_177 : i32 to vector<16xi32>
      %gather3A_179 = tpu.vector_load_idx %arg8[%broadcast_in_dim3A_178] : memref<16xi32, #tpu.memory_space<vmem>>[vector<16xi32>], vector<16xi32>,
      %convert_element_type3A_180 = arith.sitofp %gather3A_179 : vector<16xi32> to vector<16xf32>
      %mul3A_181 = arith.constant 4 : i32
      %mul3A_182 = arith.muli %add3A_131, %mul3A_181 : i32
      %add3A_183 = arith.constant 3 : i32
      %add3A_184 = arith.addi %mul3A_182, %add3A_183 : i32
      %broadcast_in_dim3A_185 = vector.broadcast %add3A_184 : i32 to vector<16xi32>
      %gather3A_186 = tpu.vector_load_idx %arg8[%broadcast_in_dim3A_185] : memref<16xi32, #tpu.memory_space<vmem>>[vector<16xi32>], vector<16xi32>,
      %convert_element_type3A_187 = arith.sitofp %gather3A_186 : vector<16xi32> to vector<16xf32>
      %parallel_loop3A_188 = arith.constant 0 : i32
      %parallel_loop3A_189 = arith.constant 128 : i32
      %parallel_loop3A_190 = arith.constant 1 : i32
      %parallel_loop3A_191 = arith.constant 1 : i32
      scf.for %parallel_loop3A_208 = %parallel_loop3A_188 to %parallel_loop3A_189 step %parallel_loop3A_190  : i32 {
        %parallel_loop3A_209 = arith.constant 16 : i32
        %parallel_loop3A_210 = arith.muli %parallel_loop3A_208, %parallel_loop3A_209 : i32
        %parallel_loop3A_211 = arith.constant 4 : i32
        %parallel_loop3A_212 = arith.muli %parallel_loop3A_210, %parallel_loop3A_211 : i32
        %parallel_loop3A_213 = arith.index_cast %parallel_loop3A_210 : i32 to index
        %parallel_loop3A_214 = tpu.vector_load %arg10[%parallel_loop3A_213] {strides = array<i32>} : memref<2048xf32, #tpu.memory_space<vmem>>, vector<16xf32>,
        %parallel_loop3A_215 = arith.constant 0 : i32
        %parallel_loop3A_216 = vector.broadcast %parallel_loop3A_215 : i32 to vector<16xi32>
        %parallel_loop3A_217 = arith.addi %mul3A_5, %parallel_loop3A_216 : vector<16xi32>
        %parallel_loop3A_218 = tpu.memref_slice %arg9[%parallel_loop3A_212] : memref<8192xf32, #tpu.memory_space<vmem>> -> memref<64xf32, #tpu.memory_space<vmem>>
        %parallel_loop3A_219 = tpu.vector_load_idx %parallel_loop3A_218[%parallel_loop3A_217] : memref<64xf32, #tpu.memory_space<vmem>>[vector<16xi32>], vector<16xf32>,
        %parallel_loop3A_220 = arith.constant 1 : i32
        %parallel_loop3A_221 = vector.broadcast %parallel_loop3A_220 : i32 to vector<16xi32>
        %parallel_loop3A_222 = arith.addi %mul3A_5, %parallel_loop3A_221 : vector<16xi32>
        %parallel_loop3A_223 = tpu.memref_slice %arg9[%parallel_loop3A_212] : memref<8192xf32, #tpu.memory_space<vmem>> -> memref<64xf32, #tpu.memory_space<vmem>>
        %parallel_loop3A_224 = tpu.vector_load_idx %parallel_loop3A_223[%parallel_loop3A_222] : memref<64xf32, #tpu.memory_space<vmem>>[vector<16xi32>], vector<16xf32>,
        %parallel_loop3A_225 = arith.constant 2 : i32
        %parallel_loop3A_226 = vector.broadcast %parallel_loop3A_225 : i32 to vector<16xi32>
        %parallel_loop3A_227 = arith.addi %mul3A_5, %parallel_loop3A_226 : vector<16xi32>
        %parallel_loop3A_228 = tpu.memref_slice %arg9[%parallel_loop3A_212] : memref<8192xf32, #tpu.memory_space<vmem>> -> memref<64xf32, #tpu.memory_space<vmem>>
        %parallel_loop3A_229 = tpu.vector_load_idx %parallel_loop3A_228[%parallel_loop3A_227] : memref<64xf32, #tpu.memory_space<vmem>>[vector<16xi32>], vector<16xf32>,
        %parallel_loop3A_230 = arith.constant 3 : i32
        %parallel_loop3A_231 = vector.broadcast %parallel_loop3A_230 : i32 to vector<16xi32>
        %parallel_loop3A_232 = arith.addi %mul3A_5, %parallel_loop3A_231 : vector<16xi32>
        %parallel_loop3A_233 = tpu.memref_slice %arg9[%parallel_loop3A_212] : memref<8192xf32, #tpu.memory_space<vmem>> -> memref<64xf32, #tpu.memory_space<vmem>>
        %parallel_loop3A_234 = tpu.vector_load_idx %parallel_loop3A_233[%parallel_loop3A_232] : memref<64xf32, #tpu.memory_space<vmem>>[vector<16xi32>], vector<16xf32>,
        %parallel_loop3A_235 = arith.mulf %parallel_loop3A_214, %convert_element_type3A_166 : vector<16xf32>
        %parallel_loop3A_236 = arith.constant 0 : i32
        %parallel_loop3A_237 = vector.broadcast %parallel_loop3A_236 : i32 to vector<16xi32>
        %parallel_loop3A_238 = arith.addi %mul3A_5, %parallel_loop3A_237 : vector<16xi32>
        %parallel_loop3A_239 = arith.constant 1 : i32
        %parallel_loop3A_240 = arith.constant 0 : i32
        %parallel_loop3A_241 = tpu.memref_slice %arg7[%parallel_loop3A_239, %parallel_loop3A_240, %parallel_loop3A_212] : memref<2x4x8192xf32, #tpu.memory_space<vmem>> -> memref<1x1x64xf32, #tpu.memory_space<vmem>>
        %parallel_loop3A_242 = tpu.memref_squeeze %parallel_loop3A_241 : memref<1x1x64xf32, #tpu.memory_space<vmem>> -> memref<64xf32, #tpu.memory_space<vmem>>
        %parallel_loop3A_243 = tpu.vector_load_idx %parallel_loop3A_242[%parallel_loop3A_238] : memref<64xf32, #tpu.memory_space<vmem>>[vector<16xi32>], vector<16xf32>,
        %parallel_loop3A_244 = arith.mulf %parallel_loop3A_219, %parallel_loop3A_243 : vector<16xf32>
        %parallel_loop3A_245 = arith.addf %parallel_loop3A_235, %parallel_loop3A_244 : vector<16xf32>
        %parallel_loop3A_246 = arith.constant 1 : i32
        %parallel_loop3A_247 = vector.broadcast %parallel_loop3A_246 : i32 to vector<16xi32>
        %parallel_loop3A_248 = arith.addi %mul3A_5, %parallel_loop3A_247 : vector<16xi32>
        %parallel_loop3A_249 = arith.constant 1 : i32
        %parallel_loop3A_250 = arith.constant 0 : i32
        %parallel_loop3A_251 = tpu.memref_slice %arg7[%parallel_loop3A_249, %parallel_loop3A_250, %parallel_loop3A_212] : memref<2x4x8192xf32, #tpu.memory_space<vmem>> -> memref<1x1x64xf32, #tpu.memory_space<vmem>>
        %parallel_loop3A_252 = tpu.memref_squeeze %parallel_loop3A_251 : memref<1x1x64xf32, #tpu.memory_space<vmem>> -> memref<64xf32, #tpu.memory_space<vmem>>
        %parallel_loop3A_253 = tpu.vector_load_idx %parallel_loop3A_252[%parallel_loop3A_248] : memref<64xf32, #tpu.memory_space<vmem>>[vector<16xi32>], vector<16xf32>,
        %parallel_loop3A_254 = arith.mulf %parallel_loop3A_224, %parallel_loop3A_253 : vector<16xf32>
        %parallel_loop3A_255 = arith.addf %parallel_loop3A_245, %parallel_loop3A_254 : vector<16xf32>
        %parallel_loop3A_256 = arith.constant 2 : i32
        %parallel_loop3A_257 = vector.broadcast %parallel_loop3A_256 : i32 to vector<16xi32>
        %parallel_loop3A_258 = arith.addi %mul3A_5, %parallel_loop3A_257 : vector<16xi32>
        %parallel_loop3A_259 = arith.constant 1 : i32
        %parallel_loop3A_260 = arith.constant 0 : i32
        %parallel_loop3A_261 = tpu.memref_slice %arg7[%parallel_loop3A_259, %parallel_loop3A_260, %parallel_loop3A_212] : memref<2x4x8192xf32, #tpu.memory_space<vmem>> -> memref<1x1x64xf32, #tpu.memory_space<vmem>>
        %parallel_loop3A_262 = tpu.memref_squeeze %parallel_loop3A_261 : memref<1x1x64xf32, #tpu.memory_space<vmem>> -> memref<64xf32, #tpu.memory_space<vmem>>
        %parallel_loop3A_263 = tpu.vector_load_idx %parallel_loop3A_262[%parallel_loop3A_258] : memref<64xf32, #tpu.memory_space<vmem>>[vector<16xi32>], vector<16xf32>,
        %parallel_loop3A_264 = arith.mulf %parallel_loop3A_229, %parallel_loop3A_263 : vector<16xf32>
        %parallel_loop3A_265 = arith.addf %parallel_loop3A_255, %parallel_loop3A_264 : vector<16xf32>
        %parallel_loop3A_266 = arith.constant 3 : i32
        %parallel_loop3A_267 = vector.broadcast %parallel_loop3A_266 : i32 to vector<16xi32>
        %parallel_loop3A_268 = arith.addi %mul3A_5, %parallel_loop3A_267 : vector<16xi32>
        %parallel_loop3A_269 = arith.constant 1 : i32
        %parallel_loop3A_270 = arith.constant 0 : i32
        %parallel_loop3A_271 = tpu.memref_slice %arg7[%parallel_loop3A_269, %parallel_loop3A_270, %parallel_loop3A_212] : memref<2x4x8192xf32, #tpu.memory_space<vmem>> -> memref<1x1x64xf32, #tpu.memory_space<vmem>>
        %parallel_loop3A_272 = tpu.memref_squeeze %parallel_loop3A_271 : memref<1x1x64xf32, #tpu.memory_space<vmem>> -> memref<64xf32, #tpu.memory_space<vmem>>
        %parallel_loop3A_273 = tpu.vector_load_idx %parallel_loop3A_272[%parallel_loop3A_268] : memref<64xf32, #tpu.memory_space<vmem>>[vector<16xi32>], vector<16xf32>,
        %parallel_loop3A_274 = arith.mulf %parallel_loop3A_234, %parallel_loop3A_273 : vector<16xf32>
        %parallel_loop3A_275 = arith.addf %parallel_loop3A_265, %parallel_loop3A_274 : vector<16xf32>
        %parallel_loop3A_276 = arith.constant 0 : i32
        %parallel_loop3A_277 = arith.constant 0 : i32
        %parallel_loop3A_278 = arith.constant 0 : i32
        %parallel_loop3A_279 = tpu.memref_slice %arg11[%parallel_loop3A_191, %parallel_loop3A_277, %parallel_loop3A_278] : memref<2x4x2048xf32, #tpu.memory_space<vmem>> -> memref<1x4x2048xf32, #tpu.memory_space<vmem>>
        %parallel_loop3A_280 = tpu.memref_squeeze %parallel_loop3A_279 : memref<1x4x2048xf32, #tpu.memory_space<vmem>> -> memref<4x2048xf32, #tpu.memory_space<vmem>>
        %parallel_loop3A_281 = arith.index_cast %parallel_loop3A_276 : i32 to index
        %parallel_loop3A_282 = arith.index_cast %parallel_loop3A_210 : i32 to index
        %parallel_loop3A_283 = tpu.vector_load %parallel_loop3A_280[%parallel_loop3A_281, %parallel_loop3A_282] {strides = array<i32>} : memref<4x2048xf32, #tpu.memory_space<vmem>>, vector<16xf32>,
        tpu.vector_store %parallel_loop3A_280[%parallel_loop3A_281, %parallel_loop3A_282], %parallel_loop3A_275 {strides = array<i32>} : memref<4x2048xf32, #tpu.memory_space<vmem>>, vector<16xf32>,
        %parallel_loop3A_284 = arith.mulf %parallel_loop3A_214, %convert_element_type3A_173 : vector<16xf32>
        %parallel_loop3A_285 = arith.constant 0 : i32
        %parallel_loop3A_286 = vector.broadcast %parallel_loop3A_285 : i32 to vector<16xi32>
        %parallel_loop3A_287 = arith.addi %mul3A_5, %parallel_loop3A_286 : vector<16xi32>
        %parallel_loop3A_288 = arith.constant 1 : i32
        %parallel_loop3A_289 = arith.constant 1 : i32
        %parallel_loop3A_290 = tpu.memref_slice %arg7[%parallel_loop3A_288, %parallel_loop3A_289, %parallel_loop3A_212] : memref<2x4x8192xf32, #tpu.memory_space<vmem>> -> memref<1x1x64xf32, #tpu.memory_space<vmem>>
        %parallel_loop3A_291 = tpu.memref_squeeze %parallel_loop3A_290 : memref<1x1x64xf32, #tpu.memory_space<vmem>> -> memref<64xf32, #tpu.memory_space<vmem>>
        %parallel_loop3A_292 = tpu.vector_load_idx %parallel_loop3A_291[%parallel_loop3A_287] : memref<64xf32, #tpu.memory_space<vmem>>[vector<16xi32>], vector<16xf32>,
        %parallel_loop3A_293 = arith.mulf %parallel_loop3A_219, %parallel_loop3A_292 : vector<16xf32>
        %parallel_loop3A_294 = arith.addf %parallel_loop3A_284, %parallel_loop3A_293 : vector<16xf32>
        %parallel_loop3A_295 = arith.constant 1 : i32
        %parallel_loop3A_296 = vector.broadcast %parallel_loop3A_295 : i32 to vector<16xi32>
        %parallel_loop3A_297 = arith.addi %mul3A_5, %parallel_loop3A_296 : vector<16xi32>
        %parallel_loop3A_298 = arith.constant 1 : i32
        %parallel_loop3A_299 = arith.constant 1 : i32
        %parallel_loop3A_300 = tpu.memref_slice %arg7[%parallel_loop3A_298, %parallel_loop3A_299, %parallel_loop3A_212] : memref<2x4x8192xf32, #tpu.memory_space<vmem>> -> memref<1x1x64xf32, #tpu.memory_space<vmem>>
        %parallel_loop3A_301 = tpu.memref_squeeze %parallel_loop3A_300 : memref<1x1x64xf32, #tpu.memory_space<vmem>> -> memref<64xf32, #tpu.memory_space<vmem>>
        %parallel_loop3A_302 = tpu.vector_load_idx %parallel_loop3A_301[%parallel_loop3A_297] : memref<64xf32, #tpu.memory_space<vmem>>[vector<16xi32>], vector<16xf32>,
        %parallel_loop3A_303 = arith.mulf %parallel_loop3A_224, %parallel_loop3A_302 : vector<16xf32>
        %parallel_loop3A_304 = arith.addf %parallel_loop3A_294, %parallel_loop3A_303 : vector<16xf32>
        %parallel_loop3A_305 = arith.constant 2 : i32
        %parallel_loop3A_306 = vector.broadcast %parallel_loop3A_305 : i32 to vector<16xi32>
        %parallel_loop3A_307 = arith.addi %mul3A_5, %parallel_loop3A_306 : vector<16xi32>
        %parallel_loop3A_308 = arith.constant 1 : i32
        %parallel_loop3A_309 = arith.constant 1 : i32
        %parallel_loop3A_310 = tpu.memref_slice %arg7[%parallel_loop3A_308, %parallel_loop3A_309, %parallel_loop3A_212] : memref<2x4x8192xf32, #tpu.memory_space<vmem>> -> memref<1x1x64xf32, #tpu.memory_space<vmem>>
        %parallel_loop3A_311 = tpu.memref_squeeze %parallel_loop3A_310 : memref<1x1x64xf32, #tpu.memory_space<vmem>> -> memref<64xf32, #tpu.memory_space<vmem>>
        %parallel_loop3A_312 = tpu.vector_load_idx %parallel_loop3A_311[%parallel_loop3A_307] : memref<64xf32, #tpu.memory_space<vmem>>[vector<16xi32>], vector<16xf32>,
        %parallel_loop3A_313 = arith.mulf %parallel_loop3A_229, %parallel_loop3A_312 : vector<16xf32>
        %parallel_loop3A_314 = arith.addf %parallel_loop3A_304, %parallel_loop3A_313 : vector<16xf32>
        %parallel_loop3A_315 = arith.constant 3 : i32
        %parallel_loop3A_316 = vector.broadcast %parallel_loop3A_315 : i32 to vector<16xi32>
        %parallel_loop3A_317 = arith.addi %mul3A_5, %parallel_loop3A_316 : vector<16xi32>
        %parallel_loop3A_318 = arith.constant 1 : i32
        %parallel_loop3A_319 = arith.constant 1 : i32
        %parallel_loop3A_320 = tpu.memref_slice %arg7[%parallel_loop3A_318, %parallel_loop3A_319, %parallel_loop3A_212] : memref<2x4x8192xf32, #tpu.memory_space<vmem>> -> memref<1x1x64xf32, #tpu.memory_space<vmem>>
        %parallel_loop3A_321 = tpu.memref_squeeze %parallel_loop3A_320 : memref<1x1x64xf32, #tpu.memory_space<vmem>> -> memref<64xf32, #tpu.memory_space<vmem>>
        %parallel_loop3A_322 = tpu.vector_load_idx %parallel_loop3A_321[%parallel_loop3A_317] : memref<64xf32, #tpu.memory_space<vmem>>[vector<16xi32>], vector<16xf32>,
        %parallel_loop3A_323 = arith.mulf %parallel_loop3A_234, %parallel_loop3A_322 : vector<16xf32>
        %parallel_loop3A_324 = arith.addf %parallel_loop3A_314, %parallel_loop3A_323 : vector<16xf32>
        %parallel_loop3A_325 = arith.constant 1 : i32
        %parallel_loop3A_326 = arith.constant 0 : i32
        %parallel_loop3A_327 = arith.constant 0 : i32
        %parallel_loop3A_328 = tpu.memref_slice %arg11[%parallel_loop3A_191, %parallel_loop3A_326, %parallel_loop3A_327] : memref<2x4x2048xf32, #tpu.memory_space<vmem>> -> memref<1x4x2048xf32, #tpu.memory_space<vmem>>
        %parallel_loop3A_329 = tpu.memref_squeeze %parallel_loop3A_328 : memref<1x4x2048xf32, #tpu.memory_space<vmem>> -> memref<4x2048xf32, #tpu.memory_space<vmem>>
        %parallel_loop3A_330 = arith.index_cast %parallel_loop3A_325 : i32 to index
        %parallel_loop3A_331 = arith.index_cast %parallel_loop3A_210 : i32 to index
        %parallel_loop3A_332 = tpu.vector_load %parallel_loop3A_329[%parallel_loop3A_330, %parallel_loop3A_331] {strides = array<i32>} : memref<4x2048xf32, #tpu.memory_space<vmem>>, vector<16xf32>,
        tpu.vector_store %parallel_loop3A_329[%parallel_loop3A_330, %parallel_loop3A_331], %parallel_loop3A_324 {strides = array<i32>} : memref<4x2048xf32, #tpu.memory_space<vmem>>, vector<16xf32>,
        %parallel_loop3A_333 = arith.mulf %parallel_loop3A_214, %convert_element_type3A_180 : vector<16xf32>
        %parallel_loop3A_334 = arith.constant 0 : i32
        %parallel_loop3A_335 = vector.broadcast %parallel_loop3A_334 : i32 to vector<16xi32>
        %parallel_loop3A_336 = arith.addi %mul3A_5, %parallel_loop3A_335 : vector<16xi32>
        %parallel_loop3A_337 = arith.constant 1 : i32
        %parallel_loop3A_338 = arith.constant 2 : i32
        %parallel_loop3A_339 = tpu.memref_slice %arg7[%parallel_loop3A_337, %parallel_loop3A_338, %parallel_loop3A_212] : memref<2x4x8192xf32, #tpu.memory_space<vmem>> -> memref<1x1x64xf32, #tpu.memory_space<vmem>>
        %parallel_loop3A_340 = tpu.memref_squeeze %parallel_loop3A_339 : memref<1x1x64xf32, #tpu.memory_space<vmem>> -> memref<64xf32, #tpu.memory_space<vmem>>
        %parallel_loop3A_341 = tpu.vector_load_idx %parallel_loop3A_340[%parallel_loop3A_336] : memref<64xf32, #tpu.memory_space<vmem>>[vector<16xi32>], vector<16xf32>,
        %parallel_loop3A_342 = arith.mulf %parallel_loop3A_219, %parallel_loop3A_341 : vector<16xf32>
        %parallel_loop3A_343 = arith.addf %parallel_loop3A_333, %parallel_loop3A_342 : vector<16xf32>
        %parallel_loop3A_344 = arith.constant 1 : i32
        %parallel_loop3A_345 = vector.broadcast %parallel_loop3A_344 : i32 to vector<16xi32>
        %parallel_loop3A_346 = arith.addi %mul3A_5, %parallel_loop3A_345 : vector<16xi32>
        %parallel_loop3A_347 = arith.constant 1 : i32
        %parallel_loop3A_348 = arith.constant 2 : i32
        %parallel_loop3A_349 = tpu.memref_slice %arg7[%parallel_loop3A_347, %parallel_loop3A_348, %parallel_loop3A_212] : memref<2x4x8192xf32, #tpu.memory_space<vmem>> -> memref<1x1x64xf32, #tpu.memory_space<vmem>>
        %parallel_loop3A_350 = tpu.memref_squeeze %parallel_loop3A_349 : memref<1x1x64xf32, #tpu.memory_space<vmem>> -> memref<64xf32, #tpu.memory_space<vmem>>
        %parallel_loop3A_351 = tpu.vector_load_idx %parallel_loop3A_350[%parallel_loop3A_346] : memref<64xf32, #tpu.memory_space<vmem>>[vector<16xi32>], vector<16xf32>,
        %parallel_loop3A_352 = arith.mulf %parallel_loop3A_224, %parallel_loop3A_351 : vector<16xf32>
        %parallel_loop3A_353 = arith.addf %parallel_loop3A_343, %parallel_loop3A_352 : vector<16xf32>
        %parallel_loop3A_354 = arith.constant 2 : i32
        %parallel_loop3A_355 = vector.broadcast %parallel_loop3A_354 : i32 to vector<16xi32>
        %parallel_loop3A_356 = arith.addi %mul3A_5, %parallel_loop3A_355 : vector<16xi32>
        %parallel_loop3A_357 = arith.constant 1 : i32
        %parallel_loop3A_358 = arith.constant 2 : i32
        %parallel_loop3A_359 = tpu.memref_slice %arg7[%parallel_loop3A_357, %parallel_loop3A_358, %parallel_loop3A_212] : memref<2x4x8192xf32, #tpu.memory_space<vmem>> -> memref<1x1x64xf32, #tpu.memory_space<vmem>>
        %parallel_loop3A_360 = tpu.memref_squeeze %parallel_loop3A_359 : memref<1x1x64xf32, #tpu.memory_space<vmem>> -> memref<64xf32, #tpu.memory_space<vmem>>
        %parallel_loop3A_361 = tpu.vector_load_idx %parallel_loop3A_360[%parallel_loop3A_356] : memref<64xf32, #tpu.memory_space<vmem>>[vector<16xi32>], vector<16xf32>,
        %parallel_loop3A_362 = arith.mulf %parallel_loop3A_229, %parallel_loop3A_361 : vector<16xf32>
        %parallel_loop3A_363 = arith.addf %parallel_loop3A_353, %parallel_loop3A_362 : vector<16xf32>
        %parallel_loop3A_364 = arith.constant 3 : i32
        %parallel_loop3A_365 = vector.broadcast %parallel_loop3A_364 : i32 to vector<16xi32>
        %parallel_loop3A_366 = arith.addi %mul3A_5, %parallel_loop3A_365 : vector<16xi32>
        %parallel_loop3A_367 = arith.constant 1 : i32
        %parallel_loop3A_368 = arith.constant 2 : i32
        %parallel_loop3A_369 = tpu.memref_slice %arg7[%parallel_loop3A_367, %parallel_loop3A_368, %parallel_loop3A_212] : memref<2x4x8192xf32, #tpu.memory_space<vmem>> -> memref<1x1x64xf32, #tpu.memory_space<vmem>>
        %parallel_loop3A_370 = tpu.memref_squeeze %parallel_loop3A_369 : memref<1x1x64xf32, #tpu.memory_space<vmem>> -> memref<64xf32, #tpu.memory_space<vmem>>
        %parallel_loop3A_371 = tpu.vector_load_idx %parallel_loop3A_370[%parallel_loop3A_366] : memref<64xf32, #tpu.memory_space<vmem>>[vector<16xi32>], vector<16xf32>,
        %parallel_loop3A_372 = arith.mulf %parallel_loop3A_234, %parallel_loop3A_371 : vector<16xf32>
        %parallel_loop3A_373 = arith.addf %parallel_loop3A_363, %parallel_loop3A_372 : vector<16xf32>
        %parallel_loop3A_374 = arith.constant 2 : i32
        %parallel_loop3A_375 = arith.constant 0 : i32
        %parallel_loop3A_376 = arith.constant 0 : i32
        %parallel_loop3A_377 = tpu.memref_slice %arg11[%parallel_loop3A_191, %parallel_loop3A_375, %parallel_loop3A_376] : memref<2x4x2048xf32, #tpu.memory_space<vmem>> -> memref<1x4x2048xf32, #tpu.memory_space<vmem>>
        %parallel_loop3A_378 = tpu.memref_squeeze %parallel_loop3A_377 : memref<1x4x2048xf32, #tpu.memory_space<vmem>> -> memref<4x2048xf32, #tpu.memory_space<vmem>>
        %parallel_loop3A_379 = arith.index_cast %parallel_loop3A_374 : i32 to index
        %parallel_loop3A_380 = arith.index_cast %parallel_loop3A_210 : i32 to index
        %parallel_loop3A_381 = tpu.vector_load %parallel_loop3A_378[%parallel_loop3A_379, %parallel_loop3A_380] {strides = array<i32>} : memref<4x2048xf32, #tpu.memory_space<vmem>>, vector<16xf32>,
        tpu.vector_store %parallel_loop3A_378[%parallel_loop3A_379, %parallel_loop3A_380], %parallel_loop3A_373 {strides = array<i32>} : memref<4x2048xf32, #tpu.memory_space<vmem>>, vector<16xf32>,
        %parallel_loop3A_382 = arith.mulf %parallel_loop3A_214, %convert_element_type3A_187 : vector<16xf32>
        %parallel_loop3A_383 = arith.constant 0 : i32
        %parallel_loop3A_384 = vector.broadcast %parallel_loop3A_383 : i32 to vector<16xi32>
        %parallel_loop3A_385 = arith.addi %mul3A_5, %parallel_loop3A_384 : vector<16xi32>
        %parallel_loop3A_386 = arith.constant 1 : i32
        %parallel_loop3A_387 = arith.constant 3 : i32
        %parallel_loop3A_388 = tpu.memref_slice %arg7[%parallel_loop3A_386, %parallel_loop3A_387, %parallel_loop3A_212] : memref<2x4x8192xf32, #tpu.memory_space<vmem>> -> memref<1x1x64xf32, #tpu.memory_space<vmem>>
        %parallel_loop3A_389 = tpu.memref_squeeze %parallel_loop3A_388 : memref<1x1x64xf32, #tpu.memory_space<vmem>> -> memref<64xf32, #tpu.memory_space<vmem>>
        %parallel_loop3A_390 = tpu.vector_load_idx %parallel_loop3A_389[%parallel_loop3A_385] : memref<64xf32, #tpu.memory_space<vmem>>[vector<16xi32>], vector<16xf32>,
        %parallel_loop3A_391 = arith.mulf %parallel_loop3A_219, %parallel_loop3A_390 : vector<16xf32>
        %parallel_loop3A_392 = arith.addf %parallel_loop3A_382, %parallel_loop3A_391 : vector<16xf32>
        %parallel_loop3A_393 = arith.constant 1 : i32
        %parallel_loop3A_394 = vector.broadcast %parallel_loop3A_393 : i32 to vector<16xi32>
        %parallel_loop3A_395 = arith.addi %mul3A_5, %parallel_loop3A_394 : vector<16xi32>
        %parallel_loop3A_396 = arith.constant 1 : i32
        %parallel_loop3A_397 = arith.constant 3 : i32
        %parallel_loop3A_398 = tpu.memref_slice %arg7[%parallel_loop3A_396, %parallel_loop3A_397, %parallel_loop3A_212] : memref<2x4x8192xf32, #tpu.memory_space<vmem>> -> memref<1x1x64xf32, #tpu.memory_space<vmem>>
        %parallel_loop3A_399 = tpu.memref_squeeze %parallel_loop3A_398 : memref<1x1x64xf32, #tpu.memory_space<vmem>> -> memref<64xf32, #tpu.memory_space<vmem>>
        %parallel_loop3A_400 = tpu.vector_load_idx %parallel_loop3A_399[%parallel_loop3A_395] : memref<64xf32, #tpu.memory_space<vmem>>[vector<16xi32>], vector<16xf32>,
        %parallel_loop3A_401 = arith.mulf %parallel_loop3A_224, %parallel_loop3A_400 : vector<16xf32>
        %parallel_loop3A_402 = arith.addf %parallel_loop3A_392, %parallel_loop3A_401 : vector<16xf32>
        %parallel_loop3A_403 = arith.constant 2 : i32
        %parallel_loop3A_404 = vector.broadcast %parallel_loop3A_403 : i32 to vector<16xi32>
        %parallel_loop3A_405 = arith.addi %mul3A_5, %parallel_loop3A_404 : vector<16xi32>
        %parallel_loop3A_406 = arith.constant 1 : i32
        %parallel_loop3A_407 = arith.constant 3 : i32
        %parallel_loop3A_408 = tpu.memref_slice %arg7[%parallel_loop3A_406, %parallel_loop3A_407, %parallel_loop3A_212] : memref<2x4x8192xf32, #tpu.memory_space<vmem>> -> memref<1x1x64xf32, #tpu.memory_space<vmem>>
        %parallel_loop3A_409 = tpu.memref_squeeze %parallel_loop3A_408 : memref<1x1x64xf32, #tpu.memory_space<vmem>> -> memref<64xf32, #tpu.memory_space<vmem>>
        %parallel_loop3A_410 = tpu.vector_load_idx %parallel_loop3A_409[%parallel_loop3A_405] : memref<64xf32, #tpu.memory_space<vmem>>[vector<16xi32>], vector<16xf32>,
        %parallel_loop3A_411 = arith.mulf %parallel_loop3A_229, %parallel_loop3A_410 : vector<16xf32>
        %parallel_loop3A_412 = arith.addf %parallel_loop3A_402, %parallel_loop3A_411 : vector<16xf32>
        %parallel_loop3A_413 = arith.constant 3 : i32
        %parallel_loop3A_414 = vector.broadcast %parallel_loop3A_413 : i32 to vector<16xi32>
        %parallel_loop3A_415 = arith.addi %mul3A_5, %parallel_loop3A_414 : vector<16xi32>
        %parallel_loop3A_416 = arith.constant 1 : i32
        %parallel_loop3A_417 = arith.constant 3 : i32
        %parallel_loop3A_418 = tpu.memref_slice %arg7[%parallel_loop3A_416, %parallel_loop3A_417, %parallel_loop3A_212] : memref<2x4x8192xf32, #tpu.memory_space<vmem>> -> memref<1x1x64xf32, #tpu.memory_space<vmem>>
        %parallel_loop3A_419 = tpu.memref_squeeze %parallel_loop3A_418 : memref<1x1x64xf32, #tpu.memory_space<vmem>> -> memref<64xf32, #tpu.memory_space<vmem>>
        %parallel_loop3A_420 = tpu.vector_load_idx %parallel_loop3A_419[%parallel_loop3A_415] : memref<64xf32, #tpu.memory_space<vmem>>[vector<16xi32>], vector<16xf32>,
        %parallel_loop3A_421 = arith.mulf %parallel_loop3A_234, %parallel_loop3A_420 : vector<16xf32>
        %parallel_loop3A_422 = arith.addf %parallel_loop3A_412, %parallel_loop3A_421 : vector<16xf32>
        %parallel_loop3A_423 = arith.constant 3 : i32
        %parallel_loop3A_424 = arith.constant 0 : i32
        %parallel_loop3A_425 = arith.constant 0 : i32
        %parallel_loop3A_426 = tpu.memref_slice %arg11[%parallel_loop3A_191, %parallel_loop3A_424, %parallel_loop3A_425] : memref<2x4x2048xf32, #tpu.memory_space<vmem>> -> memref<1x4x2048xf32, #tpu.memory_space<vmem>>
        %parallel_loop3A_427 = tpu.memref_squeeze %parallel_loop3A_426 : memref<1x4x2048xf32, #tpu.memory_space<vmem>> -> memref<4x2048xf32, #tpu.memory_space<vmem>>
        %parallel_loop3A_428 = arith.index_cast %parallel_loop3A_423 : i32 to index
        %parallel_loop3A_429 = arith.index_cast %parallel_loop3A_210 : i32 to index
        %parallel_loop3A_430 = tpu.vector_load %parallel_loop3A_427[%parallel_loop3A_428, %parallel_loop3A_429] {strides = array<i32>} : memref<4x2048xf32, #tpu.memory_space<vmem>>, vector<16xf32>,
        tpu.vector_store %parallel_loop3A_427[%parallel_loop3A_428, %parallel_loop3A_429], %parallel_loop3A_422 {strides = array<i32>} : memref<4x2048xf32, #tpu.memory_space<vmem>>, vector<16xf32>,
      } {sc.loop_unroll_factor = 4 : i64, sc.parallel_access}
      %mul3A_192 = arith.constant 4 : i32
      %mul3A_193 = arith.muli %add3A_131, %mul3A_192 : i32
      %add3A_194 = arith.addi %mul3A_2, %mul3A_193 : i32
      %dma_start3A_195 = arith.constant 1 : i32
      %dma_start3A_196 = arith.constant 0 : i32
      %dma_start3A_197 = arith.constant 0 : i32
      %dma_start3A_198 = tpu.memref_slice %arg11[%dma_start3A_195, %dma_start3A_196, %dma_start3A_197] : memref<2x4x2048xf32, #tpu.memory_space<vmem>> -> memref<1x4x2048xf32, #tpu.memory_space<vmem>>
      %dma_start3A_199 = tpu.memref_squeeze %dma_start3A_198 : memref<1x4x2048xf32, #tpu.memory_space<vmem>> -> memref<4x2048xf32, #tpu.memory_space<vmem>>
      %dma_start3A_200 = arith.constant 0 : i32
      %dma_start3A_201 = tpu.memref_slice %arg6[%add3A_194, %dma_start3A_200] : memref<512x2048xf32, #tpu.memory_space<hbm>> -> memref<4x2048xf32, #tpu.memory_space<hbm>>
      %dma_start3A_202 = arith.constant 0 : i32
      %dma_start3A_203 = tpu.memref_slice %arg6[%add3A_194, %dma_start3A_202] : memref<512x2048xf32, #tpu.memory_space<hbm>> -> memref<4x2048xf32, #tpu.memory_space<hbm>>
      %dma_start3A_204 = arith.constant 0 : i32
      %dma_start3A_205 = arith.constant 0 : i32
      %dma_start3A_206 = tpu.memref_slice %arg11[%dma_start3A_195, %dma_start3A_204, %dma_start3A_205] : memref<2x4x2048xf32, #tpu.memory_space<vmem>> -> memref<1x4x2048xf32, #tpu.memory_space<vmem>>
      %dma_start3A_207 = tpu.memref_squeeze %dma_start3A_206 : memref<1x4x2048xf32, #tpu.memory_space<vmem>> -> memref<4x2048xf32, #tpu.memory_space<vmem>>
      tpu.enqueue_dma source(%dma_start3A_207 : memref<4x2048xf32, #tpu.memory_space<vmem>>) target(%dma_start3A_203 : memref<4x2048xf32, #tpu.memory_space<hbm>>) target_semaphore(%arg15 : memref<!tpu.dma_semaphore, #tpu.memory_space<semaphore_mem>>)
    }
    %scan3A_24 = arith.constant 2 : i32
    %add3A_25 = arith.constant 8 : i32
    %add3A_26 = arith.addi %mul3A_2, %add3A_25 : i32
    %dma_wait3A = arith.constant 0 : i32
    %dma_wait3A_27 = arith.constant 0 : i32
    %dma_wait3A_28 = arith.constant 0 : i32
    %dma_wait3A_29 = tpu.memref_slice %arg11[%dma_wait3A, %dma_wait3A_27, %dma_wait3A_28] : memref<2x4x2048xf32, #tpu.memory_space<vmem>> -> memref<1x4x2048xf32, #tpu.memory_space<vmem>>
    %dma_wait3A_30 = tpu.memref_squeeze %dma_wait3A_29 : memref<1x4x2048xf32, #tpu.memory_space<vmem>> -> memref<4x2048xf32, #tpu.memory_space<vmem>>
    %dma_wait3A_31 = arith.constant 0 : i32
    %dma_wait3A_32 = tpu.memref_slice %arg6[%add3A_26, %dma_wait3A_31] : memref<512x2048xf32, #tpu.memory_space<hbm>> -> memref<4x2048xf32, #tpu.memory_space<hbm>>
    %dma_wait3A_33 = arith.constant 0 : i32
    %dma_wait3A_34 = tpu.memref_slice %arg6[%add3A_26, %dma_wait3A_33] : memref<512x2048xf32, #tpu.memory_space<hbm>> -> memref<4x2048xf32, #tpu.memory_space<hbm>>
    %dma_wait3A_35 = arith.constant 0 : i32
    %dma_wait3A_36 = arith.constant 0 : i32
    %dma_wait3A_37 = tpu.memref_slice %arg11[%dma_wait3A, %dma_wait3A_35, %dma_wait3A_36] : memref<2x4x2048xf32, #tpu.memory_space<vmem>> -> memref<1x4x2048xf32, #tpu.memory_space<vmem>>
    %dma_wait3A_38 = tpu.memref_squeeze %dma_wait3A_37 : memref<1x4x2048xf32, #tpu.memory_space<vmem>> -> memref<4x2048xf32, #tpu.memory_space<vmem>>
    tpu.wait_dma2 semaphore(%arg14 : memref<!tpu.dma_semaphore, #tpu.memory_space<semaphore_mem>>) src(%dma_wait3A_38 : memref<4x2048xf32, #tpu.memory_space<vmem>>) dst(%dma_wait3A_34 : memref<4x2048xf32, #tpu.memory_space<hbm>>)
    %add3A_39 = arith.constant 12 : i32
    %add3A_40 = arith.addi %mul3A_2, %add3A_39 : i32
    %dma_wait3A_41 = arith.constant 1 : i32
    %dma_wait3A_42 = arith.constant 0 : i32
    %dma_wait3A_43 = arith.constant 0 : i32
    %dma_wait3A_44 = tpu.memref_slice %arg11[%dma_wait3A_41, %dma_wait3A_42, %dma_wait3A_43] : memref<2x4x2048xf32, #tpu.memory_space<vmem>> -> memref<1x4x2048xf32, #tpu.memory_space<vmem>>
    %dma_wait3A_45 = tpu.memref_squeeze %dma_wait3A_44 : memref<1x4x2048xf32, #tpu.memory_space<vmem>> -> memref<4x2048xf32, #tpu.memory_space<vmem>>
    %dma_wait3A_46 = arith.constant 0 : i32
    %dma_wait3A_47 = tpu.memref_slice %arg6[%add3A_40, %dma_wait3A_46] : memref<512x2048xf32, #tpu.memory_space<hbm>> -> memref<4x2048xf32, #tpu.memory_space<hbm>>
    %dma_wait3A_48 = arith.constant 0 : i32
    %dma_wait3A_49 = tpu.memref_slice %arg6[%add3A_40, %dma_wait3A_48] : memref<512x2048xf32, #tpu.memory_space<hbm>> -> memref<4x2048xf32, #tpu.memory_space<hbm>>
    %dma_wait3A_50 = arith.constant 0 : i32
    %dma_wait3A_51 = arith.constant 0 : i32
    %dma_wait3A_52 = tpu.memref_slice %arg11[%dma_wait3A_41, %dma_wait3A_50, %dma_wait3A_51] : memref<2x4x2048xf32, #tpu.memory_space<vmem>> -> memref<1x4x2048xf32, #tpu.memory_space<vmem>>
    %dma_wait3A_53 = tpu.memref_squeeze %dma_wait3A_52 : memref<1x4x2048xf32, #tpu.memory_space<vmem>> -> memref<4x2048xf32, #tpu.memory_space<vmem>>
    tpu.wait_dma2 semaphore(%arg15 : memref<!tpu.dma_semaphore, #tpu.memory_space<semaphore_mem>>) src(%dma_wait3A_53 : memref<4x2048xf32, #tpu.memory_space<vmem>>) dst(%dma_wait3A_49 : memref<4x2048xf32, #tpu.memory_space<hbm>>)
    return
  }
}

module attributes {stable_mosaic.version = 14 : i64} {
  func.func @_tc_body(%arg0: i32, %arg1: memref<256x8192xf32, #tpu.memory_space<vmem>>, %arg2: memref<256x1xi32, #tpu.memory_space<vmem>>, %arg3: memref<1x8192xf32, #tpu.memory_space<vmem>>, %arg4: memref<1x2048xf32, #tpu.memory_space<vmem>>, %arg5: memref<256x2048xf32, #tpu.memory_space<vmem>>) attributes {dimension_semantics = [#tpu.dimension_semantics<arbitrary>], iteration_bounds = array<i64: 14>, scalar_prefetch = 0 : i64, scratch_operands = 0 : i64, tpu.core_type = #tpu.core_type<tc>, window_params = [{transform_indices = @transform_0, window_bounds = array<i64: 256, 8192>}, {transform_indices = @transform_1, window_bounds = array<i64: 256, 1>}, {pipeline_mode = #tpu.pipeline_mode<synchronous>, transform_indices = @transform_2, window_bounds = array<i64: 1, 8192>}, {pipeline_mode = #tpu.pipeline_mode<synchronous>, transform_indices = @transform_3, window_bounds = array<i64: 1, 2048>}, {transform_indices = @transform_4, window_bounds = array<i64: 256, 2048>}]} {
    %get3A = arith.constant 0 : index
    %get3A_0 = arith.constant 0 : index
    %get3A_1 = vector.load %arg2[%get3A, %get3A_0] : memref<256x1xi32, #tpu.memory_space<vmem>>, vector<256x1xi32>
    %convert_element_type3A = arith.sitofp %get3A_1 : vector<256x1xi32> to vector<256x1xf32>
    %get3A_2 = arith.constant 0 : index
    %get3A_3 = arith.constant 0 : index
    %get3A_4 = vector.load %arg4[%get3A_2, %get3A_3] : memref<1x2048xf32, #tpu.memory_space<vmem>>, vector<1x2048xf32>
    %mul3A = vector.broadcast %convert_element_type3A : vector<256x1xf32> to vector<256x2048xf32>
    %mul3A_5 = vector.broadcast %get3A_4 : vector<1x2048xf32> to vector<256x2048xf32>
    %mul3A_6 = arith.mulf %mul3A, %mul3A_5 : vector<256x2048xf32>
    %iota3A = tpu.iota {dimensions = array<i32: 0>} : vector<512x128xi32>
    %iota3A_7 = tpu.iota {dimensions = array<i32: 1>} : vector<512x128xi32>
    %jit3A = arith.constant 4 : i32
    %div3A = vector.broadcast %jit3A : i32 to vector<512x128xi32>
    %div3A_8 = arith.divsi %iota3A, %div3A : vector<512x128xi32>
    %sign3A = arith.constant 0 : i32
    %sign3A_9 = vector.broadcast %sign3A : i32 to vector<512x128xi32>
    %sign3A_10 = arith.cmpi sgt, %iota3A, %sign3A_9 : vector<512x128xi32>
    %sign3A_11 = arith.extui %sign3A_10 : vector<512x128xi1> to vector<512x128xi32>
    %sign3A_12 = arith.constant 0 : i32
    %sign3A_13 = vector.broadcast %sign3A_12 : i32 to vector<512x128xi32>
    %sign3A_14 = arith.cmpi slt, %iota3A, %sign3A_13 : vector<512x128xi32>
    %sign3A_15 = arith.extui %sign3A_14 : vector<512x128xi1> to vector<512x128xi32>
    %sign3A_16 = arith.subi %sign3A_11, %sign3A_15 : vector<512x128xi32>
    %sign3A_17 = arith.constant 0 : i32
    %sign3A_18 = arith.cmpi sgt, %jit3A, %sign3A_17 : i32
    %sign3A_19 = arith.extui %sign3A_18 : i1 to i32
    %sign3A_20 = arith.constant 0 : i32
    %sign3A_21 = arith.cmpi slt, %jit3A, %sign3A_20 : i32
    %sign3A_22 = arith.extui %sign3A_21 : i1 to i32
    %sign3A_23 = arith.subi %sign3A_19, %sign3A_22 : i32
    %ne3A = vector.broadcast %sign3A_23 : i32 to vector<512x128xi32>
    %ne3A_24 = arith.cmpi ne, %sign3A_16, %ne3A : vector<512x128xi32>
    %rem3A = vector.broadcast %jit3A : i32 to vector<512x128xi32>
    %rem3A_25 = arith.remsi %iota3A, %rem3A : vector<512x128xi32>
    %ne3A_26 = arith.constant 0 : i32
    %ne3A_27 = vector.broadcast %ne3A_26 : i32 to vector<512x128xi32>
    %ne3A_28 = arith.cmpi ne, %rem3A_25, %ne3A_27 : vector<512x128xi32>
    %and3A = arith.andi %ne3A_24, %ne3A_28 : vector<512x128xi1>
    %sub3A = arith.constant 1 : i32
    %sub3A_29 = vector.broadcast %sub3A : i32 to vector<512x128xi32>
    %sub3A_30 = arith.subi %div3A_8, %sub3A_29 : vector<512x128xi32>
    %select_n3A = arith.select %and3A, %sub3A_30, %div3A_8 : vector<512x128xi1>, vector<512x128xi32>
    %eq3A = arith.cmpi eq, %select_n3A, %iota3A_7 : vector<512x128xi32>
    %convert_element_type3A_31 = arith.extui %eq3A : vector<512x128xi1> to vector<512x128xi32>
    %convert_element_type3A_32 = arith.sitofp %convert_element_type3A_31 : vector<512x128xi32> to vector<512x128xf32>
    %get3A_33 = arith.constant 0 : index
    %get3A_34 = arith.constant 0 : index
    %get3A_35 = vector.load %arg1[%get3A_33, %get3A_34] : memref<256x8192xf32, #tpu.memory_space<vmem>>, vector<256x512xf32>
    %get3A_36 = arith.constant 0 : index
    %get3A_37 = arith.constant 0 : index
    %get3A_38 = vector.load %arg3[%get3A_36, %get3A_37] : memref<1x8192xf32, #tpu.memory_space<vmem>>, vector<1x512xf32>
    %mul3A_39 = vector.broadcast %get3A_38 : vector<1x512xf32> to vector<256x512xf32>
    %mul3A_40 = arith.mulf %get3A_35, %mul3A_39 : vector<256x512xf32>
    %dot_general3A = arith.constant dense<0.000000e+00> : vector<256x128xf32>
    %dot_general3A_41 = tpu.matmul %mul3A_40, %convert_element_type3A_32, %dot_general3A {dimension_numbers = #tpu.dot_dimension_numbers<[1], [0], [0], [1], [0, 0, 1, 1], [], []>, transpose_lhs_hint = false} : vector<256x512xf32>, vector<512x128xf32>, vector<256x128xf32> -> vector<256x128xf32>
    %slice3A = vector.extract_strided_slice %mul3A_6 {offsets = [0, 0], sizes = [256, 128], strides = [1, 1]} : vector<256x2048xf32> to vector<256x128xf32>
    %add3A = arith.addf %dot_general3A_41, %slice3A : vector<256x128xf32>
    %swap3A = arith.constant 0 : index
    %swap3A_42 = arith.constant 0 : index
    %swap3A_43 = vector.load %arg5[%swap3A, %swap3A_42] : memref<256x2048xf32, #tpu.memory_space<vmem>>, vector<256x128xf32>
    tpu.vector_store %arg5[%swap3A, %swap3A_42], %add3A {strides = array<i32>} : memref<256x2048xf32, #tpu.memory_space<vmem>>, vector<256x128xf32>,
    %get3A_44 = arith.constant 0 : index
    %get3A_45 = arith.constant 512 : index
    %get3A_46 = vector.load %arg1[%get3A_44, %get3A_45] : memref<256x8192xf32, #tpu.memory_space<vmem>>, vector<256x512xf32>
    %get3A_47 = arith.constant 0 : index
    %get3A_48 = arith.constant 512 : index
    %get3A_49 = vector.load %arg3[%get3A_47, %get3A_48] : memref<1x8192xf32, #tpu.memory_space<vmem>>, vector<1x512xf32>
    %mul3A_50 = vector.broadcast %get3A_49 : vector<1x512xf32> to vector<256x512xf32>
    %mul3A_51 = arith.mulf %get3A_46, %mul3A_50 : vector<256x512xf32>
    %dot_general3A_52 = arith.constant dense<0.000000e+00> : vector<256x128xf32>
    %dot_general3A_53 = tpu.matmul %mul3A_51, %convert_element_type3A_32, %dot_general3A_52 {dimension_numbers = #tpu.dot_dimension_numbers<[1], [0], [0], [1], [0, 0, 1, 1], [], []>, transpose_lhs_hint = false} : vector<256x512xf32>, vector<512x128xf32>, vector<256x128xf32> -> vector<256x128xf32>
    %slice3A_54 = vector.extract_strided_slice %mul3A_6 {offsets = [0, 128], sizes = [256, 128], strides = [1, 1]} : vector<256x2048xf32> to vector<256x128xf32>
    %add3A_55 = arith.addf %dot_general3A_53, %slice3A_54 : vector<256x128xf32>
    %swap3A_56 = arith.constant 0 : index
    %swap3A_57 = arith.constant 128 : index
    %swap3A_58 = vector.load %arg5[%swap3A_56, %swap3A_57] : memref<256x2048xf32, #tpu.memory_space<vmem>>, vector<256x128xf32>
    tpu.vector_store %arg5[%swap3A_56, %swap3A_57], %add3A_55 {strides = array<i32>} : memref<256x2048xf32, #tpu.memory_space<vmem>>, vector<256x128xf32>,
    %get3A_59 = arith.constant 0 : index
    %get3A_60 = arith.constant 1024 : index
    %get3A_61 = vector.load %arg1[%get3A_59, %get3A_60] : memref<256x8192xf32, #tpu.memory_space<vmem>>, vector<256x512xf32>
    %get3A_62 = arith.constant 0 : index
    %get3A_63 = arith.constant 1024 : index
    %get3A_64 = vector.load %arg3[%get3A_62, %get3A_63] : memref<1x8192xf32, #tpu.memory_space<vmem>>, vector<1x512xf32>
    %mul3A_65 = vector.broadcast %get3A_64 : vector<1x512xf32> to vector<256x512xf32>
    %mul3A_66 = arith.mulf %get3A_61, %mul3A_65 : vector<256x512xf32>
    %dot_general3A_67 = arith.constant dense<0.000000e+00> : vector<256x128xf32>
    %dot_general3A_68 = tpu.matmul %mul3A_66, %convert_element_type3A_32, %dot_general3A_67 {dimension_numbers = #tpu.dot_dimension_numbers<[1], [0], [0], [1], [0, 0, 1, 1], [], []>, transpose_lhs_hint = false} : vector<256x512xf32>, vector<512x128xf32>, vector<256x128xf32> -> vector<256x128xf32>
    %slice3A_69 = vector.extract_strided_slice %mul3A_6 {offsets = [0, 256], sizes = [256, 128], strides = [1, 1]} : vector<256x2048xf32> to vector<256x128xf32>
    %add3A_70 = arith.addf %dot_general3A_68, %slice3A_69 : vector<256x128xf32>
    %swap3A_71 = arith.constant 0 : index
    %swap3A_72 = arith.constant 256 : index
    %swap3A_73 = vector.load %arg5[%swap3A_71, %swap3A_72] : memref<256x2048xf32, #tpu.memory_space<vmem>>, vector<256x128xf32>
    tpu.vector_store %arg5[%swap3A_71, %swap3A_72], %add3A_70 {strides = array<i32>} : memref<256x2048xf32, #tpu.memory_space<vmem>>, vector<256x128xf32>,
    %get3A_74 = arith.constant 0 : index
    %get3A_75 = arith.constant 1536 : index
    %get3A_76 = vector.load %arg1[%get3A_74, %get3A_75] : memref<256x8192xf32, #tpu.memory_space<vmem>>, vector<256x512xf32>
    %get3A_77 = arith.constant 0 : index
    %get3A_78 = arith.constant 1536 : index
    %get3A_79 = vector.load %arg3[%get3A_77, %get3A_78] : memref<1x8192xf32, #tpu.memory_space<vmem>>, vector<1x512xf32>
    %mul3A_80 = vector.broadcast %get3A_79 : vector<1x512xf32> to vector<256x512xf32>
    %mul3A_81 = arith.mulf %get3A_76, %mul3A_80 : vector<256x512xf32>
    %dot_general3A_82 = arith.constant dense<0.000000e+00> : vector<256x128xf32>
    %dot_general3A_83 = tpu.matmul %mul3A_81, %convert_element_type3A_32, %dot_general3A_82 {dimension_numbers = #tpu.dot_dimension_numbers<[1], [0], [0], [1], [0, 0, 1, 1], [], []>, transpose_lhs_hint = false} : vector<256x512xf32>, vector<512x128xf32>, vector<256x128xf32> -> vector<256x128xf32>
    %slice3A_84 = vector.extract_strided_slice %mul3A_6 {offsets = [0, 384], sizes = [256, 128], strides = [1, 1]} : vector<256x2048xf32> to vector<256x128xf32>
    %add3A_85 = arith.addf %dot_general3A_83, %slice3A_84 : vector<256x128xf32>
    %swap3A_86 = arith.constant 0 : index
    %swap3A_87 = arith.constant 384 : index
    %swap3A_88 = vector.load %arg5[%swap3A_86, %swap3A_87] : memref<256x2048xf32, #tpu.memory_space<vmem>>, vector<256x128xf32>
    tpu.vector_store %arg5[%swap3A_86, %swap3A_87], %add3A_85 {strides = array<i32>} : memref<256x2048xf32, #tpu.memory_space<vmem>>, vector<256x128xf32>,
    %get3A_89 = arith.constant 0 : index
    %get3A_90 = arith.constant 2048 : index
    %get3A_91 = vector.load %arg1[%get3A_89, %get3A_90] : memref<256x8192xf32, #tpu.memory_space<vmem>>, vector<256x512xf32>
    %get3A_92 = arith.constant 0 : index
    %get3A_93 = arith.constant 2048 : index
    %get3A_94 = vector.load %arg3[%get3A_92, %get3A_93] : memref<1x8192xf32, #tpu.memory_space<vmem>>, vector<1x512xf32>
    %mul3A_95 = vector.broadcast %get3A_94 : vector<1x512xf32> to vector<256x512xf32>
    %mul3A_96 = arith.mulf %get3A_91, %mul3A_95 : vector<256x512xf32>
    %dot_general3A_97 = arith.constant dense<0.000000e+00> : vector<256x128xf32>
    %dot_general3A_98 = tpu.matmul %mul3A_96, %convert_element_type3A_32, %dot_general3A_97 {dimension_numbers = #tpu.dot_dimension_numbers<[1], [0], [0], [1], [0, 0, 1, 1], [], []>, transpose_lhs_hint = false} : vector<256x512xf32>, vector<512x128xf32>, vector<256x128xf32> -> vector<256x128xf32>
    %slice3A_99 = vector.extract_strided_slice %mul3A_6 {offsets = [0, 512], sizes = [256, 128], strides = [1, 1]} : vector<256x2048xf32> to vector<256x128xf32>
    %add3A_100 = arith.addf %dot_general3A_98, %slice3A_99 : vector<256x128xf32>
    %swap3A_101 = arith.constant 0 : index
    %swap3A_102 = arith.constant 512 : index
    %swap3A_103 = vector.load %arg5[%swap3A_101, %swap3A_102] : memref<256x2048xf32, #tpu.memory_space<vmem>>, vector<256x128xf32>
    tpu.vector_store %arg5[%swap3A_101, %swap3A_102], %add3A_100 {strides = array<i32>} : memref<256x2048xf32, #tpu.memory_space<vmem>>, vector<256x128xf32>,
    %get3A_104 = arith.constant 0 : index
    %get3A_105 = arith.constant 2560 : index
    %get3A_106 = vector.load %arg1[%get3A_104, %get3A_105] : memref<256x8192xf32, #tpu.memory_space<vmem>>, vector<256x512xf32>
    %get3A_107 = arith.constant 0 : index
    %get3A_108 = arith.constant 2560 : index
    %get3A_109 = vector.load %arg3[%get3A_107, %get3A_108] : memref<1x8192xf32, #tpu.memory_space<vmem>>, vector<1x512xf32>
    %mul3A_110 = vector.broadcast %get3A_109 : vector<1x512xf32> to vector<256x512xf32>
    %mul3A_111 = arith.mulf %get3A_106, %mul3A_110 : vector<256x512xf32>
    %dot_general3A_112 = arith.constant dense<0.000000e+00> : vector<256x128xf32>
    %dot_general3A_113 = tpu.matmul %mul3A_111, %convert_element_type3A_32, %dot_general3A_112 {dimension_numbers = #tpu.dot_dimension_numbers<[1], [0], [0], [1], [0, 0, 1, 1], [], []>, transpose_lhs_hint = false} : vector<256x512xf32>, vector<512x128xf32>, vector<256x128xf32> -> vector<256x128xf32>
    %slice3A_114 = vector.extract_strided_slice %mul3A_6 {offsets = [0, 640], sizes = [256, 128], strides = [1, 1]} : vector<256x2048xf32> to vector<256x128xf32>
    %add3A_115 = arith.addf %dot_general3A_113, %slice3A_114 : vector<256x128xf32>
    %swap3A_116 = arith.constant 0 : index
    %swap3A_117 = arith.constant 640 : index
    %swap3A_118 = vector.load %arg5[%swap3A_116, %swap3A_117] : memref<256x2048xf32, #tpu.memory_space<vmem>>, vector<256x128xf32>
    tpu.vector_store %arg5[%swap3A_116, %swap3A_117], %add3A_115 {strides = array<i32>} : memref<256x2048xf32, #tpu.memory_space<vmem>>, vector<256x128xf32>,
    %get3A_119 = arith.constant 0 : index
    %get3A_120 = arith.constant 3072 : index
    %get3A_121 = vector.load %arg1[%get3A_119, %get3A_120] : memref<256x8192xf32, #tpu.memory_space<vmem>>, vector<256x512xf32>
    %get3A_122 = arith.constant 0 : index
    %get3A_123 = arith.constant 3072 : index
    %get3A_124 = vector.load %arg3[%get3A_122, %get3A_123] : memref<1x8192xf32, #tpu.memory_space<vmem>>, vector<1x512xf32>
    %mul3A_125 = vector.broadcast %get3A_124 : vector<1x512xf32> to vector<256x512xf32>
    %mul3A_126 = arith.mulf %get3A_121, %mul3A_125 : vector<256x512xf32>
    %dot_general3A_127 = arith.constant dense<0.000000e+00> : vector<256x128xf32>
    %dot_general3A_128 = tpu.matmul %mul3A_126, %convert_element_type3A_32, %dot_general3A_127 {dimension_numbers = #tpu.dot_dimension_numbers<[1], [0], [0], [1], [0, 0, 1, 1], [], []>, transpose_lhs_hint = false} : vector<256x512xf32>, vector<512x128xf32>, vector<256x128xf32> -> vector<256x128xf32>
    %slice3A_129 = vector.extract_strided_slice %mul3A_6 {offsets = [0, 768], sizes = [256, 128], strides = [1, 1]} : vector<256x2048xf32> to vector<256x128xf32>
    %add3A_130 = arith.addf %dot_general3A_128, %slice3A_129 : vector<256x128xf32>
    %swap3A_131 = arith.constant 0 : index
    %swap3A_132 = arith.constant 768 : index
    %swap3A_133 = vector.load %arg5[%swap3A_131, %swap3A_132] : memref<256x2048xf32, #tpu.memory_space<vmem>>, vector<256x128xf32>
    tpu.vector_store %arg5[%swap3A_131, %swap3A_132], %add3A_130 {strides = array<i32>} : memref<256x2048xf32, #tpu.memory_space<vmem>>, vector<256x128xf32>,
    %get3A_134 = arith.constant 0 : index
    %get3A_135 = arith.constant 3584 : index
    %get3A_136 = vector.load %arg1[%get3A_134, %get3A_135] : memref<256x8192xf32, #tpu.memory_space<vmem>>, vector<256x512xf32>
    %get3A_137 = arith.constant 0 : index
    %get3A_138 = arith.constant 3584 : index
    %get3A_139 = vector.load %arg3[%get3A_137, %get3A_138] : memref<1x8192xf32, #tpu.memory_space<vmem>>, vector<1x512xf32>
    %mul3A_140 = vector.broadcast %get3A_139 : vector<1x512xf32> to vector<256x512xf32>
    %mul3A_141 = arith.mulf %get3A_136, %mul3A_140 : vector<256x512xf32>
    %dot_general3A_142 = arith.constant dense<0.000000e+00> : vector<256x128xf32>
    %dot_general3A_143 = tpu.matmul %mul3A_141, %convert_element_type3A_32, %dot_general3A_142 {dimension_numbers = #tpu.dot_dimension_numbers<[1], [0], [0], [1], [0, 0, 1, 1], [], []>, transpose_lhs_hint = false} : vector<256x512xf32>, vector<512x128xf32>, vector<256x128xf32> -> vector<256x128xf32>
    %slice3A_144 = vector.extract_strided_slice %mul3A_6 {offsets = [0, 896], sizes = [256, 128], strides = [1, 1]} : vector<256x2048xf32> to vector<256x128xf32>
    %add3A_145 = arith.addf %dot_general3A_143, %slice3A_144 : vector<256x128xf32>
    %swap3A_146 = arith.constant 0 : index
    %swap3A_147 = arith.constant 896 : index
    %swap3A_148 = vector.load %arg5[%swap3A_146, %swap3A_147] : memref<256x2048xf32, #tpu.memory_space<vmem>>, vector<256x128xf32>
    tpu.vector_store %arg5[%swap3A_146, %swap3A_147], %add3A_145 {strides = array<i32>} : memref<256x2048xf32, #tpu.memory_space<vmem>>, vector<256x128xf32>,
    %get3A_149 = arith.constant 0 : index
    %get3A_150 = arith.constant 4096 : index
    %get3A_151 = vector.load %arg1[%get3A_149, %get3A_150] : memref<256x8192xf32, #tpu.memory_space<vmem>>, vector<256x512xf32>
    %get3A_152 = arith.constant 0 : index
    %get3A_153 = arith.constant 4096 : index
    %get3A_154 = vector.load %arg3[%get3A_152, %get3A_153] : memref<1x8192xf32, #tpu.memory_space<vmem>>, vector<1x512xf32>
    %mul3A_155 = vector.broadcast %get3A_154 : vector<1x512xf32> to vector<256x512xf32>
    %mul3A_156 = arith.mulf %get3A_151, %mul3A_155 : vector<256x512xf32>
    %dot_general3A_157 = arith.constant dense<0.000000e+00> : vector<256x128xf32>
    %dot_general3A_158 = tpu.matmul %mul3A_156, %convert_element_type3A_32, %dot_general3A_157 {dimension_numbers = #tpu.dot_dimension_numbers<[1], [0], [0], [1], [0, 0, 1, 1], [], []>, transpose_lhs_hint = false} : vector<256x512xf32>, vector<512x128xf32>, vector<256x128xf32> -> vector<256x128xf32>
    %slice3A_159 = vector.extract_strided_slice %mul3A_6 {offsets = [0, 1024], sizes = [256, 128], strides = [1, 1]} : vector<256x2048xf32> to vector<256x128xf32>
    %add3A_160 = arith.addf %dot_general3A_158, %slice3A_159 : vector<256x128xf32>
    %swap3A_161 = arith.constant 0 : index
    %swap3A_162 = arith.constant 1024 : index
    %swap3A_163 = vector.load %arg5[%swap3A_161, %swap3A_162] : memref<256x2048xf32, #tpu.memory_space<vmem>>, vector<256x128xf32>
    tpu.vector_store %arg5[%swap3A_161, %swap3A_162], %add3A_160 {strides = array<i32>} : memref<256x2048xf32, #tpu.memory_space<vmem>>, vector<256x128xf32>,
    %get3A_164 = arith.constant 0 : index
    %get3A_165 = arith.constant 4608 : index
    %get3A_166 = vector.load %arg1[%get3A_164, %get3A_165] : memref<256x8192xf32, #tpu.memory_space<vmem>>, vector<256x512xf32>
    %get3A_167 = arith.constant 0 : index
    %get3A_168 = arith.constant 4608 : index
    %get3A_169 = vector.load %arg3[%get3A_167, %get3A_168] : memref<1x8192xf32, #tpu.memory_space<vmem>>, vector<1x512xf32>
    %mul3A_170 = vector.broadcast %get3A_169 : vector<1x512xf32> to vector<256x512xf32>
    %mul3A_171 = arith.mulf %get3A_166, %mul3A_170 : vector<256x512xf32>
    %dot_general3A_172 = arith.constant dense<0.000000e+00> : vector<256x128xf32>
    %dot_general3A_173 = tpu.matmul %mul3A_171, %convert_element_type3A_32, %dot_general3A_172 {dimension_numbers = #tpu.dot_dimension_numbers<[1], [0], [0], [1], [0, 0, 1, 1], [], []>, transpose_lhs_hint = false} : vector<256x512xf32>, vector<512x128xf32>, vector<256x128xf32> -> vector<256x128xf32>
    %slice3A_174 = vector.extract_strided_slice %mul3A_6 {offsets = [0, 1152], sizes = [256, 128], strides = [1, 1]} : vector<256x2048xf32> to vector<256x128xf32>
    %add3A_175 = arith.addf %dot_general3A_173, %slice3A_174 : vector<256x128xf32>
    %swap3A_176 = arith.constant 0 : index
    %swap3A_177 = arith.constant 1152 : index
    %swap3A_178 = vector.load %arg5[%swap3A_176, %swap3A_177] : memref<256x2048xf32, #tpu.memory_space<vmem>>, vector<256x128xf32>
    tpu.vector_store %arg5[%swap3A_176, %swap3A_177], %add3A_175 {strides = array<i32>} : memref<256x2048xf32, #tpu.memory_space<vmem>>, vector<256x128xf32>,
    %get3A_179 = arith.constant 0 : index
    %get3A_180 = arith.constant 5120 : index
    %get3A_181 = vector.load %arg1[%get3A_179, %get3A_180] : memref<256x8192xf32, #tpu.memory_space<vmem>>, vector<256x512xf32>
    %get3A_182 = arith.constant 0 : index
    %get3A_183 = arith.constant 5120 : index
    %get3A_184 = vector.load %arg3[%get3A_182, %get3A_183] : memref<1x8192xf32, #tpu.memory_space<vmem>>, vector<1x512xf32>
    %mul3A_185 = vector.broadcast %get3A_184 : vector<1x512xf32> to vector<256x512xf32>
    %mul3A_186 = arith.mulf %get3A_181, %mul3A_185 : vector<256x512xf32>
    %dot_general3A_187 = arith.constant dense<0.000000e+00> : vector<256x128xf32>
    %dot_general3A_188 = tpu.matmul %mul3A_186, %convert_element_type3A_32, %dot_general3A_187 {dimension_numbers = #tpu.dot_dimension_numbers<[1], [0], [0], [1], [0, 0, 1, 1], [], []>, transpose_lhs_hint = false} : vector<256x512xf32>, vector<512x128xf32>, vector<256x128xf32> -> vector<256x128xf32>
    %slice3A_189 = vector.extract_strided_slice %mul3A_6 {offsets = [0, 1280], sizes = [256, 128], strides = [1, 1]} : vector<256x2048xf32> to vector<256x128xf32>
    %add3A_190 = arith.addf %dot_general3A_188, %slice3A_189 : vector<256x128xf32>
    %swap3A_191 = arith.constant 0 : index
    %swap3A_192 = arith.constant 1280 : index
    %swap3A_193 = vector.load %arg5[%swap3A_191, %swap3A_192] : memref<256x2048xf32, #tpu.memory_space<vmem>>, vector<256x128xf32>
    tpu.vector_store %arg5[%swap3A_191, %swap3A_192], %add3A_190 {strides = array<i32>} : memref<256x2048xf32, #tpu.memory_space<vmem>>, vector<256x128xf32>,
    %get3A_194 = arith.constant 0 : index
    %get3A_195 = arith.constant 5632 : index
    %get3A_196 = vector.load %arg1[%get3A_194, %get3A_195] : memref<256x8192xf32, #tpu.memory_space<vmem>>, vector<256x512xf32>
    %get3A_197 = arith.constant 0 : index
    %get3A_198 = arith.constant 5632 : index
    %get3A_199 = vector.load %arg3[%get3A_197, %get3A_198] : memref<1x8192xf32, #tpu.memory_space<vmem>>, vector<1x512xf32>
    %mul3A_200 = vector.broadcast %get3A_199 : vector<1x512xf32> to vector<256x512xf32>
    %mul3A_201 = arith.mulf %get3A_196, %mul3A_200 : vector<256x512xf32>
    %dot_general3A_202 = arith.constant dense<0.000000e+00> : vector<256x128xf32>
    %dot_general3A_203 = tpu.matmul %mul3A_201, %convert_element_type3A_32, %dot_general3A_202 {dimension_numbers = #tpu.dot_dimension_numbers<[1], [0], [0], [1], [0, 0, 1, 1], [], []>, transpose_lhs_hint = false} : vector<256x512xf32>, vector<512x128xf32>, vector<256x128xf32> -> vector<256x128xf32>
    %slice3A_204 = vector.extract_strided_slice %mul3A_6 {offsets = [0, 1408], sizes = [256, 128], strides = [1, 1]} : vector<256x2048xf32> to vector<256x128xf32>
    %add3A_205 = arith.addf %dot_general3A_203, %slice3A_204 : vector<256x128xf32>
    %swap3A_206 = arith.constant 0 : index
    %swap3A_207 = arith.constant 1408 : index
    %swap3A_208 = vector.load %arg5[%swap3A_206, %swap3A_207] : memref<256x2048xf32, #tpu.memory_space<vmem>>, vector<256x128xf32>
    tpu.vector_store %arg5[%swap3A_206, %swap3A_207], %add3A_205 {strides = array<i32>} : memref<256x2048xf32, #tpu.memory_space<vmem>>, vector<256x128xf32>,
    %get3A_209 = arith.constant 0 : index
    %get3A_210 = arith.constant 6144 : index
    %get3A_211 = vector.load %arg1[%get3A_209, %get3A_210] : memref<256x8192xf32, #tpu.memory_space<vmem>>, vector<256x512xf32>
    %get3A_212 = arith.constant 0 : index
    %get3A_213 = arith.constant 6144 : index
    %get3A_214 = vector.load %arg3[%get3A_212, %get3A_213] : memref<1x8192xf32, #tpu.memory_space<vmem>>, vector<1x512xf32>
    %mul3A_215 = vector.broadcast %get3A_214 : vector<1x512xf32> to vector<256x512xf32>
    %mul3A_216 = arith.mulf %get3A_211, %mul3A_215 : vector<256x512xf32>
    %dot_general3A_217 = arith.constant dense<0.000000e+00> : vector<256x128xf32>
    %dot_general3A_218 = tpu.matmul %mul3A_216, %convert_element_type3A_32, %dot_general3A_217 {dimension_numbers = #tpu.dot_dimension_numbers<[1], [0], [0], [1], [0, 0, 1, 1], [], []>, transpose_lhs_hint = false} : vector<256x512xf32>, vector<512x128xf32>, vector<256x128xf32> -> vector<256x128xf32>
    %slice3A_219 = vector.extract_strided_slice %mul3A_6 {offsets = [0, 1536], sizes = [256, 128], strides = [1, 1]} : vector<256x2048xf32> to vector<256x128xf32>
    %add3A_220 = arith.addf %dot_general3A_218, %slice3A_219 : vector<256x128xf32>
    %swap3A_221 = arith.constant 0 : index
    %swap3A_222 = arith.constant 1536 : index
    %swap3A_223 = vector.load %arg5[%swap3A_221, %swap3A_222] : memref<256x2048xf32, #tpu.memory_space<vmem>>, vector<256x128xf32>
    tpu.vector_store %arg5[%swap3A_221, %swap3A_222], %add3A_220 {strides = array<i32>} : memref<256x2048xf32, #tpu.memory_space<vmem>>, vector<256x128xf32>,
    %get3A_224 = arith.constant 0 : index
    %get3A_225 = arith.constant 6656 : index
    %get3A_226 = vector.load %arg1[%get3A_224, %get3A_225] : memref<256x8192xf32, #tpu.memory_space<vmem>>, vector<256x512xf32>
    %get3A_227 = arith.constant 0 : index
    %get3A_228 = arith.constant 6656 : index
    %get3A_229 = vector.load %arg3[%get3A_227, %get3A_228] : memref<1x8192xf32, #tpu.memory_space<vmem>>, vector<1x512xf32>
    %mul3A_230 = vector.broadcast %get3A_229 : vector<1x512xf32> to vector<256x512xf32>
    %mul3A_231 = arith.mulf %get3A_226, %mul3A_230 : vector<256x512xf32>
    %dot_general3A_232 = arith.constant dense<0.000000e+00> : vector<256x128xf32>
    %dot_general3A_233 = tpu.matmul %mul3A_231, %convert_element_type3A_32, %dot_general3A_232 {dimension_numbers = #tpu.dot_dimension_numbers<[1], [0], [0], [1], [0, 0, 1, 1], [], []>, transpose_lhs_hint = false} : vector<256x512xf32>, vector<512x128xf32>, vector<256x128xf32> -> vector<256x128xf32>
    %slice3A_234 = vector.extract_strided_slice %mul3A_6 {offsets = [0, 1664], sizes = [256, 128], strides = [1, 1]} : vector<256x2048xf32> to vector<256x128xf32>
    %add3A_235 = arith.addf %dot_general3A_233, %slice3A_234 : vector<256x128xf32>
    %swap3A_236 = arith.constant 0 : index
    %swap3A_237 = arith.constant 1664 : index
    %swap3A_238 = vector.load %arg5[%swap3A_236, %swap3A_237] : memref<256x2048xf32, #tpu.memory_space<vmem>>, vector<256x128xf32>
    tpu.vector_store %arg5[%swap3A_236, %swap3A_237], %add3A_235 {strides = array<i32>} : memref<256x2048xf32, #tpu.memory_space<vmem>>, vector<256x128xf32>,
    %get3A_239 = arith.constant 0 : index
    %get3A_240 = arith.constant 7168 : index
    %get3A_241 = vector.load %arg1[%get3A_239, %get3A_240] : memref<256x8192xf32, #tpu.memory_space<vmem>>, vector<256x512xf32>
    %get3A_242 = arith.constant 0 : index
    %get3A_243 = arith.constant 7168 : index
    %get3A_244 = vector.load %arg3[%get3A_242, %get3A_243] : memref<1x8192xf32, #tpu.memory_space<vmem>>, vector<1x512xf32>
    %mul3A_245 = vector.broadcast %get3A_244 : vector<1x512xf32> to vector<256x512xf32>
    %mul3A_246 = arith.mulf %get3A_241, %mul3A_245 : vector<256x512xf32>
    %dot_general3A_247 = arith.constant dense<0.000000e+00> : vector<256x128xf32>
    %dot_general3A_248 = tpu.matmul %mul3A_246, %convert_element_type3A_32, %dot_general3A_247 {dimension_numbers = #tpu.dot_dimension_numbers<[1], [0], [0], [1], [0, 0, 1, 1], [], []>, transpose_lhs_hint = false} : vector<256x512xf32>, vector<512x128xf32>, vector<256x128xf32> -> vector<256x128xf32>
    %slice3A_249 = vector.extract_strided_slice %mul3A_6 {offsets = [0, 1792], sizes = [256, 128], strides = [1, 1]} : vector<256x2048xf32> to vector<256x128xf32>
    %add3A_250 = arith.addf %dot_general3A_248, %slice3A_249 : vector<256x128xf32>
    %swap3A_251 = arith.constant 0 : index
    %swap3A_252 = arith.constant 1792 : index
    %swap3A_253 = vector.load %arg5[%swap3A_251, %swap3A_252] : memref<256x2048xf32, #tpu.memory_space<vmem>>, vector<256x128xf32>
    tpu.vector_store %arg5[%swap3A_251, %swap3A_252], %add3A_250 {strides = array<i32>} : memref<256x2048xf32, #tpu.memory_space<vmem>>, vector<256x128xf32>,
    %get3A_254 = arith.constant 0 : index
    %get3A_255 = arith.constant 7680 : index
    %get3A_256 = vector.load %arg1[%get3A_254, %get3A_255] : memref<256x8192xf32, #tpu.memory_space<vmem>>, vector<256x512xf32>
    %get3A_257 = arith.constant 0 : index
    %get3A_258 = arith.constant 7680 : index
    %get3A_259 = vector.load %arg3[%get3A_257, %get3A_258] : memref<1x8192xf32, #tpu.memory_space<vmem>>, vector<1x512xf32>
    %mul3A_260 = vector.broadcast %get3A_259 : vector<1x512xf32> to vector<256x512xf32>
    %mul3A_261 = arith.mulf %get3A_256, %mul3A_260 : vector<256x512xf32>
    %dot_general3A_262 = arith.constant dense<0.000000e+00> : vector<256x128xf32>
    %dot_general3A_263 = tpu.matmul %mul3A_261, %convert_element_type3A_32, %dot_general3A_262 {dimension_numbers = #tpu.dot_dimension_numbers<[1], [0], [0], [1], [0, 0, 1, 1], [], []>, transpose_lhs_hint = false} : vector<256x512xf32>, vector<512x128xf32>, vector<256x128xf32> -> vector<256x128xf32>
    %slice3A_264 = vector.extract_strided_slice %mul3A_6 {offsets = [0, 1920], sizes = [256, 128], strides = [1, 1]} : vector<256x2048xf32> to vector<256x128xf32>
    %add3A_265 = arith.addf %dot_general3A_263, %slice3A_264 : vector<256x128xf32>
    %swap3A_266 = arith.constant 0 : index
    %swap3A_267 = arith.constant 1920 : index
    %swap3A_268 = vector.load %arg5[%swap3A_266, %swap3A_267] : memref<256x2048xf32, #tpu.memory_space<vmem>>, vector<256x128xf32>
    tpu.vector_store %arg5[%swap3A_266, %swap3A_267], %add3A_265 {strides = array<i32>} : memref<256x2048xf32, #tpu.memory_space<vmem>>, vector<256x128xf32>,
    return
  }
  func.func @transform_0(%arg0: i32) -> (i32, i32) {
    %add3A = arith.constant 2 : i32
    %add3A_0 = arith.addi %arg0, %add3A : i32
    %c0_i32 = arith.constant 0 : i32
    %c0_i32_1 = arith.constant 0 : i32
    return %add3A_0, %c0_i32 : i32, i32
  }
  func.func @transform_1(%arg0: i32) -> (i32, i32) {
    %add3A = arith.constant 2 : i32
    %add3A_0 = arith.addi %arg0, %add3A : i32
    %c0_i32 = arith.constant 0 : i32
    %c0_i32_1 = arith.constant 0 : i32
    return %add3A_0, %c0_i32 : i32, i32
  }
  func.func @transform_2(%arg0: i32) -> (i32, i32) {
    %c0_i32 = arith.constant 0 : i32
    %c0_i32_0 = arith.constant 0 : i32
    %c0_i32_1 = arith.constant 0 : i32
    return %c0_i32, %c0_i32_0 : i32, i32
  }
  func.func @transform_3(%arg0: i32) -> (i32, i32) {
    %c0_i32 = arith.constant 0 : i32
    %c0_i32_0 = arith.constant 0 : i32
    %c0_i32_1 = arith.constant 0 : i32
    return %c0_i32, %c0_i32_0 : i32, i32
  }
  func.func @transform_4(%arg0: i32) -> (i32, i32) {
    %add3A = arith.constant 2 : i32
    %add3A_0 = arith.addi %arg0, %add3A : i32
    %c0_i32 = arith.constant 0 : i32
    %c0_i32_1 = arith.constant 0 : i32
    return %add3A_0, %c0_i32 : i32, i32
  }
}

</mosaic_0001>

<sc_bundles>
// kernel: kernel.4.cloned.1.call-start
scs
__scs_entry_jumppad:
0x0: {  	(pc) =	sbr.rel $0x88, $3  }
0x1: {  	(tag) =	ssettag $0x0;
	lr =	simm.s32 $0x1  }
0x2: {  	[smem:$0x3F9D] =	sst lr;
	_ =	strace $0xD0000000  }
0x3: {  	_ = 	snop  }
0x4: {  	_ = 	snop  }
0x5: {  	_ = 	snop  }
0x6: {  	_ = 	snop  }
0x7: {  	_ = 	snop  }
__scs_overlays_trampoline_lowered:
0x8: {  	[smem:$0x3FAC] =	sst s0  }
0x9: {  	[smem:$0x3FAD] =	sst s1  }
0xa: {  	[smem:$0x3FAE] =	sst s2  }
0xb: {  	[smem:$0x3FAF] =	sst s3  }
0xc: {  	[smem:$0x3FB0] =	sst s4  }
0xd: {  	[smem:$0x3FB1] =	sst s5  }
0xe: {  	[smem:$0x3FB2] =	sst s6  }
0xf: {  	[smem:$0x3FB3] =	sst s7  }
0x10: {  	[smem:$0x3FB4] =	sst s8  }
0x11: {  	[smem:$0x3FB5] =	sst s9;
	s0 =	simm.s32 @!p0 $0x0  }
0x12: {  	s1 =	sld [smem:$0x3F9B];
	s0 =	simm.s32 @p0 $0x1  }
0x13: {  	[smem:$0x3FB6] =	sst s0;
	s0 =	simm.s32 @!p1 $0x0  }
0x14: {  	s2 =	sld [smem:$0x3F9A];
	s0 =	simm.s32 @p1 $0x1  }
0x15: {  	[smem:$0x3FB7] =	sst s0;
	s0 =	simm.s32 @!p2 $0x0  }
0x16: {  	s3 =	sld [smem:$0x3FDB];
	s0 =	simm.s32 @p2 $0x1  }
0x17: {  	s4 =	simm.s32 $0x1BF5;
	[smem:$0x3FB9] =	sst s0  }
0x18: {  	s0 =	sld [smem:$0x3F9C];
	_ =	swait.ge [sflag:s4], $0x0  }
0x19: {  	s7 =	sld [smem:$0x3F9D]  }
0x1a: {  	s8 =	sadd.s32 $0xFFFFE003, lr  }
0x1b: {  	s9 =	sadd.s32 $0xFFFFFEF7, lr;
	s5 =	simm.s32 $0xFFFFFFFF;
	p2 =	slt.u32 s8, $0xFFFFF086  }
0x1c: {  	p1 =	slt.u32 s9, $0xF7A;
	s5 =	simm.s32 @!p2 $0x0  }
0x1d: {  	s5 =	simm.s32 @p1 $0x1;
	p0 =	seq.s32 s7, s2  }
0x1e: {  	s7 =	smul.u32 @!p0 $0xF7A, s2;
	p2 =	seq.s32 @!p0 s5, $0x0  }
0x1f: {  	s9 =	smul.u32 $0xF7A, s1;
	s8 =	simm.s32 @!p0 $0x1BF5;
	p2 =	por !p2, p0  }
0x20: {  	[sflag:s8] =	ssyncset.s32 @!p0 $0xFFFFF086;
	s6 =	sadd.s32 @!p0 s3, s7;
	s7 =	simm.s32 @!p0 $0x108  }
0x21: {  	s3 =	sadd.s32 s3, s9;
	s6 =	sadd.s32 @!p0 $0x88, s6;
	s7 =	simm.s32 @p2 $0x1082  }
0x22: {  	[simem:s7], [sflag:s8] =	dma.local @!p0 [hbm:s6], $0xF7A  }
0x23: {  	s9 =	sor.u32 $0xD0000000, s2;
	s6 =	simm.s32 $0x108;
	_ =	swait.ge @!p0 [sflag:s8], $0x0  }
0x24: {  	s3 =	sadd.s32 $0x88, s3;
	s6 =	simm.s32 @!p1 $0x1082;
	[sflag:s4] =	ssyncset.s32 $0xFFFFF086  }
0x25: {  	[simem:s6], [sflag:s4] =	dma.local [hbm:s3], $0xF7A  }
0x26: {  	[smem:$0x3F9D] =	sst s1;
	(tag) =	ssettag s2;
	_ =	strace s9  }
0x27: {  	s1 =	sld [smem:$0x3FAD]  }
0x28: {  	s2 =	sld [smem:$0x3FAE]  }
0x29: {  	s4 =	sld [smem:$0x3FB0]  }
0x2a: {  	p0 =	seq.s32 s5, $0x0;
	s5 =	sld [smem:$0x3FB1]  }
0x2b: {  	s6 =	sld [smem:$0x3FB2]  }
0x2c: {  	s7 =	sld [smem:$0x3FB3]  }
0x2d: {  	s3 =	simm.s32 $0x108;
	s8 =	sld [smem:$0x3FB4]  }
0x2e: {  	s3 =	simm.s32 @!p0 $0x1082;
	s9 =	sld [smem:$0x3FB5]  }
0x2f: {  	lr =	sadd.s32 s0, s3;
	s0 =	sld [smem:$0x3FAC]  }
0x30: {  	s3 =	sld [smem:$0x3FAF]  }
0x31: {  	[smem:$0x3FB8] =	sst s10  }
0x32: {  	s10 =	sld [smem:$0x3FB6];
	_ =	sdelay $0x3  }
0x33: {  	p0 =	seq.s32 s10, $0x1;
	s10 =	sld [smem:$0x3FB8];
	_ =	sdelay $0x3  }
0x34: {  	[smem:$0x3FB8] =	sst s10  }
0x35: {  	s10 =	sld [smem:$0x3FB7];
	_ =	sdelay $0x3  }
0x36: {  	p1 =	seq.s32 s10, $0x1;
	s10 =	sld [smem:$0x3FB8];
	_ =	sdelay $0x3  }
0x37: {  	[smem:$0x3FB8] =	sst s10  }
0x38: {  	s10 =	sld [smem:$0x3FB9]  }
0x39: {  	_ = 	snop;
	(pc) =	sbr.ind lr, $3  }
0x3a: {  	_ = 	snop  }
0x3b: {  	_ = 	snop  }
0x3c: {  	p2 =	seq.s32 s10, $0x1;
	s10 =	sld [smem:$0x3FB8]  }
0x3d: {  	_ =	shalt  }
0x3e: {  	_ =	shalt  }
0x3f: {  	_ =	shalt  }
0x40: {  	_ =	shalt  }
0x41: {  	_ =	shalt  }
0x42: {  	_ =	shalt  }
0x43: {  	_ =	shalt  }
0x44: {  	_ =	shalt  }
0x45: {  	_ =	shalt  }
0x46: {  	_ =	shalt  }
0x47: {  	_ =	shalt  }
0x48: {  	_ =	shalt  }
0x49: {  	_ =	shalt  }
0x4a: {  	_ =	shalt  }
0x4b: {  	_ =	shalt  }
0x4c: {  	_ =	shalt  }
0x4d: {  	_ =	shalt  }
0x4e: {  	_ =	shalt  }
0x4f: {  	_ =	shalt  }
0x50: {  	_ =	shalt  }
0x51: {  	_ =	shalt  }
0x52: {  	_ =	shalt  }
0x53: {  	_ =	shalt  }
0x54: {  	_ =	shalt  }
0x55: {  	_ =	shalt  }
0x56: {  	_ =	shalt  }
0x57: {  	_ =	shalt  }
0x58: {  	_ =	shalt  }
0x59: {  	_ =	shalt  }
0x5a: {  	_ =	shalt  }
0x5b: {  	_ =	shalt  }
0x5c: {  	_ =	shalt  }
0x5d: {  	_ =	shalt  }
0x5e: {  	_ =	shalt  }
0x5f: {  	_ =	shalt  }
0x60: {  	_ =	shalt  }
0x61: {  	_ =	shalt  }
0x62: {  	_ =	shalt  }
0x63: {  	_ =	shalt  }
0x64: {  	_ =	shalt  }
0x65: {  	_ =	shalt  }
0x66: {  	_ =	shalt  }
0x67: {  	_ =	shalt  }
0x68: {  	_ =	shalt  }
0x69: {  	_ =	shalt  }
0x6a: {  	_ =	shalt  }
0x6b: {  	_ =	shalt  }
0x6c: {  	_ =	shalt  }
0x6d: {  	_ =	shalt  }
0x6e: {  	_ =	shalt  }
0x6f: {  	_ =	shalt  }
0x70: {  	_ =	shalt  }
0x71: {  	_ =	shalt  }
0x72: {  	_ =	shalt  }
0x73: {  	_ =	shalt  }
0x74: {  	_ =	shalt  }
0x75: {  	_ =	shalt  }
0x76: {  	_ =	shalt  }
0x77: {  	_ =	shalt  }
0x78: {  	_ =	shalt  }
0x79: {  	_ =	shalt  }
0x7a: {  	_ =	shalt  }
0x7b: {  	_ =	shalt  }
0x7c: {  	_ =	shalt  }
0x7d: {  	_ =	shalt  }
0x7e: {  	_ =	shalt  }
0x7f: {  	_ =	shalt  }
0x80: {  	_ =	shalt  }
0x81: {  	_ =	shalt  }
0x82: {  	_ =	shalt  }
0x83: {  	_ =	shalt  }
0x84: {  	_ =	shalt  }
0x85: {  	_ =	shalt  }
0x86: {  	_ =	shalt  }
0x87: {  	_ =	shalt  }
.Lfunc_end0:
.L_simem_size_0:
called_computation_lowered:
.L_overlay_start_0:
0x88: {  	s2 =	sld [smem:$0x3FD9]  }
0x89: {  	s3 =	sld [smem:$0x3FFE];
	_ =	sdelay $0x1  }
0x8a: {  	s1 =	srdreg.scid  }
0x8b: {  	s0 =	sand.u32 $0x1, s1  }
0x8c: {  	s17 =	sshll.u32 s0, $0xA;
	s2 =	sadd.s32 s3, s2  }
0x8d: {  	s2 =	sadd.s32 s2, s17  }
0x8e: {  	[smem:$0x3FC4] =	sst s2  }
0x8f: {  	_ = 	snop  }
0x90: {  	s2 =	sld [smem:$0x3FC9]  }
0x91: {  	s18 =	sld [smem:$0x3FC8]  }
0x92: {  	s4 =	sld [smem:$0x3FC7]  }
0x93: {  	s5 =	sld [smem:$0x3FC6];
	(tm) =	ssettm $0x1  }
0x94: {  	s6 =	sld [smem:$0x3FFB];
	_ =	sdelay $0x3  }
0x95: {  	_ =	strace s6  }
0x96: {  	s6 =	sld [smem:$0x3FFC];
	_ =	sdelay $0x3  }
0x97: {  	_ =	strace s6  }
0x98: {  	s6 =	sld [smem:$0x3FFD];
	_ =	sdelay $0x3  }
0x99: {  	_ =	strace s6  }
0x9a: {  	_ =	strace $0x8FFFFFFF  }
0x9b: {  	s19 =	sld [smem:$0x3FDB];
	_ =	sdelay $0x1  }
0x9c: {  	s7 =	simm.s32 $_scs_section_size  }
0x9d: {  	s8 =	simm.s32 $_size__tile_overlayer_lowered;
	s9 =	simm.s32 $_tile_overlayer_lowered  }
0x9e: {  	s22 =	simm.s32 $0x1BFF;
	s21 =	sshll.u32 s9, $0x1;
	s6 =	sadd.s32 s7, s19  }
0x9f: {  	s10 =	simm.s32 $0x0;
	s20 =	sshll.u32 s8, $0x1;
	s8 =	sadd.s32 s21, s6  }
0xa0: {  	[timem:s10], [sflag:s22] =	dma.local [hbm:s8], s20  }
0xa1: {  	_ =	swait.ge [sflag:s22], s20  }
0xa2: {  	s7 =	ssub.s32 $0x0, s20;
	[sflag:s22] =	ssyncset.done $0x0  }
0xa3: {  	[sflag:s22] =	ssyncadd.s32 s7;
	_ =	sdelay $0x1  }
0xa4: {  	s23 =	simm.s32 $0x1B8B  }
0xa5: {  	_ =	swait.ge [sflag:s23], $0x1  }
0xa6: {  	[sflag:s23] =	ssyncset.done $0x0  }
0xa7: {  	s25 =	simm.s32 $0x1B8E;
	s24 =	sld [smem:$0x3FFE];
	[sflag:s23] =	ssyncadd.s32 $0xFFFFFFFF  }
0xa8: {  	s26 =	simm.s32 $execute0_lowered;
	[smem:$0x3FD2] =	sst s25  }
0xa9: {  	s8 =	sshll.u32 s26, $0x1;
	_ =	strace $0x80000046;
	[dreg:$0x1] =	wrdreg $0xFFFFFFFF  }
0xaa: {  	s28 =	simm.s32 $_size_execute0_lowered;
	s6 =	sadd.s32 s6, s8;
	[dreg:$0x0] =	wrdreg $0x0  }
0xab: {  	s8 =	sshll.u32 s28, $0x1;
	[dreg:$0x2] =	wrdreg s6  }
0xac: {  	[dreg:$0x3] =	wrdreg s8  }
0xad: {  	[dreg:$0x4] =	wrdreg $0xC0  }
0xae: {  	_ =	task [dreg:s10], $0x5FFFF  }
0xaf: {  	[dreg:$0x1] =	wrdreg $0xFFFFFFFF  }
0xb0: {  	[dreg:$0x0] =	wrdreg $0x60  }
0xb1: {  	[dreg:$0x2] =	wrdreg s2  }
0xb2: {  	[dreg:$0x3] =	wrdreg s18  }
0xb3: {  	[dreg:$0x4] =	wrdreg s4  }
0xb4: {  	[dreg:$0x5] =	wrdreg s5  }
0xb5: {  	[dreg:$0x6] =	wrdreg s24  }
0xb6: {  	[dreg:$0x7] =	wrdreg $0x9  }
0xb7: {  	_ =	task.clear_ibuf [dreg:s10], $0x8FFFF;
	_ =	strace $0x90000046  }
0xb8: {  	s29 =	simm.s32 $0x9;
	_ =	strace $0x80000048  }
0xb9: {  	_ =	swait.ge [sflag:s29], $0x1  }
0xba: {  	[sflag:s29] =	ssyncadd.s32 $0xFFFFFFFF  }
0xbb: {  	_ =	strace $0x90000048  }
0xbc: {  	_ =	sfence  }
0xbd: {  	s30 =	sld [smem:$0x0];
	_ =	sdelay $0x2  }
0xbe: {  	s31 =	sshll.u32 s1, $0xD;
	s1 =	sshrl.u32 s1, $0x2  }
0xbf: {  	s3 =	sand.u32 $0x4000, s31;
	s1 =	sadd.s32 s1, s30  }
0xc0: {  	s0 =	sor.u32 s3, s0;
	s1 =	sshll.u32 s1, $0x11  }
0xc1: {  	s0 =	sor.u32 s1, s0  }
0xc2: {  	s0 =	sadd.s32 $0x8F2B, s0  }
0xc3: {  	[sflag:s0] =	ssyncadd.remote.s32 $0x1  }
0xc4: {  	_ =	sfence.sel $0xFFFF  }
0xc5: {  	[dreg:$0x0] =	wrdreg $0xFFFFFFFF;
	(pc) =	sbr.abs _section_cstart, $3  }
0xc6: {  	[dreg:$0x1] =	wrdreg $0xFFFFFFFF  }
0xc7: {  	_ =	task.clear_ibuf [dreg:s10], $0x2FFFF;
	_ =	strace $0x9FFFFFFF  }
0xc8: {  	(tm) =	ssettm $0x7FFFFFFF  }
0xc9: {  	_ =	shalt  }
tec
execute0_lowered:
.L_overlay_start_1:
0x0: {  	(tag) =	ssettag $0x1  }
0x1: {  	s0 =	rddreg [dreg:$0x0]  }
0x2: {  	s1 =	rddreg [dreg:$0x1]  }
0x3: {  	s2 =	rddreg [dreg:$0x4];
	s4 =	simm.s32 $0x0;
	s3 =	srdreg.scid  }
0x4: {  	s25 =	stileid.u32;
	s16 =	simm.s32 $0x10000;
	[smem:$0x7FF] =	sst s4  }
0x5: {  	s3 =	sand.u32 $0x1, s3;
	s4 =	sshll.u32 s25, $0x5;
	s6 =	sadd.s32 $0xA00, s2  }
0x6: {  	s30 =	sadd.s32 $0xA40, s2;
	_ =	strace $0x80000047;
	s5 =	sshll.u32 s3, $0x4  }
0x7: {  	[dreg:$0x6] =	wrdreg s6;
	s3 =	ssub.s32 $0x2, s3;
	s26 =	sor.u32 s5, s4  }
0x8: {  	v0 =	vlaneseq.u32;
	[dreg:$0xc] =	wrdreg s30;
	s28 =	sshrl.u32 s3, $0x1;
	s5 =	sshrl.u32 s26, $0x3  }
0x9: {  	v0 =	vmul.u32 $0x4, v0;
	[dreg:$0x7] =	wrdreg s26;
	s6 =	sshll.u32 s26, $0xA;
	s1 =	sadd.s32 s1, s5  }
0xa: {  	s3 =	ssub.s32 s3, s28;
	s0 =	sadd.s32 s0, s6;
	[dreg:$0x8] =	wrdreg s1  }
0xb: {  	s17 =	simm.s32 $0x200;
	v3 =	vor.u32 $0x3, v0;
	s31 =	smax.u32 s3, $0x1;
	[dreg:$0x9] =	wrdreg s0  }
0xc: {  	s18 =	simm.s32 $0x400;
	v1 =	vor.u32 $0x1, v0;
	s29 =	sadd.s32 $0x40, s0;
	[dreg:$0xd] =	wrdreg s31  }
0xd: {  	s20 =	simm.s32 $0x1;
	s0 =	sadd.s32 $0x2000, s0;
	[dreg:$0xa] =	wrdreg s29  }
0xe: {  	s22 =	simm.s32 $0x2;
	s2 =	simm.s32 $0x0;
	v2 =	vor.u32 $0x2, v0;
	[dreg:$0xb] =	wrdreg s0  }
.LBB2_1:
0xf: {  	[dreg:$0xe] =	wrdreg s2  }
0x10: {  	s0 =	rddreg [dreg:$0x2]  }
0x11: {  	s1 =	simm.s32 $0x0;
	s26 =	simm.s32 $0x10080;
	s28 =	simm.s32 $0x5  }
0x12: {  	[tilespmem:s26], [sflag:$0x5] =	stream.linear.gather [hbm4b:s0+s1], $0x2000, $0x38;
	[tilespmem:$0x16880] =	vst v63  }
0x13: {  	_ =	swait.ge [sflag:s28], $0x2000  }
0x14: {  	[sflag:s28] =	ssyncset.done $0x0  }
0x15: {  	[sflag:s28] =	ssyncadd.s32 $0xFFFFE000  }
0x16: {  	s3 =	simm.s32 $0x12080;
	s29 =	rddreg [dreg:$0x3]  }
0x17: {  	[tilespmem:s3], [sflag:$0x5] =	stream.linear.gather [hbm4b:s29+s1], $0x800, $0x38;
	[tilespmem:$0x16880] =	vst v63  }
0x18: {  	_ =	swait.ge [sflag:s28], $0x800  }
0x19: {  	[sflag:s28] =	ssyncset.done $0x0  }
0x1a: {  	s30 =	rddreg [dreg:$0x8];
	[sflag:s28] =	ssyncadd.s32 $0xFFFFF800  }
0x1b: {  	[tilespmem:s16], [sflag:$0x5] =	stream.linear.gather [hbm4b:s30+s1], $0x10, $0x38;
	[tilespmem:$0x16880] =	vst v63  }
0x1c: {  	_ =	swait.ge [sflag:s28], $0x10  }
0x1d: {  	p1 =	por $0x1, $0x1;
	[sflag:s28] =	ssyncset.done $0x0  }
0x1e: {  	s0 =	simm.s32 $0x0;
	s31 =	rddreg [dreg:$0x9];
	[sflag:s28] =	ssyncadd.s32 $0xFFFFFFF0  }
0x1f: {  	[tilespmem:s1], [sflag:$0x1] =	stream.strided.gather [hbm4b:s31+s17], $0x8000, s18, s17, $0x38;
	[tilespmem:$0x16880] =	vst v63  }
.LBB2_2:
0x20: {  	s1 =	sshll.u32 s0, $0xD;
	s2 =	rddreg [dreg:$0xa];
	s28 =	sshll.u32 s0, $0x3  }
0x21: {  	s10 =	simm.s32 $0x8000;
	s1 =	sadd.s32 s1, s2;
	v4 =	vmov s28  }
0x22: {  	[tilespmem:s10], [sflag:$0x2] =	stream.strided.gather [hbm4b:s1+s17], $0x8000, s18, s17, $0x38;
	v4 =	vand.u32 $0xFFFFFFF8, v4;
	[tilespmem:$0x16880] =	vst v63  }
0x23: {  	_ =	swait.ge [sflag:s20], $0x8000;
	v4 =	vbroadcast v4, $0x0  }
0x24: {  	s0 =	sor.u32 $0x1, s28;
	[sflag:s20] =	ssyncset.done $0x0  }
0x25: {  	v5 =	vmov s0;
	s0 =	simm.s32 @!p1 $0x3;
	[sflag:s20] =	ssyncadd.s32 $0xFFFF8000  }
0x26: {  	_ =	swait.ge @!p1 [sflag:s0], $0x2000  }
0x27: {  	[sflag:s0] =	ssyncset.done @!p1 $0x0  }
0x28: {  	[sflag:s0] =	ssyncadd.s32 @!p1 $0xFFFFE000  }
0x29: {  	s2 =	simm.s32 $0x380;
	v4 =	vld.idx.msk [tilespmem:v4+s16+$0x0], $0xffff  }
0x2a: {  	s13 =	simm.s32 $0xC0;
	v8 =	vld.idx.msk [tilespmem:v0+s2+$0xFFFFFEC0], $0xffff  }
0x2b: {  	s3 =	simm.s32 $0x0;
	v15 =	vld.idx.msk [tilespmem:v0+s13+$0x10080], $0xffff  }
0x2c: {  	v18 =	vld [tilespmem:s3+$0x120B0]  }
0x2d: {  	s12 =	sor.u32 $0x3, s28;
	v17 =	vld.idx.msk [tilespmem:v1+s13+$0x10080], $0xffff  }
0x2e: {  	v7 =	vmov s12;
	v9 =	vld.idx.msk [tilespmem:v2+s2+$0xFFFFFEC0], $0xffff  }
0x2f: {  	v7 =	vand.u32 $0xFFFFFFFB, v7;
	v20 =	vld.idx.msk [tilespmem:v2+s13+$0x10080], $0xffff  }
0x30: {  	v7 =	vbroadcast v7, $0x0;
	v10 =	vld.idx.msk [tilespmem:v3+s2+$0xFFFFFEC0], $0xffff  }
0x31: {  	v21 =	vld.idx.msk [tilespmem:v3+s13+$0x10080], $0xffff  }
0x32: {  	v24 =	vld.idx.msk [tilespmem:v0+s13+$0xFFC0], $0xffff  }
0x33: {  	v45 =	vld.idx.msk [tilespmem:v0+s13+$0x10000], $0xffff  }
0x34: {  	v13 =	vld.idx.msk [tilespmem:v0+s13+$0x10040], $0xffff  }
0x35: {  	v27 =	vld [tilespmem:s3+$0x12080]  }
0x36: {  	v14 =	vld.idx.msk [tilespmem:v7+s16+$0x0], $0xffff  }
0x37: {  	v7 =	vld.idx.msk [tilespmem:v1+s2+$0xFFFFFEC0], $0xffff  }
0x38: {  	v22 =	vld [tilespmem:s3+$0x12090];
	v4 =	vcvt.s32.f32 v4  }
0x39: {  	v25 =	vld [tilespmem:s3+$0x120A0]  }
0x3a: {  	s11 =	sor.u32 $0x2, s28;
	v26 =	vld.idx.msk [tilespmem:v1+s13+$0xFFC0], $0xffff;
	v8 =	vmul.f32 v8, v15;
	v11 =	vmul.f32 v4, v18  }
0x3b: {  	v6 =	vmov s11;
	v34 =	vld.idx.msk [tilespmem:v1+s13+$0x10000], $0xffff  }
0x3c: {  	v5 =	vand.u32 $0xFFFFFFF9, v5;
	v28 =	vld.idx.msk [tilespmem:v1+s13+$0x10040], $0xffff;
	v7 =	vmul.f32 v7, v17;
	v8 =	vadd.f32 v8, v11  }
0x3d: {  	v6 =	vand.u32 $0xFFFFFFFA, v6;
	v5 =	vbroadcast v5, $0x0;
	v19 =	vld.idx.msk [tilespmem:v1+s2+$0xFFFFFC80], $0xffff  }
0x3e: {  	v6 =	vbroadcast v6, $0x0;
	v35 =	vld.idx.msk [tilespmem:v1+s2+$0xFFFFFCC0], $0xffff;
	v7 =	vadd.f32 v7, v8;
	v8 =	vmul.f32 v9, v20  }
0x3f: {  	v36 =	vld.idx.msk [tilespmem:v1+s2+$0xFFFFFE80], $0xffff  }
0x40: {  	s4 =	simm.s32 $0x0;
	v33 =	vld.idx.msk [tilespmem:v2+s13+$0xFFC0], $0xffff;
	v7 =	vadd.f32 v8, v7;
	v8 =	vmul.f32 v10, v21  }
0x41: {  	s5 =	simm.s32 $0x30;
	s14 =	sand.u32 $0x1E00, s4;
	v29 =	vld.idx.msk [tilespmem:v2+s13+$0x10000], $0xffff  }
0x42: {  	s15 =	sand.u32 $0x70, s5;
	s0 =	sadd.s32 $0x12880, s14;
	v16 =	vld.idx.msk [tilespmem:v2+s13+$0x10040], $0xffff;
	v7 =	vadd.f32 v8, v7  }
0x43: {  	s3 =	sor.u32 s15, s0;
	v5 =	vld.idx.msk [tilespmem:v5+s16+$0x0], $0xffff  }
0x44: {  	v6 =	vld.idx.msk [tilespmem:v6+s16+$0x0], $0xffff;
	[tilespmem:s3+$0x0] =	vst v7  }
0x45: {  	v7 =	vld.idx.msk [tilespmem:v0+s2+$0xFFFFFF40], $0xffff  }
0x46: {  	v37 =	vld.idx.msk [tilespmem:v2+s2+$0xFFFFFC80], $0xffff  }
0x47: {  	v11 =	vld.idx.msk [tilespmem:v1+s2+$0xFFFFFF40], $0xffff  }
0x48: {  	v5 =	vcvt.s32.f32 v5;
	v9 =	vld.idx.msk [tilespmem:v0+s2+$0xFFFFFC80], $0xffff  }
0x49: {  	v12 =	vld.idx.msk [tilespmem:v2+s2+$0xFFFFFF40], $0xffff  }
0x4a: {  	v38 =	vld.idx.msk [tilespmem:v2+s2+$0xFFFFFCC0], $0xffff;
	v30 =	vmul.f32 v5, v18;
	v7 =	vmul.f32 v7, v15  }
0x4b: {  	v31 =	vld.idx.msk [tilespmem:v3+s2+$0xFFFFFF40], $0xffff  }
0x4c: {  	v8 =	vld.idx.msk [tilespmem:v0+s2+$0xFFFFFE80], $0xffff;
	v11 =	vmul.f32 v11, v17;
	v7 =	vadd.f32 v7, v30  }
0x4d: {  	v39 =	vld.idx.msk [tilespmem:v2+s2+$0xFFFFFE80], $0xffff;
	v40 =	vmul.f32 v4, v27  }
0x4e: {  	v10 =	vld.idx.msk [tilespmem:v0+s2+$0xFFFFFCC0], $0xffff;
	v9 =	vmul.f32 v9, v24;
	v7 =	vadd.f32 v11, v7;
	v11 =	vmul.f32 v12, v20  }
0x4f: {  	v43 =	vld.idx.msk [tilespmem:v3+s13+$0xFFC0], $0xffff;
	v19 =	vmul.f32 v19, v26;
	v35 =	vmul.f32 v35, v34  }
0x50: {  	v50 =	vld.idx.msk [tilespmem:v3+s2+$0xFFFFFC80], $0xffff;
	v9 =	vadd.f32 v9, v40;
	v7 =	vadd.f32 v11, v7;
	v11 =	vmul.f32 v31, v21  }
0x51: {  	v51 =	vld.idx.msk [tilespmem:v3+s2+$0xFFFFFCC0], $0xffff;
	v41 =	vmul.f32 v4, v22;
	v8 =	vmul.f32 v8, v13  }
0x52: {  	v9 =	vadd.f32 v19, v9;
	v19 =	vld.idx.msk [tilespmem:v3+s2+$0xFFFFFE80], $0xffff;
	v12 =	vmul.f32 v4, v25;
	v7 =	vadd.f32 v11, v7  }
0x53: {  	v10 =	vmul.f32 v10, v45;
	v31 =	vld.idx.msk [tilespmem:v3+s13+$0x10040], $0xffff;
	v11 =	vmul.f32 v37, v33  }
0x54: {  	v30 =	vld.idx.msk [tilespmem:v3+s13+$0x10000], $0xffff;
	v8 =	vadd.f32 v8, v12;
	v12 =	vmul.f32 v36, v28;
	[tilespmem:s3+$0x80] =	vst v7  }
0x55: {  	v10 =	vadd.f32 v10, v41;
	v9 =	vadd.f32 v11, v9;
	v11 =	vmul.f32 v50, v43;
	[tilespmem:$0x1FFB0] =	vst v29  }
0x56: {  	v52 =	vmul.f32 v39, v16;
	v8 =	vadd.f32 v12, v8;
	v12 =	vld.idx.msk [tilespmem:v0+s2+$0xFFFFFFC0], $0xffff;
	[tilespmem:$0x1FFC0] =	vst v16  }
0x57: {  	s19 =	sand.u32 $0x40, s4;
	v10 =	vadd.f32 v35, v10;
	v7 =	vmul.f32 v38, v29;
	v9 =	vadd.f32 v11, v9;
	v53 =	vld.idx.msk [tilespmem:v1+s2+$0xFFFFFFC0], $0xffff  }
0x58: {  	s23 =	sor.u32 s19, s0;
	v8 =	vadd.f32 v52, v8;
	v19 =	vmul.f32 v19, v31;
	v11 =	vld.idx.msk [tilespmem:v2+s2+$0xFFFFFFC0], $0xffff;
	[tilespmem:$0x1FFE0] =	vst v31  }
0x59: {  	s21 =	simm.s32 $0x10;
	s24 =	simm.s32 $0x20;
	v7 =	vadd.f32 v7, v10;
	v10 =	vmul.f32 v51, v30;
	v54 =	vld.idx.msk [tilespmem:v3+s2+$0xFFFFFFC0], $0xffff;
	[tilespmem:s23+$0x0] =	vst v9  }
0x5a: {  	s5 =	sand.u32 $0x50, s21;
	s1 =	sand.u32 $0x60, s24;
	v6 =	vcvt.s32.f32 v6;
	v8 =	vadd.f32 v19, v8;
	v9 =	vld.idx.msk [tilespmem:v0+s2+$0xFFFFFD00], $0xffff  }
0x5b: {  	s5 =	sor.u32 s5, s0;
	s0 =	sor.u32 s1, s0;
	v7 =	vadd.f32 v10, v7;
	v10 =	vld.idx.msk [tilespmem:v1+s2+$0xFFFFFD00], $0xffff  }
0x5c: {  	[tilespmem:s0+$0x0] =	vst v8;
	v8 =	vmul.f32 v6, v18;
	v59 =	vld.idx.msk [tilespmem:v2+s2+$0xFFFFFD00], $0xffff;
	v12 =	vmul.f32 v12, v15  }
0x5d: {  	[tilespmem:s5+$0x0] =	vst v7;
	v19 =	vld.idx.msk [tilespmem:v0+s2+$0xFFFFFF00], $0xffff  }
0x5e: {  	v7 =	vld.idx.msk [tilespmem:v0+s2+$0xFFFFFD40], $0xffff;
	v8 =	vadd.f32 v12, v8;
	v12 =	vmul.f32 v53, v17  }
0x5f: {  	v57 =	vmul.f32 v5, v27;
	v58 =	vmul.f32 v5, v22;
	v56 =	vld.idx.msk [tilespmem:v1+s2+$0xFFFFFF00], $0xffff  }
0x60: {  	v55 =	vld.idx.msk [tilespmem:v1+s2+$0xFFFFFD40], $0xffff;
	v11 =	vmul.f32 v11, v20;
	v9 =	vmul.f32 v9, v24;
	v8 =	vadd.f32 v12, v8  }
0x61: {  	s25 =	sand.u32 $0x7, s4;
	v60 =	vmul.f32 v5, v25;
	v61 =	vld.idx.msk [tilespmem:v3+s2+$0xFFFFFD00], $0xffff;
	v10 =	vmul.f32 v10, v26  }
0x62: {  	s1 =	sshll.u32 s25, $0x4;
	v42 =	vld.idx.msk [tilespmem:v2+s2+$0xFFFFFF00], $0xffff;
	v9 =	vadd.f32 v9, v57;
	v8 =	vadd.f32 v11, v8;
	v11 =	vmul.f32 v54, v21  }
0x63: {  	s7 =	sadd.s32 $0x0, s1;
	v12 =	vld.idx.msk [tilespmem:v2+s2+$0xFFFFFD40], $0xffff;
	v19 =	vmul.f32 v19, v13;
	v7 =	vmul.f32 v7, v45  }
0x64: {  	s1 =	sadd.s32 $0x30, s7;
	v63 =	vld.idx.msk [tilespmem:v3+s2+$0xFFFFFF00], $0xffff;
	v9 =	vadd.f32 v10, v9;
	v10 =	vmul.f32 v59, v33;
	v8 =	vadd.f32 v11, v8  }
0x65: {  	s6 =	simm.s32 $0x300;
	s8 =	sor.u32 $0x100, s1;
	v62 =	vld.idx.msk [tilespmem:v3+s2+$0xFFFFFD40], $0xffff;
	v36 =	vmul.f32 v56, v28;
	v37 =	vmul.f32 v55, v34;
	v19 =	vadd.f32 v19, v60  }
0x66: {  	s6 =	sor.u32 $0x1C0, s6;
	v7 =	vadd.f32 v7, v58;
	[tilespmem:s8+$0x12880] =	vst v8;
	v8 =	vadd.f32 v10, v9;
	v10 =	vmul.f32 v61, v43  }
0x67: {  	v11 =	vadd.f32 v36, v19;
	v9 =	vmul.f32 v42, v16;
	v49 =	vld.idx.msk [tilespmem:v0+s6+$0x0], $0xffff  }
0x68: {  	v7 =	vadd.f32 v37, v7;
	v12 =	vmul.f32 v12, v29;
	v50 =	vld.idx.msk [tilespmem:v1+s6+$0x0], $0xffff;
	v8 =	vadd.f32 v10, v8  }
0x69: {  	v51 =	vld.idx.msk [tilespmem:v2+s6+$0x0], $0xffff;
	v9 =	vadd.f32 v9, v11;
	v10 =	vmul.f32 v63, v31  }
0x6a: {  	v7 =	vadd.f32 v12, v7;
	v12 =	vmul.f32 v62, v30;
	v52 =	vld.idx.msk [tilespmem:v3+s6+$0x0], $0xffff;
	[tilespmem:s23+$0x80] =	vst v8  }
0x6b: {  	v8 =	vadd.f32 v10, v9;
	v53 =	vld.idx.msk [tilespmem:v0+s2+$0xFFFFFD80], $0xffff  }
0x6c: {  	v7 =	vadd.f32 v12, v7;
	v54 =	vld.idx.msk [tilespmem:v1+s2+$0xFFFFFD80], $0xffff  }
0x6d: {  	v55 =	vld.idx.msk [tilespmem:v2+s2+$0xFFFFFD80], $0xffff;
	[tilespmem:s0+$0x80] =	vst v8  }
0x6e: {  	[tilespmem:s5+$0x80] =	vst v7;
	v7 =	vld.idx.msk [tilespmem:v2+s2+$0xFFFFFF80], $0xffff  }
0x6f: {  	v48 =	vld.idx.msk [tilespmem:v0+s2+$0xFFFFFDC0], $0xffff  }
0x70: {  	v41 =	vld.idx.msk [tilespmem:v1+s2+$0xFFFFFDC0], $0xffff  }
0x71: {  	v42 =	vld.idx.msk [tilespmem:v2+s2+$0xFFFFFDC0], $0xffff  }
0x72: {  	v47 =	vld.idx.msk [tilespmem:v0+s2+$0xFFFFFF80], $0xffff  }
0x73: {  	v31 =	vld.idx.msk [tilespmem:v1+s2+$0xFFFFFF80], $0xffff;
	[tilespmem:$0x1FFD0] =	vst v7  }
0x74: {  	s29 =	simm.s32 $0x780;
	v56 =	vld.idx.msk [tilespmem:v3+s2+$0xFFFFFD80], $0xffff  }
0x75: {  	v7 =	vld.idx.msk [tilespmem:v1+s29+$0xFFFFFEC0], $0xffff  }
0x76: {  	s26 =	simm.s32 $0x1C0;
	v8 =	vld.idx.msk [tilespmem:v0+s29+$0xFFFFFEC0], $0xffff  }
0x77: {  	s8 =	simm.s32 $0x40;
	v38 =	vld.idx.msk [tilespmem:v0+s26+$0x10080], $0xffff  }
0x78: {  	v39 =	vld [tilespmem:s8+$0x120B0]  }
0x79: {  	v37 =	vld.idx.msk [tilespmem:v1+s26+$0x10080], $0xffff  }
0x7a: {  	v10 =	vld.idx.msk [tilespmem:v2+s29+$0xFFFFFEC0], $0xffff  }
0x7b: {  	v36 =	vld.idx.msk [tilespmem:v2+s26+$0x10080], $0xffff  }
0x7c: {  	v11 =	vld.idx.msk [tilespmem:v3+s29+$0xFFFFFEC0], $0xffff  }
0x7d: {  	v35 =	vld.idx.msk [tilespmem:v3+s26+$0x10080], $0xffff  }
0x7e: {  	v9 =	vld.idx.msk [tilespmem:v0+s26+$0xFFC0], $0xffff  }
0x7f: {  	v46 =	vld [tilespmem:s8+$0x12080];
	v12 =	vmul.f32 v4, v39;
	v19 =	vmul.f32 v8, v38  }
0x80: {  	v57 =	vld.idx.msk [tilespmem:v0+s29+$0xFFFFFC80], $0xffff  }
0x81: {  	v40 =	vld [tilespmem:s8+$0x12090];
	v12 =	vadd.f32 v19, v12;
	v19 =	vmul.f32 v7, v37  }
0x82: {  	v58 =	vld.idx.msk [tilespmem:v0+s29+$0xFFFFFCC0], $0xffff  }
0x83: {  	v44 =	vld [tilespmem:s8+$0x120A0];
	v10 =	vmul.f32 v10, v36;
	v12 =	vadd.f32 v19, v12  }
0x84: {  	v59 =	vld.idx.msk [tilespmem:v0+s29+$0xFFFFFE80], $0xffff  }
0x85: {  	s30 =	simm.s32 $0x100;
	v63 =	vld.idx.msk [tilespmem:v1+s29+$0xFFFFFC80], $0xffff;
	v11 =	vmul.f32 v11, v35;
	v10 =	vadd.f32 v10, v12  }
0x86: {  	s9 =	sand.u32 $0x1E00, s30;
	s10 =	simm.s32 $0x70;
	v15 =	vmul.f32 v49, v15;
	v49 =	vld.idx.msk [tilespmem:v1+s29+$0xFFFFFCC0], $0xffff  }
0x87: {  	s11 =	sadd.s32 $0x12880, s9;
	s13 =	sand.u32 $0x70, s10;
	v20 =	vmul.f32 v51, v20;
	v51 =	vld.idx.msk [tilespmem:v2+s29+$0xFFFFFC80], $0xffff;
	v10 =	vadd.f32 v11, v10  }
0x88: {  	s3 =	sor.u32 s13, s11;
	v8 =	vld.idx.msk [tilespmem:v0+s26+$0x10000], $0xffff  }
0x89: {  	v7 =	vld.idx.msk [tilespmem:v0+s26+$0x10040], $0xffff;
	[tilespmem:s3+$0x0] =	vst v10  }
0x8a: {  	v60 =	vld.idx.msk [tilespmem:v0+s29+$0xFFFFFF40], $0xffff  }
0x8b: {  	v19 =	vcvt.s32.f32 v14;
	v12 =	vld.idx.msk [tilespmem:v1+s26+$0xFFC0], $0xffff  }
0x8c: {  	v61 =	vld.idx.msk [tilespmem:v1+s29+$0xFFFFFF40], $0xffff  }
0x8d: {  	v18 =	vmul.f32 v19, v18;
	v11 =	vld.idx.msk [tilespmem:v1+s26+$0x10000], $0xffff  }
0x8e: {  	v17 =	vmul.f32 v50, v17;
	v62 =	vld.idx.msk [tilespmem:v2+s29+$0xFFFFFF40], $0xffff  }
0x8f: {  	v14 =	vmul.f32 v5, v39;
	v18 =	vadd.f32 v15, v18;
	v15 =	vld.idx.msk [tilespmem:v2+s26+$0xFFC0], $0xffff;
	v60 =	vmul.f32 v60, v38  }
0x90: {  	v23 =	vmov v13;
	v13 =	vmul.f32 v6, v27;
	v50 =	vmul.f32 v53, v24;
	v16 =	vld.idx.msk [tilespmem:v3+s29+$0xFFFFFF40], $0xffff  }
0x91: {  	v10 =	vld.idx.msk [tilespmem:v1+s26+$0x10040], $0xffff;
	v17 =	vadd.f32 v17, v18;
	v61 =	vmul.f32 v61, v37;
	v14 =	vadd.f32 v60, v14  }
0x92: {  	v18 =	vadd.f32 v50, v13;
	v13 =	vld.idx.msk [tilespmem:v2+s26+$0x10040], $0xffff  }
0x93: {  	v20 =	vadd.f32 v20, v17;
	v17 =	vld.idx.msk [tilespmem:v3+s26+$0xFFC0], $0xffff;
	v32 =	vmul.f32 v62, v36;
	v53 =	vadd.f32 v61, v14  }
0x94: {  	v62 =	vmul.f32 v54, v26;
	v54 =	vld.idx.msk [tilespmem:v2+s29+$0xFFFFFCC0], $0xffff  }
0x95: {  	v21 =	vmul.f32 v52, v21;
	v16 =	vmul.f32 v16, v35;
	v60 =	vld.idx.msk [tilespmem:v1+s29+$0xFFFFFE80], $0xffff;
	v53 =	vadd.f32 v32, v53  }
0x96: {  	v18 =	vadd.f32 v62, v18;
	v62 =	vmul.f32 v57, v9;
	v57 =	vld.idx.msk [tilespmem:v3+s29+$0xFFFFFC80], $0xffff;
	v32 =	vmul.f32 v55, v33  }
0x97: {  	v59 =	vmul.f32 v59, v7;
	v20 =	vadd.f32 v21, v20;
	v14 =	vld.idx.msk [tilespmem:v2+s26+$0x10000], $0xffff;
	v53 =	vadd.f32 v16, v53  }
0x98: {  	v21 =	vmul.f32 v4, v44;
	v61 =	vmul.f32 v56, v43;
	v55 =	vld.idx.msk [tilespmem:v2+s29+$0xFFFFFE80], $0xffff;
	v18 =	vadd.f32 v32, v18  }
0x99: {  	p0 =	por p1, p1;
	p1 =	por $0x0, $0x0;
	s5 =	simm.s32 $0x1;
	v52 =	vmul.f32 v4, v46;
	v63 =	vmul.f32 v63, v12;
	v16 =	vld.idx.msk [tilespmem:v3+s26+$0x10000], $0xffff;
	[tilespmem:s3+$0x80] =	vst v53  }
0x9a: {  	s5 =	simm.s32 @!p1 $0x0;
	v21 =	vadd.f32 v59, v21;
	v50 =	vadd.f32 v61, v18;
	v61 =	vmul.f32 v58, v8;
	v58 =	vld.idx.msk [tilespmem:v0+s29+$0xFFFFFFC0], $0xffff  }
0x9b: {  	s5 =	sshll.u32 s5, $0x6;
	v62 =	vadd.f32 v62, v52;
	v52 =	vmul.f32 v60, v10;
	v32 =	vmul.f32 v4, v40;
	v56 =	vld.idx.msk [tilespmem:v1+s29+$0xFFFFFFC0], $0xffff  }
0x9c: {  	s5 =	sadd.s32 $0x0, s5;
	v49 =	vmul.f32 v49, v11;
	v51 =	vmul.f32 v51, v15;
	v59 =	vld.idx.msk [tilespmem:v2+s29+$0xFFFFFFC0], $0xffff  }
0x9d: {  	s14 =	sor.u32 $0x100, s5;
	v21 =	vadd.f32 v52, v21;
	v52 =	vld.idx.msk [tilespmem:v3+s29+$0xFFFFFFC0], $0xffff;
	v55 =	vmul.f32 v55, v13;
	v53 =	vadd.f32 v61, v32  }
0x9e: {  	[tilespmem:s14+$0x12880] =	vst v50;
	v50 =	vadd.f32 v63, v62;
	v32 =	vmul.f32 v6, v39;
	v61 =	vmul.f32 v19, v27  }
0x9f: {  	v27 =	vmul.f32 v54, v14;
	v63 =	vmul.f32 v57, v17;
	v49 =	vadd.f32 v49, v53;
	v53 =	vld.idx.msk [tilespmem:v3+s29+$0xFFFFFCC0], $0xffff  }
0xa0: {  	v18 =	vld.idx.msk [tilespmem:v3+s26+$0x10040], $0xffff;
	v21 =	vadd.f32 v55, v21;
	v55 =	vmul.f32 v6, v25;
	v58 =	vmul.f32 v58, v38  }
0xa1: {  	v50 =	vadd.f32 v51, v50;
	v51 =	vld.idx.msk [tilespmem:v3+s29+$0xFFFFFE80], $0xffff;
	v56 =	vmul.f32 v56, v37;
	v27 =	vadd.f32 v27, v49  }
0xa2: {  	s0 =	simm.s32 $0x40;
	v49 =	vmul.f32 v19, v25;
	v25 =	vmul.f32 v52, v35;
	v52 =	vld.idx.msk [tilespmem:v2+s2+$0xFFFFFE00], $0xffff;
	v62 =	vadd.f32 v58, v32  }
0xa3: {  	s15 =	sand.u32 $0x40, s0;
	v57 =	vmul.f32 v6, v22;
	v59 =	vmul.f32 v59, v36;
	v58 =	vld.idx.msk [tilespmem:v3+s2+$0xFFFFFDC0], $0xffff;
	v32 =	vadd.f32 v63, v50  }
0xa4: {  	s12 =	sor.u32 s15, s11;
	s3 =	simm.s32 $0x4;
	v50 =	vmul.f32 v19, v22;
	v22 =	vmul.f32 v53, v16;
	v54 =	vadd.f32 v56, v62;
	v56 =	vld.idx.msk [tilespmem:v3+s2+$0xFFFFFF80], $0xffff  }
0xa5: {  	s19 =	sand.u32 $0x7, s3;
	v62 =	vld.idx.msk [tilespmem:v0+s2+$0xFFFFFE00], $0xffff;
	[tilespmem:s12+$0x0] =	vst v32  }
0xa6: {  	s9 =	simm.s32 $0x50;
	s1 =	sor.u32 $0x180, s1;
	s6 =	sshll.u32 s19, $0x4;
	v22 =	vadd.f32 v22, v27;
	v27 =	vmul.f32 v51, v18;
	v51 =	vld.idx.msk [tilespmem:v3+s2+$0xFFFFFE00], $0xffff;
	v59 =	vadd.f32 v59, v54  }
0xa7: {  	s9 =	sand.u32 $0x50, s9;
	[tilespmem:s1+$0x12880] =	vst v20;
	v20 =	vmul.f32 v47, v23;
	s6 =	sadd.s32 $0x100, s6;
	v47 =	vld.idx.msk [tilespmem:v0+s29+$0xFFFFFD00], $0xffff  }
0xa8: {  	s13 =	sor.u32 s9, s11;
	s15 =	simm.s32 $0x60;
	v48 =	vmul.f32 v48, v45;
	s14 =	sadd.s32 $0x30, s6;
	v53 =	vld.idx.msk [tilespmem:v1+s29+$0xFFFFFD00], $0xffff;
	v25 =	vadd.f32 v25, v59  }
0xa9: {  	s21 =	sand.u32 $0x60, s15;
	s23 =	sor.u32 $0x100, s14;
	v54 =	vld.idx.msk [tilespmem:v1+s2+$0xFFFFFE00], $0xffff;
	[tilespmem:s13+$0x0] =	vst v22;
	v21 =	vadd.f32 v27, v21  }
0xaa: {  	s8 =	sor.u32 s21, s11;
	v48 =	vadd.f32 v48, v57;
	v20 =	vadd.f32 v20, v55;
	v55 =	vld.idx.msk [tilespmem:v0+s29+$0xFFFFFD40], $0xffff;
	[tilespmem:s23+$0x12880] =	vst v25  }
0xab: {  	v22 =	vmul.f32 v41, v34;
	v41 =	vmov v28;
	v25 =	vmul.f32 v31, v28;
	v28 =	vld [tilespmem:$0x1FFB0];
	[tilespmem:s8+$0x0] =	vst v21  }
0xac: {  	v31 =	vld [tilespmem:$0x1FFC0]  }
0xad: {  	v21 =	vadd.f32 v22, v48;
	v22 =	vld [tilespmem:$0x1FFD0]  }
0xae: {  	s1 =	simm.s32 $0x700;
	v57 =	vld.idx.msk [tilespmem:v0+s29+$0xFFFFFF00], $0xffff;
	v25 =	vadd.f32 v25, v20;
	v20 =	vmul.f32 v6, v46  }
0xaf: {  	v29 =	vmov v34;
	s24 =	sor.u32 $0x1C0, s1;
	v33 =	vmul.f32 v52, v33;
	v34 =	vld [tilespmem:$0x1FFE0]  }
0xb0: {  	v24 =	vmul.f32 v62, v24;
	v27 =	vmul.f32 v42, v28;
	v42 =	vld.idx.msk [tilespmem:v0+s24+$0x0], $0xffff;
	[tilespmem:$0x1FFF0] =	vst v20  }
0xb1: {  	v48 =	vmul.f32 v5, v46;
	v20 =	vmul.f32 v19, v46;
	v46 =	vld.idx.msk [tilespmem:v1+s24+$0x0], $0xffff  }
0xb2: {  	v59 =	vmul.f32 v5, v40;
	v26 =	vmul.f32 v54, v26;
	v24 =	vadd.f32 v24, v61;
	v60 =	vld.idx.msk [tilespmem:v2+s24+$0x0], $0xffff  }
0xb3: {  	v32 =	vmov v23;
	v62 =	vmul.f32 v5, v44;
	v22 =	vmul.f32 v22, v31;
	v23 =	vld.idx.msk [tilespmem:v1+s29+$0xFFFFFF00], $0xffff  }
0xb4: {  	v24 =	vadd.f32 v26, v24;
	v26 =	vld.idx.msk [tilespmem:v2+s29+$0xFFFFFF00], $0xffff;
	v21 =	vadd.f32 v27, v21;
	v27 =	vmul.f32 v58, v30  }
0xb5: {  	v43 =	vmul.f32 v51, v43;
	v56 =	vmul.f32 v56, v34;
	v52 =	vld.idx.msk [tilespmem:v3+s29+$0xFFFFFD00], $0xffff;
	v22 =	vadd.f32 v22, v25  }
0xb6: {  	s26 =	sadd.s32 $0x10, s7;
	v51 =	vmul.f32 v53, v12;
	v61 =	vmul.f32 v55, v8;
	v53 =	vld.idx.msk [tilespmem:v3+s29+$0xFFFFFD40], $0xffff;
	v63 =	vadd.f32 v27, v21  }
0xb7: {  	s4 =	sand.u32 $0x3, s4;
	s11 =	sor.u32 $0x100, s26;
	v25 =	vmul.f32 v6, v40;
	v54 =	vadd.f32 v56, v22;
	v22 =	vmul.f32 v19, v40;
	v40 =	vld.idx.msk [tilespmem:v2+s29+$0xFFFFFD00], $0xffff  }
0xb8: {  	s4 =	sshll.u32 s4, $0x5;
	v57 =	vmul.f32 v57, v7;
	v58 =	vld.idx.msk [tilespmem:v1+s29+$0xFFFFFD40], $0xffff;
	[tilespmem:s11+$0x12880] =	vst v63;
	v63 =	vmul.f32 v47, v9  }
0xb9: {  	s25 =	sadd.s32 $0x0, s4;
	v27 =	vmul.f32 v6, v44;
	v21 =	vmul.f32 v19, v44;
	v56 =	vld.idx.msk [tilespmem:v3+s24+$0x0], $0xffff  }
0xba: {  	s10 =	sadd.s32 $0x20, s25;
	v38 =	vmul.f32 v42, v38;
	v47 =	vld.idx.msk [tilespmem:v2+s29+$0xFFFFFD40], $0xffff;
	v44 =	vadd.f32 v63, v48;
	v63 =	vmul.f32 v19, v39  }
0xbb: {  	s15 =	sor.u32 $0x100, s10;
	v24 =	vadd.f32 v33, v24;
	v23 =	vmul.f32 v23, v10;
	v48 =	vld.idx.msk [tilespmem:v3+s29+$0xFFFFFF00], $0xffff;
	v39 =	vadd.f32 v57, v62  }
0xbc: {  	[tilespmem:s15+$0x12880] =	vst v54;
	v42 =	vadd.f32 v51, v44;
	v33 =	vadd.f32 v38, v63;
	v63 =	vmul.f32 v40, v15  }
0xbd: {  	v59 =	vadd.f32 v61, v59;
	v26 =	vmul.f32 v26, v13;
	v61 =	vmul.f32 v58, v11;
	v40 =	vld.idx.msk [tilespmem:v0+s2+$0x0], $0xffff  }
0xbe: {  	v54 =	vld.idx.msk [tilespmem:v0+s2+$0xFFFFFE40], $0xffff;
	v58 =	vmul.f32 v52, v17;
	v23 =	vadd.f32 v23, v39;
	v38 =	vadd.f32 v63, v42  }
0xbf: {  	v24 =	vadd.f32 v43, v24;
	v55 =	vmul.f32 v47, v14;
	v47 =	vld.idx.msk [tilespmem:v1+s2+$0x0], $0xffff  }
0xc0: {  	v57 =	vld.idx.msk [tilespmem:v1+s2+$0xFFFFFE40], $0xffff;
	v23 =	vadd.f32 v26, v23;
	v63 =	vmul.f32 v48, v18;
	v26 =	vadd.f32 v58, v38  }
0xc1: {  	v37 =	vmul.f32 v46, v37;
	v36 =	vmul.f32 v60, v36;
	v44 =	vadd.f32 v61, v59;
	v48 =	vld.idx.msk [tilespmem:v2+s2+$0x0], $0xffff  }
0xc2: {  	v62 =	vld.idx.msk [tilespmem:v2+s2+$0xFFFFFE40], $0xffff;
	v23 =	vadd.f32 v63, v23;
	[tilespmem:s12+$0x80] =	vst v26;
	v26 =	vmul.f32 v40, v32  }
0xc3: {  	v61 =	vmul.f32 v53, v16;
	v53 =	vld.idx.msk [tilespmem:v3+s2+$0x0], $0xffff;
	v33 =	vadd.f32 v37, v33;
	v59 =	vadd.f32 v55, v44  }
0xc4: {  	v35 =	vmul.f32 v56, v35;
	s15 =	rddreg [dreg:$0x7];
	[tilespmem:s8+$0x80] =	vst v23;
	v23 =	vadd.f32 v26, v49;
	v26 =	vmul.f32 v47, v41  }
0xc5: {  	v52 =	vld.idx.msk [tilespmem:v3+s2+$0xFFFFFE40], $0xffff;
	v51 =	vmul.f32 v54, v45;
	v33 =	vadd.f32 v36, v33;
	v37 =	vadd.f32 v61, v59  }
0xc6: {  	v57 =	vmul.f32 v57, v29;
	v54 =	vld.idx.msk [tilespmem:v0+s29+$0xFFFFFD80], $0xffff;
	v42 =	vmul.f32 v48, v31;
	v23 =	vadd.f32 v26, v23  }
0xc7: {  	s4 =	simm.s32 $0x4;
	s5 =	sor.u32 $0x180, s5;
	v55 =	vadd.f32 v51, v50;
	v33 =	vadd.f32 v35, v33;
	[tilespmem:s13+$0x80] =	vst v37;
	v29 =	vld.idx.msk [tilespmem:v1+s29+$0xFFFFFD80], $0xffff  }
0xc8: {  	s25 =	simm.s32 $0x4;
	s23 =	sor.u32 $0x180, s26;
	s26 =	sor.u32 $0x180, s14;
	v61 =	vmul.f32 v53, v34;
	[tilespmem:s5+$0x12880] =	vst v24;
	v58 =	vld.idx.msk [tilespmem:v0+s29+$0xFFFFFDC0], $0xffff;
	v23 =	vadd.f32 v42, v23  }
0xc9: {  	s9 =	simm.s32 $0x1;
	p1 =	por !p1, !p1;
	s19 =	simm.s32 $0x2;
	v60 =	vmul.f32 v62, v28;
	v32 =	vadd.f32 v57, v55;
	v59 =	vld.idx.msk [tilespmem:v0+s29+$0xFFFFFF80], $0xffff;
	[tilespmem:s26+$0x12880] =	vst v33  }
0xca: {  	s9 =	simm.s32 @!p1 $0x0;
	p1 =	por !p1, !p1;
	s2 =	sand.u32 $0x3, s19;
	v24 =	vadd.f32 v61, v23;
	v23 =	vld [tilespmem:$0x1FFF0]  }
0xcb: {  	s21 =	sshll.u32 s9, $0x6;
	s6 =	sadd.s32 $0x10, s6;
	v30 =	vmul.f32 v52, v30;
	s2 =	sshll.u32 s2, $0x5;
	v28 =	vld.idx.msk [tilespmem:v1+s29+$0xFFFFFDC0], $0xffff;
	v32 =	vadd.f32 v60, v32  }
0xcc: {  	s7 =	sor.u32 $0x180, s6;
	s14 =	simm.s32 $0x780;
	s2 =	sadd.s32 $0x100, s2;
	v31 =	vld.idx.msk [tilespmem:v2+s29+$0xFFFFFD80], $0xffff  }
0xcd: {  	s24 =	sadd.s32 $0x100, s21;
	s2 =	sadd.s32 $0x20, s2;
	s13 =	sor.u32 $0x180, s10;
	v26 =	vld.idx.msk [tilespmem:v1+s29+$0xFFFFFF80], $0xffff;
	v63 =	vadd.f32 v30, v32;
	v62 =	vmul.f32 v54, v9  }
0xce: {  	s8 =	sor.u32 $0x100, s24;
	s12 =	sor.u32 $0x100, s2;
	s2 =	sor.u32 $0x180, s2;
	v30 =	vld.idx.msk [tilespmem:v2+s29+$0xFFFFFDC0], $0xffff;
	v34 =	vmul.f32 v58, v8  }
0xcf: {  	s31 =	sor.u32 s15, s28;
	s15 =	sor.u32 $0x180, s24;
	s24 =	sor.u32 $0x100, s6;
	v32 =	vmul.f32 v59, v7;
	[tilespmem:s23+$0x12880] =	vst v63;
	v33 =	vadd.f32 v62, v23;
	v23 =	vld.idx.msk [tilespmem:v2+s29+$0xFFFFFF80], $0xffff  }
.LBB2_3:
0xd0: {  	s6 =	simm.s32 $0x1  }
0xd1: {  	s5 =	sand.u32 $0x3, s4;
	v29 =	vmul.f32 v29, v12;
	v35 =	vld.idx.msk [tilespmem:v3+s29+$0xFFFFFD80], $0xffff;
	v25 =	vadd.f32 v34, v25;
	s14 =	sadd.s32 $0x400, s14;
	[tilespmem:s13+$0x12880] =	vst v24;
	s6 =	simm.s32 @!p1 $0x0  }
0xd2: {  	v34 =	vmul.f32 v28, v11;
	s1 =	sadd.s32 $0x400, s1;
	s5 =	sshll.u32 s5, $0x5;
	v27 =	vadd.f32 v32, v27;
	s13 =	sshll.u32 s6, $0x6;
	v24 =	vld.idx.msk [tilespmem:v1+s14+$0xFFFFFEC0], $0xffff  }
0xd3: {  	s25 =	sadd.s32 $0x4, s25;
	s30 =	sadd.s32 $0x100, s30;
	v26 =	vmul.f32 v26, v10;
	s6 =	sshra.s32 s1, $0x2;
	v29 =	vadd.f32 v29, v33;
	v36 =	vld.idx.msk [tilespmem:v0+s14+$0xFFFFFEC0], $0xffff  }
0xd4: {  	s9 =	sshra.s32 s30, $0x2;
	p2 =	slt.u32 s25, $0x7C;
	s5 =	sadd.s32 s30, s5;
	v31 =	vmul.f32 v31, v15;
	v25 =	vadd.f32 v34, v25;
	v28 =	vld.idx.msk [tilespmem:v0+s6+$0x10080], $0xffff  }
0xd5: {  	s19 =	sadd.s32 s13, s30;
	s21 =	sadd.s32 $0x20, s5;
	v33 =	vmul.f32 v30, v14;
	v26 =	vadd.f32 v26, v27;
	s13 =	smov.u32 s2;
	v32 =	vld [tilespmem:s9+$0x120B0]  }
0xd6: {  	s23 =	sor.u32 $0x100, s19;
	s5 =	sor.u32 $0x100, s21;
	s2 =	sor.u32 $0x180, s21;
	v27 =	vadd.f32 v31, v29;
	v23 =	vmul.f32 v23, v13;
	v30 =	vld.idx.msk [tilespmem:v1+s6+$0x10080], $0xffff  }
0xd7: {  	s26 =	sor.u32 $0x180, s19;
	v29 =	vmul.f32 v35, v17;
	v42 =	vadd.f32 v33, v25;
	v34 =	vld.idx.msk [tilespmem:v2+s14+$0xFFFFFEC0], $0xffff  }
0xd8: {  	v41 =	vadd.f32 v23, v26;
	v31 =	vld.idx.msk [tilespmem:v2+s6+$0x10080], $0xffff  }
0xd9: {  	v25 =	vadd.f32 v29, v27;
	v23 =	vld.idx.msk [tilespmem:v3+s14+$0xFFFFFEC0], $0xffff  }
0xda: {  	v33 =	vmul.f32 v36, v28;
	v29 =	vld.idx.msk [tilespmem:v3+s6+$0x10080], $0xffff;
	v27 =	vmul.f32 v4, v32  }
0xdb: {  	v43 =	vld.idx.msk [tilespmem:v0+s6+$0xFFC0], $0xffff;
	[tilespmem:s8+$0x12880] =	vst v25;
	s8 =	smov.u32 s23  }
0xdc: {  	v26 =	vld.idx.msk [tilespmem:v0+s6+$0x10000], $0xffff;
	v25 =	vadd.f32 v33, v27;
	v27 =	vmul.f32 v24, v30  }
0xdd: {  	v24 =	vld.idx.msk [tilespmem:v0+s6+$0x10040], $0xffff  }
0xde: {  	v33 =	vld [tilespmem:s9+$0x12080];
	v25 =	vadd.f32 v27, v25;
	v27 =	vmul.f32 v34, v31  }
0xdf: {  	v34 =	vld.idx.msk [tilespmem:v0+s14+$0xFFFFFC80], $0xffff  }
0xe0: {  	s0 =	sadd.s32 $0x40, s0;
	v23 =	vmul.f32 v23, v29;
	v36 =	vld [tilespmem:s9+$0x12090];
	v25 =	vadd.f32 v27, v25  }
0xe1: {  	s19 =	sand.u32 $0x1E00, s30;
	s21 =	sadd.s32 $0x10, s0;
	s23 =	sadd.s32 $0x30, s0;
	v27 =	vld.idx.msk [tilespmem:v0+s14+$0xFFFFFCC0], $0xffff  }
0xe2: {  	s10 =	sadd.s32 $0x12880, s19;
	s19 =	sadd.s32 $0x20, s0;
	v37 =	vld [tilespmem:s9+$0x120A0];
	s9 =	sand.u32 $0x70, s23;
	v25 =	vadd.f32 v23, v25  }
0xe3: {  	s21 =	sand.u32 $0x50, s21;
	s19 =	sand.u32 $0x60, s19;
	v35 =	vmul.f32 v4, v33;
	v44 =	vmul.f32 v5, v33;
	v38 =	vld.idx.msk [tilespmem:v0+s14+$0xFFFFFE80], $0xffff;
	s9 =	sor.u32 s9, s10  }
0xe4: {  	s21 =	sor.u32 s21, s10;
	s19 =	sor.u32 s19, s10;
	s23 =	sand.u32 $0x40, s0;
	v23 =	vmul.f32 v6, v33;
	v47 =	vmul.f32 v19, v33;
	v48 =	vld.idx.msk [tilespmem:v1+s6+$0xFFC0], $0xffff;
	[tilespmem:s9+$0x0] =	vst v25  }
0xe5: {  	s23 =	sor.u32 s23, s10;
	v34 =	vmul.f32 v34, v43;
	v39 =	vmul.f32 v4, v36;
	v40 =	vld.idx.msk [tilespmem:v0+s14+$0xFFFFFF40], $0xffff  }
0xe6: {  	v45 =	vmul.f32 v5, v36;
	v25 =	vmul.f32 v6, v36;
	v33 =	vld.idx.msk [tilespmem:v1+s6+$0x10000], $0xffff  }
0xe7: {  	v49 =	vadd.f32 v34, v35;
	v34 =	vmul.f32 v27, v26;
	v50 =	vmul.f32 v4, v37;
	v51 =	vld.idx.msk [tilespmem:v1+s14+$0xFFFFFF40], $0xffff  }
0xe8: {  	v46 =	vmul.f32 v5, v37;
	v27 =	vmul.f32 v6, v37;
	v35 =	vld.idx.msk [tilespmem:v1+s6+$0x10040], $0xffff  }
0xe9: {  	v39 =	vadd.f32 v34, v39;
	v34 =	vmul.f32 v19, v36;
	v38 =	vmul.f32 v38, v24;
	v52 =	vld.idx.msk [tilespmem:v2+s14+$0xFFFFFF40], $0xffff  }
0xea: {  	v36 =	vmul.f32 v19, v37;
	v53 =	vld.idx.msk [tilespmem:v1+s14+$0xFFFFFC80], $0xffff  }
0xeb: {  	v37 =	vmul.f32 v5, v32;
	v50 =	vadd.f32 v38, v50;
	v38 =	vmul.f32 v40, v28;
	v40 =	vld.idx.msk [tilespmem:v3+s14+$0xFFFFFF40], $0xffff  }
0xec: {  	v54 =	vld.idx.msk [tilespmem:v1+s14+$0xFFFFFCC0], $0xffff  }
0xed: {  	v38 =	vadd.f32 v38, v37;
	v51 =	vmul.f32 v51, v30;
	v55 =	vld.idx.msk [tilespmem:v1+s14+$0xFFFFFE80], $0xffff  }
0xee: {  	v56 =	vld.idx.msk [tilespmem:v2+s6+$0xFFC0], $0xffff  }
0xef: {  	v51 =	vadd.f32 v51, v38;
	v52 =	vmul.f32 v52, v31;
	v37 =	vld.idx.msk [tilespmem:v2+s6+$0x10000], $0xffff  }
0xf0: {  	v53 =	vmul.f32 v53, v48;
	v38 =	vld.idx.msk [tilespmem:v2+s6+$0x10040], $0xffff  }
0xf1: {  	v51 =	vadd.f32 v52, v51;
	v40 =	vmul.f32 v40, v29;
	v57 =	vld.idx.msk [tilespmem:v2+s14+$0xFFFFFC80], $0xffff  }
0xf2: {  	v49 =	vadd.f32 v53, v49;
	v52 =	vmul.f32 v54, v33;
	v53 =	vld.idx.msk [tilespmem:v2+s14+$0xFFFFFCC0], $0xffff  }
0xf3: {  	v54 =	vmul.f32 v55, v35;
	v40 =	vadd.f32 v40, v51;
	v55 =	vld.idx.msk [tilespmem:v2+s14+$0xFFFFFE80], $0xffff  }
0xf4: {  	v52 =	vadd.f32 v52, v39;
	v51 =	vld.idx.msk [tilespmem:v3+s6+$0xFFC0], $0xffff  }
0xf5: {  	v50 =	vadd.f32 v54, v50;
	v39 =	vld.idx.msk [tilespmem:v3+s6+$0x10000], $0xffff;
	[tilespmem:s9+$0x80] =	vst v40  }
0xf6: {  	v54 =	vld.idx.msk [tilespmem:v0+s14+$0xFFFFFFC0], $0xffff  }
0xf7: {  	v57 =	vmul.f32 v57, v56;
	v40 =	vld.idx.msk [tilespmem:v3+s6+$0x10040], $0xffff  }
0xf8: {  	v53 =	vmul.f32 v53, v37;
	v58 =	vld.idx.msk [tilespmem:v1+s14+$0xFFFFFFC0], $0xffff  }
0xf9: {  	v49 =	vadd.f32 v57, v49;
	v55 =	vmul.f32 v55, v38;
	v57 =	vld.idx.msk [tilespmem:v3+s14+$0xFFFFFC80], $0xffff  }
0xfa: {  	v52 =	vadd.f32 v53, v52;
	v53 =	vld.idx.msk [tilespmem:v2+s14+$0xFFFFFFC0], $0xffff  }
0xfb: {  	v50 =	vadd.f32 v55, v50;
	v59 =	vld.idx.msk [tilespmem:v3+s14+$0xFFFFFCC0], $0xffff  }
0xfc: {  	v55 =	vmul.f32 v6, v32;
	v54 =	vmul.f32 v54, v28;
	v60 =	vld.idx.msk [tilespmem:v3+s14+$0xFFFFFFC0], $0xffff  }
0xfd: {  	v61 =	vld.idx.msk [tilespmem:v3+s14+$0xFFFFFE80], $0xffff  }
0xfe: {  	v54 =	vadd.f32 v54, v55;
	v55 =	vmul.f32 v58, v30;
	v58 =	vld.idx.msk [tilespmem:v3+s29+$0xFFFFFDC0], $0xffff  }
0xff: {  	v57 =	vmul.f32 v57, v51;
	v62 =	vld.idx.msk [tilespmem:v3+s29+$0xFFFFFF80], $0xffff  }
0x100: {  	s3 =	sadd.s32 $0x4, s3;
	v54 =	vadd.f32 v55, v54;
	v53 =	vmul.f32 v53, v31;
	v55 =	vld.idx.msk [tilespmem:v0+s29+$0xFFFFFE00], $0xffff  }
0x101: {  	s6 =	sand.u32 $0x7, s3;
	v49 =	vadd.f32 v57, v49;
	v57 =	vmul.f32 v59, v39;
	v59 =	vld.idx.msk [tilespmem:v1+s29+$0xFFFFFE00], $0xffff  }
0x102: {  	s6 =	sshll.u32 s6, $0x4;
	v53 =	vadd.f32 v53, v54;
	v54 =	vmul.f32 v60, v29;
	v60 =	vld.idx.msk [tilespmem:v2+s29+$0xFFFFFE00], $0xffff  }
0x103: {  	s6 =	sadd.s32 s30, s6;
	[tilespmem:s23+$0x0] =	vst v49;
	v49 =	vadd.f32 v57, v52;
	v52 =	vmul.f32 v61, v40;
	v57 =	vld.idx.msk [tilespmem:v3+s29+$0xFFFFFE00], $0xffff  }
0x104: {  	s9 =	sadd.s32 $0x30, s6;
	s6 =	sadd.s32 $0x10, s6;
	v53 =	vadd.f32 v54, v53;
	v54 =	vmul.f32 v58, v16;
	v61 =	vld.idx.msk [tilespmem:v0+s14+$0xFFFFFD00], $0xffff  }
0x105: {  	s10 =	sor.u32 $0x100, s6;
	s6 =	sor.u32 $0x180, s6;
	s11 =	sor.u32 $0x100, s9;
	v58 =	vld.idx.msk [tilespmem:v1+s14+$0xFFFFFD00], $0xffff;
	[tilespmem:s21+$0x0] =	vst v49;
	v49 =	vadd.f32 v52, v50;
	v50 =	vmul.f32 v62, v18  }
0x106: {  	v42 =	vadd.f32 v54, v42;
	v52 =	vld.idx.msk [tilespmem:v0+s14+$0xFFFFFD40], $0xffff;
	[tilespmem:s11+$0x12880] =	vst v53;
	s11 =	sor.u32 $0x1C0, s1;
	v53 =	vmul.f32 v55, v9;
	v9 =	vmov v43  }
0x107: {  	[tilespmem:s19+$0x0] =	vst v49;
	v43 =	vld.idx.msk [tilespmem:v0+s11+$0x0], $0xffff;
	v49 =	vmul.f32 v59, v12;
	v41 =	vadd.f32 v50, v41;
	v12 =	vmov v48  }
0x108: {  	v48 =	vld.idx.msk [tilespmem:v0+s14+$0xFFFFFF00], $0xffff;
	v50 =	vadd.f32 v53, v20;
	v53 =	vmul.f32 v60, v15;
	[tilespmem:s24+$0x12880] =	vst v42;
	v20 =	vmov v47;
	s24 =	smov.u32 s10  }
0x109: {  	v47 =	vmul.f32 v57, v17;
	v15 =	vmov v56;
	v17 =	vmov v51;
	v42 =	vld.idx.msk [tilespmem:v1+s11+$0x0], $0xffff;
	[tilespmem:s12+$0x12880] =	vst v41;
	s12 =	smov.u32 s5  }
0x10a: {  	v41 =	vmul.f32 v61, v9;
	v51 =	vld.idx.msk [tilespmem:v1+s14+$0xFFFFFD40], $0xffff;
	v49 =	vadd.f32 v49, v50  }
0x10b: {  	v50 =	vmul.f32 v58, v12;
	v54 =	vld.idx.msk [tilespmem:v2+s11+$0x0], $0xffff  }
0x10c: {  	v41 =	vadd.f32 v41, v44;
	v44 =	vmul.f32 v52, v26;
	v52 =	vld.idx.msk [tilespmem:v1+s14+$0xFFFFFF00], $0xffff;
	v49 =	vadd.f32 v53, v49  }
0x10d: {  	v32 =	vmul.f32 v19, v32;
	v28 =	vmul.f32 v43, v28;
	v43 =	vld.idx.msk [tilespmem:v3+s11+$0x0], $0xffff  }
0x10e: {  	v41 =	vadd.f32 v50, v41;
	v44 =	vadd.f32 v44, v45;
	v45 =	vmul.f32 v48, v24;
	v50 =	vld.idx.msk [tilespmem:v2+s14+$0xFFFFFD00], $0xffff  }
0x10f: {  	v28 =	vadd.f32 v28, v32;
	v30 =	vmul.f32 v42, v30;
	v32 =	vadd.f32 v47, v49;
	v48 =	vld.idx.msk [tilespmem:v2+s14+$0xFFFFFD40], $0xffff  }
0x110: {  	v42 =	vmul.f32 v51, v33;
	v45 =	vadd.f32 v45, v46;
	v46 =	vld.idx.msk [tilespmem:v2+s14+$0xFFFFFF00], $0xffff  }
0x111: {  	v28 =	vadd.f32 v30, v28;
	v30 =	vmul.f32 v54, v31;
	v47 =	vld.idx.msk [tilespmem:v3+s14+$0xFFFFFD00], $0xffff;
	[tilespmem:s15+$0x12880] =	vst v32;
	s15 =	smov.u32 s26  }
0x112: {  	v31 =	vadd.f32 v42, v44;
	v42 =	vmul.f32 v52, v35;
	v32 =	vld.idx.msk [tilespmem:v3+s14+$0xFFFFFD40], $0xffff  }
0x113: {  	v28 =	vadd.f32 v30, v28;
	v29 =	vmul.f32 v43, v29;
	v44 =	vld.idx.msk [tilespmem:v3+s14+$0xFFFFFF00], $0xffff  }
0x114: {  	v30 =	vmul.f32 v50, v15;
	v42 =	vadd.f32 v42, v45;
	v43 =	vld.idx.msk [tilespmem:v0+s29+$0xFFFFFE40], $0xffff  }
0x115: {  	v45 =	vmul.f32 v48, v37;
	v28 =	vadd.f32 v29, v28;
	v29 =	vld.idx.msk [tilespmem:v0+s29+$0x0], $0xffff  }
0x116: {  	s5 =	sor.u32 $0x180, s9;
	v30 =	vadd.f32 v30, v41;
	v41 =	vmul.f32 v46, v38;
	v46 =	vld.idx.msk [tilespmem:v1+s29+$0xFFFFFE40], $0xffff  }
0x117: {  	v47 =	vmul.f32 v47, v17;
	v31 =	vadd.f32 v45, v31;
	[tilespmem:s5+$0x12880] =	vst v28;
	v28 =	vld.idx.msk [tilespmem:v1+s29+$0x0], $0xffff  }
0x118: {  	v32 =	vmul.f32 v32, v39;
	v41 =	vadd.f32 v41, v42;
	v42 =	vld.idx.msk [tilespmem:v2+s29+$0xFFFFFE40], $0xffff  }
0x119: {  	v30 =	vadd.f32 v47, v30;
	v44 =	vmul.f32 v44, v40;
	v45 =	vld.idx.msk [tilespmem:v2+s29+$0x0], $0xffff  }
0x11a: {  	v31 =	vadd.f32 v32, v31;
	v32 =	vmul.f32 v43, v8;
	v8 =	vmov v26;
	v43 =	vld.idx.msk [tilespmem:v3+s29+$0xFFFFFE40], $0xffff  }
0x11b: {  	v26 =	vadd.f32 v44, v41;
	v29 =	vmul.f32 v29, v7;
	v7 =	vmov v24;
	[tilespmem:s23+$0x80] =	vst v30;
	v30 =	vld.idx.msk [tilespmem:v3+s29+$0x0], $0xffff;
	s29 =	smov.u32 s14  }
0x11c: {  	v41 =	vadd.f32 v32, v22;
	v24 =	vld.idx.msk [tilespmem:v0+s14+$0xFFFFFD80], $0xffff;
	[tilespmem:s21+$0x80] =	vst v31;
	v31 =	vmul.f32 v46, v11;
	v11 =	vmov v33  }
0x11d: {  	v28 =	vmul.f32 v28, v10;
	v10 =	vmov v35;
	v32 =	vld.idx.msk [tilespmem:v0+s14+$0xFFFFFDC0], $0xffff;
	[tilespmem:s19+$0x80] =	vst v26;
	v26 =	vadd.f32 v29, v21  }
0x11e: {  	v22 =	vmovc v34;
	v33 =	vmul.f32 v42, v14;
	v21 =	vmov v36;
	v35 =	vld.idx.msk [tilespmem:v0+s14+$0xFFFFFF80], $0xffff;
	v31 =	vadd.f32 v31, v41  }
0x11f: {  	v14 =	vmovc v37;
	v36 =	vmul.f32 v45, v13;
	v13 =	vmov v38;
	v29 =	vld.idx.msk [tilespmem:v1+s14+$0xFFFFFD80], $0xffff;
	v34 =	vadd.f32 v28, v26  }
.Ltmp0:
0x120: {  	v37 =	vmul.f32 v43, v16;
	v16 =	vmov v39;
	v28 =	vld.idx.msk [tilespmem:v1+s14+$0xFFFFFDC0], $0xffff;
	v33 =	vadd.f32 v33, v31;
	(pc) =	sbr.rel @p2 .LBB2_3-.Ltmp0, $4  }
0x121: {  	v38 =	vmul.f32 v30, v18;
	v18 =	vmov v40;
	v26 =	vld.idx.msk [tilespmem:v1+s14+$0xFFFFFF80], $0xffff;
	v36 =	vadd.f32 v36, v34  }
0x122: {  	v39 =	vmul.f32 v24, v9;
	v31 =	vld.idx.msk [tilespmem:v2+s14+$0xFFFFFD80], $0xffff;
	v37 =	vadd.f32 v37, v33  }
0x123: {  	v34 =	vmul.f32 v32, v8;
	v30 =	vld.idx.msk [tilespmem:v2+s14+$0xFFFFFDC0], $0xffff;
	v24 =	vadd.f32 v38, v36  }
0x124: {  	s4 =	sadd.s32 $0x2, s4;
	p1 =	por !p1, !p1;
	v33 =	vadd.f32 v39, v23;
	v32 =	vmul.f32 v35, v7;
	v23 =	vld.idx.msk [tilespmem:v2+s14+$0xFFFFFF80], $0xffff;
	[tilespmem:s7+$0x12880] =	vst v37;
	s7 =	smov.u32 s6  }
0x125: {  	_ =	sdelay $0x3  }
0x126: {  	v4 =	vld.idx.msk [tilespmem:v3+s29+$0xFFFFFD80], $0xffff  }
0x127: {  	v5 =	vmul.f32 v29, v12;
	_ =	sdelay $0x1  }
0x128: {  	v5 =	vadd.f32 v5, v33;
	v6 =	vmul.f32 v31, v15  }
0x129: {  	v19 =	vadd.f32 v34, v25;
	v25 =	vld.idx.msk [tilespmem:v3+s29+$0xFFFFFDC0], $0xffff  }
0x12a: {  	v28 =	vmul.f32 v28, v11;
	v5 =	vadd.f32 v6, v5;
	v6 =	vld.idx.msk [tilespmem:v3+s29+$0xFFFFFF80], $0xffff;
	v4 =	vmul.f32 v4, v17  }
0x12b: {  	v27 =	vadd.f32 v32, v27;
	v26 =	vmul.f32 v26, v10  }
0x12c: {  	v19 =	vadd.f32 v28, v19;
	v28 =	vmul.f32 v30, v14;
	v4 =	vadd.f32 v4, v5  }
0x12d: {  	v23 =	vmul.f32 v23, v13;
	v5 =	vadd.f32 v26, v27  }
0x12e: {  	v19 =	vadd.f32 v28, v19;
	[tilespmem:s8+$0x12880] =	vst v4;
	v4 =	vmul.f32 v25, v16  }
0x12f: {  	v5 =	vadd.f32 v23, v5;
	v6 =	vmul.f32 v6, v18;
	v23 =	vld.idx.msk [tilespmem:v0+s29+$0xFFFFFE00], $0xffff  }
0x130: {  	v25 =	vld.idx.msk [tilespmem:v1+s29+$0xFFFFFE00], $0xffff;
	v4 =	vadd.f32 v4, v19  }
0x131: {  	v19 =	vld.idx.msk [tilespmem:v2+s29+$0xFFFFFE00], $0xffff;
	v5 =	vadd.f32 v6, v5  }
0x132: {  	v6 =	vld.idx.msk [tilespmem:v3+s29+$0xFFFFFE00], $0xffff;
	[tilespmem:s24+$0x12880] =	vst v4  }
0x133: {  	[tilespmem:s12+$0x12880] =	vst v5;
	v4 =	vld.idx.msk [tilespmem:v0+s29+$0xFFFFFE40], $0xffff  }
0x134: {  	v5 =	vld.idx.msk [tilespmem:v0+s29+$0x0], $0xffff  }
0x135: {  	v26 =	vld.idx.msk [tilespmem:v1+s29+$0xFFFFFE40], $0xffff  }
0x136: {  	v27 =	vld.idx.msk [tilespmem:v1+s29+$0x0], $0xffff  }
0x137: {  	v9 =	vmul.f32 v23, v9;
	v23 =	vld.idx.msk [tilespmem:v2+s29+$0xFFFFFE40], $0xffff  }
0x138: {  	v28 =	vld.idx.msk [tilespmem:v2+s29+$0x0], $0xffff;
	v4 =	vmul.f32 v4, v8  }
0x139: {  	v9 =	vadd.f32 v9, v20;
	v8 =	vmul.f32 v25, v12;
	v12 =	vld.idx.msk [tilespmem:v3+s29+$0xFFFFFE40], $0xffff;
	v5 =	vmul.f32 v5, v7  }
0x13a: {  	v7 =	vmul.f32 v19, v15;
	v15 =	vld.idx.msk [tilespmem:v3+s29+$0x0], $0xffff;
	v11 =	vmul.f32 v26, v11;
	v4 =	vadd.f32 v4, v22  }
0x13b: {  	v8 =	vadd.f32 v8, v9;
	v5 =	vadd.f32 v5, v21;
	v9 =	vmul.f32 v27, v10  }
0x13c: {  	v6 =	vmul.f32 v6, v17;
	v10 =	vmul.f32 v23, v14;
	v4 =	vadd.f32 v11, v4  }
0x13d: {  	v7 =	vadd.f32 v7, v8;
	v5 =	vadd.f32 v9, v5;
	v8 =	vmul.f32 v28, v13  }
0x13e: {  	v9 =	vmul.f32 v12, v16;
	v4 =	vadd.f32 v10, v4  }
0x13f: {  	v6 =	vadd.f32 v6, v7;
	v5 =	vadd.f32 v8, v5;
	v7 =	vmul.f32 v15, v18  }
0x140: {  	[tilespmem:s13+$0x12880] =	vst v24;
	v4 =	vadd.f32 v9, v4  }
0x141: {  	[tilespmem:s15+$0x12880] =	vst v6;
	v5 =	vadd.f32 v7, v5  }
0x142: {  	[tilespmem:s7+$0x12880] =	vst v4  }
0x143: {  	s1 =	simm.s32 $0x12880;
	s9 =	sor.u32 $0x6, s28;
	[tilespmem:s2+$0x12880] =	vst v5  }
0x144: {  	s8 =	sor.u32 $0x5, s28;
	s29 =	sshll.u32 s31, $0x8;
	s0 =	rddreg [dreg:$0x6]  }
0x145: {  	s2 =	simm.s32 @p0 $0x0;
	s7 =	sor.u32 $0x4, s28;
	s0 =	sadd.s32 s0, s29  }
0x146: {  	[hbm4b:s0+s17] =	stream.strided.scatter [tilespmem:s1], [sflag:$0x3], $0x2000, s18, s17, $0x38;
	[tilespmem:$0x16880] =	vst v63  }
0x147: {  	s3 =	rddreg [dreg:$0xb];
	v4 =	vmov s7;
	s0 =	simm.s32 @p0 $0x200;
	s1 =	simm.s32 @p0 $0x400  }
0x148: {  	v5 =	vmov s8;
	v4 =	vand.u32 $0xFFFFFFFC, v4;
	[tilespmem:s2], [sflag:$0x1] =	stream.strided.gather @p0 [hbm4b:s3+s0], $0x8000, s1, s0, $0x38;
	[tilespmem:$0x16880] =	vst v63  }
0x149: {  	v6 =	vmov s9;
	v5 =	vand.u32 $0xFFFFFFFD, v5;
	v4 =	vbroadcast v4, $0x0;
	_ =	swait.ge [sflag:s22], $0x8000  }
0x14a: {  	v6 =	vand.u32 $0xFFFFFFFE, v6;
	v5 =	vbroadcast v5, $0x0;
	[sflag:s22] =	ssyncset.done $0x0  }
0x14b: {  	v6 =	vbroadcast v6, $0x0;
	s0 =	simm.s32 @!p0 $0x4;
	[sflag:s22] =	ssyncadd.s32 $0xFFFF8000  }
0x14c: {  	s10 =	sor.u32 $0x7, s28;
	_ =	swait.ge @!p0 [sflag:s0], $0x2000  }
0x14d: {  	v7 =	vmov s10;
	[sflag:s0] =	ssyncset.done @!p0 $0x0  }
0x14e: {  	[sflag:s0] =	ssyncadd.s32 @!p0 $0xFFFFE000  }
0x14f: {  	v4 =	vld.idx.msk [tilespmem:v4+s16+$0x0], $0xffff  }
0x150: {  	v5 =	vld.idx.msk [tilespmem:v5+s16+$0x0], $0xffff  }
0x151: {  	v8 =	vld.idx.msk [tilespmem:v6+s16+$0x0], $0xffff  }
0x152: {  	s11 =	simm.s32 $0x10140;
	v25 =	vld.idx.msk [tilespmem:v7+s16+$0x0], $0xffff  }
0x153: {  	v34 =	vld.idx.msk [tilespmem:v1+s11+$0x0], $0xffff  }
0x154: {  	s28 =	simm.s32 $0x83C0;
	v13 =	vld.idx.msk [tilespmem:v0+s11+$0x0], $0xffff  }
0x155: {  	s12 =	simm.s32 $0x0;
	v6 =	vld.idx.msk [tilespmem:v0+s28+$0xFFFFFE80], $0xffff  }
0x156: {  	v27 =	vld [tilespmem:s12+$0x120B0]  }
0x157: {  	v7 =	vld.idx.msk [tilespmem:v1+s28+$0xFFFFFE80], $0xffff  }
0x158: {  	v33 =	vld.idx.msk [tilespmem:v2+s11+$0x0], $0xffff  }
0x159: {  	v9 =	vld.idx.msk [tilespmem:v2+s28+$0xFFFFFE80], $0xffff  }
0x15a: {  	v29 =	vld.idx.msk [tilespmem:v3+s11+$0x0], $0xffff  }
0x15b: {  	v11 =	vld.idx.msk [tilespmem:v3+s28+$0xFFFFFE80], $0xffff  }
0x15c: {  	v31 =	vld [tilespmem:s12+$0x12080]  }
0x15d: {  	v32 =	vld.idx.msk [tilespmem:v0+s11+$0xFFFFFF40], $0xffff  }
0x15e: {  	v30 =	vld [tilespmem:s12+$0x12090]  }
0x15f: {  	v50 =	vld.idx.msk [tilespmem:v0+s11+$0xFFFFFF80], $0xffff;
	v4 =	vcvt.s32.f32 v4  }
0x160: {  	v28 =	vld [tilespmem:s12+$0x120A0]  }
0x161: {  	v43 =	vld.idx.msk [tilespmem:v0+s11+$0xFFFFFFC0], $0xffff;
	v6 =	vmul.f32 v6, v13;
	v10 =	vmul.f32 v4, v27  }
0x162: {  	v35 =	vld.idx.msk [tilespmem:v1+s11+$0xFFFFFF40], $0xffff  }
0x163: {  	v48 =	vld.idx.msk [tilespmem:v1+s11+$0xFFFFFF80], $0xffff;
	v7 =	vmul.f32 v7, v34;
	v6 =	vadd.f32 v6, v10  }
0x164: {  	v17 =	vld.idx.msk [tilespmem:v1+s28+$0xFFFFFC80], $0xffff  }
0x165: {  	v49 =	vld.idx.msk [tilespmem:v1+s11+$0xFFFFFFC0], $0xffff;
	v6 =	vadd.f32 v7, v6;
	v7 =	vmul.f32 v9, v33  }
0x166: {  	v37 =	vld.idx.msk [tilespmem:v2+s11+$0xFFFFFF40], $0xffff  }
0x167: {  	s13 =	simm.s32 $0x0;
	v19 =	vld.idx.msk [tilespmem:v2+s28+$0xFFFFFC40], $0xffff;
	v6 =	vadd.f32 v7, v6;
	v7 =	vmul.f32 v11, v29  }
0x168: {  	s4 =	simm.s32 $0x30;
	s14 =	sand.u32 $0x1E00, s13;
	v36 =	vld.idx.msk [tilespmem:v3+s11+$0xFFFFFF40], $0xffff  }
0x169: {  	s19 =	sand.u32 $0x70, s4;
	s15 =	sadd.s32 $0x14880, s14;
	v38 =	vld.idx.msk [tilespmem:v3+s28+$0xFFFFFC40], $0xffff;
	v6 =	vadd.f32 v7, v6  }
0x16a: {  	s3 =	sor.u32 s19, s15;
	v47 =	vld.idx.msk [tilespmem:v2+s11+$0xFFFFFF80], $0xffff  }
0x16b: {  	v10 =	vld.idx.msk [tilespmem:v0+s28+$0xFFFFFC40], $0xffff;
	[tilespmem:s3+$0x0] =	vst v6  }
0x16c: {  	v6 =	vld.idx.msk [tilespmem:v0+s28+$0xFFFFFF00], $0xffff  }
0x16d: {  	v7 =	vld.idx.msk [tilespmem:v1+s28+$0xFFFFFC40], $0xffff  }
0x16e: {  	v15 =	vld.idx.msk [tilespmem:v1+s28+$0xFFFFFF00], $0xffff  }
0x16f: {  	v51 =	vld.idx.msk [tilespmem:v2+s11+$0xFFFFFFC0], $0xffff;
	v5 =	vcvt.s32.f32 v5  }
0x170: {  	v22 =	vmul.f32 v4, v31;
	v10 =	vmul.f32 v10, v32;
	v16 =	vld.idx.msk [tilespmem:v2+s28+$0xFFFFFF00], $0xffff  }
0x171: {  	v59 =	vld.idx.msk [tilespmem:v3+s28+$0xFFFFFC80], $0xffff;
	v23 =	vmul.f32 v5, v27;
	v6 =	vmul.f32 v6, v13  }
0x172: {  	v10 =	vadd.f32 v10, v22;
	v18 =	vld.idx.msk [tilespmem:v3+s28+$0xFFFFFF00], $0xffff;
	v7 =	vmul.f32 v7, v35  }
0x173: {  	v9 =	vld.idx.msk [tilespmem:v0+s28+$0xFFFFFC80], $0xffff;
	v15 =	vmul.f32 v15, v34;
	v6 =	vadd.f32 v6, v23  }
0x174: {  	v19 =	vmul.f32 v19, v37;
	v11 =	vld.idx.msk [tilespmem:v0+s28+$0xFFFFFE40], $0xffff;
	v7 =	vadd.f32 v7, v10  }
0x175: {  	v22 =	vld.idx.msk [tilespmem:v1+s28+$0xFFFFFE40], $0xffff;
	v6 =	vadd.f32 v15, v6;
	v15 =	vmul.f32 v16, v33  }
0x176: {  	v10 =	vld.idx.msk [tilespmem:v2+s28+$0xFFFFFC80], $0xffff;
	v19 =	vadd.f32 v19, v7;
	v23 =	vmul.f32 v38, v36  }
0x177: {  	v7 =	vld.idx.msk [tilespmem:v3+s11+$0xFFFFFF80], $0xffff;
	v6 =	vadd.f32 v15, v6;
	v15 =	vmul.f32 v18, v29  }
0x178: {  	s21 =	sand.u32 $0x40, s13;
	v9 =	vmul.f32 v9, v50;
	v16 =	vld.idx.msk [tilespmem:v2+s28+$0xFFFFFE40], $0xffff;
	v19 =	vadd.f32 v23, v19;
	v18 =	vmul.f32 v4, v30  }
0x179: {  	s4 =	sor.u32 s21, s15;
	v11 =	vmul.f32 v11, v43;
	v23 =	vmul.f32 v4, v28;
	v15 =	vadd.f32 v15, v6;
	v6 =	vld.idx.msk [tilespmem:v3+s11+$0xFFFFFFC0], $0xffff  }
0x17a: {  	v17 =	vmul.f32 v17, v48;
	[tilespmem:s4+$0x0] =	vst v19;
	v9 =	vadd.f32 v9, v18;
	v18 =	vld.idx.msk [tilespmem:v3+s28+$0xFFFFFE40], $0xffff  }
0x17b: {  	v11 =	vadd.f32 v11, v23;
	v19 =	vmul.f32 v22, v49;
	[tilespmem:s3+$0x80] =	vst v15;
	v15 =	vld.idx.msk [tilespmem:v0+s28+$0xFFFFFCC0], $0xffff  }
0x17c: {  	v10 =	vmul.f32 v10, v47;
	v9 =	vadd.f32 v17, v9;
	v17 =	vld.idx.msk [tilespmem:v0+s28+$0xFFFFFF80], $0xffff  }
0x17d: {  	v11 =	vadd.f32 v19, v11;
	v19 =	vld.idx.msk [tilespmem:v1+s28+$0xFFFFFCC0], $0xffff;
	v16 =	vmul.f32 v16, v51  }
0x17e: {  	v22 =	vld.idx.msk [tilespmem:v1+s28+$0xFFFFFF80], $0xffff;
	v9 =	vadd.f32 v10, v9;
	v10 =	vmul.f32 v59, v7  }
0x17f: {  	s23 =	simm.s32 $0x10;
	v8 =	vcvt.s32.f32 v8;
	v23 =	vmul.f32 v5, v31;
	v11 =	vadd.f32 v16, v11;
	v16 =	vld.idx.msk [tilespmem:v2+s28+$0xFFFFFCC0], $0xffff  }
0x180: {  	s2 =	sand.u32 $0x50, s23;
	v60 =	vld.idx.msk [tilespmem:v2+s28+$0xFFFFFF80], $0xffff;
	v18 =	vmul.f32 v18, v6;
	v9 =	vadd.f32 v10, v9;
	v10 =	vmul.f32 v15, v32  }
0x181: {  	s24 =	simm.s32 $0x20;
	s5 =	sor.u32 s2, s15;
	v15 =	vmul.f32 v8, v27;
	v17 =	vmul.f32 v17, v13  }
0x182: {  	s3 =	sand.u32 $0x60, s24;
	v11 =	vadd.f32 v18, v11;
	v18 =	vld.idx.msk [tilespmem:v3+s28+$0xFFFFFF80], $0xffff;
	[tilespmem:s5+$0x0] =	vst v9;
	v9 =	vmul.f32 v19, v35  }
0x183: {  	s0 =	sor.u32 s3, s15;
	v10 =	vadd.f32 v10, v23;
	v15 =	vadd.f32 v17, v15;
	v17 =	vmul.f32 v22, v34  }
0x184: {  	[tilespmem:s0+$0x0] =	vst v11;
	v11 =	vmul.f32 v16, v37  }
0x185: {  	v39 =	vld.idx.msk [tilespmem:v3+s28+$0xFFFFFCC0], $0xffff;
	v9 =	vadd.f32 v9, v10;
	v10 =	vadd.f32 v17, v15;
	v15 =	vmul.f32 v60, v33  }
0x186: {  	s25 =	sand.u32 $0x7, s13;
	v19 =	vld.idx.msk [tilespmem:v0+s28+$0xFFFFFD00], $0xffff  }
0x187: {  	s2 =	sshll.u32 s25, $0x4;
	v16 =	vld.idx.msk [tilespmem:v0+s28+$0xFFFFFEC0], $0xffff;
	v9 =	vadd.f32 v11, v9;
	v11 =	vmul.f32 v18, v29;
	v10 =	vadd.f32 v15, v10  }
0x188: {  	s26 =	sadd.s32 $0x0, s2;
	v23 =	vld.idx.msk [tilespmem:v1+s28+$0xFFFFFEC0], $0xffff  }
0x189: {  	s2 =	sadd.s32 $0x30, s26;
	v61 =	vld.idx.msk [tilespmem:v2+s28+$0xFFFFFEC0], $0xffff;
	v10 =	vadd.f32 v11, v10  }
0x18a: {  	s6 =	sor.u32 $0x100, s2;
	v22 =	vmul.f32 v39, v36;
	v17 =	vld.idx.msk [tilespmem:v1+s28+$0xFFFFFD00], $0xffff  }
0x18b: {  	v15 =	vld.idx.msk [tilespmem:v2+s28+$0xFFFFFD00], $0xffff;
	[tilespmem:s6+$0x14880] =	vst v10  }
0x18c: {  	v18 =	vmul.f32 v5, v30;
	v19 =	vmul.f32 v19, v50;
	v9 =	vadd.f32 v22, v9;
	v12 =	vld.idx.msk [tilespmem:v1+s28+$0x0], $0xffff  }
0x18d: {  	v22 =	vmul.f32 v5, v28;
	v16 =	vmul.f32 v16, v43;
	v11 =	vld.idx.msk [tilespmem:v3+s28+$0xFFFFFD00], $0xffff  }
0x18e: {  	v18 =	vadd.f32 v19, v18;
	v19 =	vld.idx.msk [tilespmem:v3+s28+$0xFFFFFEC0], $0xffff;
	[tilespmem:s4+$0x80] =	vst v9  }
0x18f: {  	v17 =	vmul.f32 v17, v48;
	v9 =	vadd.f32 v16, v22;
	v16 =	vld.idx.msk [tilespmem:v0+s28+$0xFFFFFD40], $0xffff  }
0x190: {  	v22 =	vld.idx.msk [tilespmem:v0+s28+$0x0], $0xffff  }
0x191: {  	v17 =	vadd.f32 v17, v18;
	v18 =	vld.idx.msk [tilespmem:v1+s28+$0xFFFFFD40], $0xffff;
	[tilespmem:$0x1FF50] =	vst v12  }
0x192: {  	v10 =	vmul.f32 v23, v49;
	v12 =	vld.idx.msk [tilespmem:v2+s28+$0x0], $0xffff;
	_ =	sdelay $0x1  }
0x193: {  	v9 =	vadd.f32 v10, v9;
	v10 =	vmul.f32 v61, v51  }
0x194: {  	v15 =	vmul.f32 v15, v47  }
0x195: {  	v9 =	vadd.f32 v10, v9;
	v10 =	vmul.f32 v19, v6  }
0x196: {  	v15 =	vadd.f32 v15, v17;
	v17 =	vld.idx.msk [tilespmem:v2+s28+$0xFFFFFD40], $0xffff;
	[tilespmem:$0x1FF60] =	vst v12  }
0x197: {  	v9 =	vadd.f32 v10, v9;
	v10 =	vld.idx.msk [tilespmem:v3+s28+$0x0], $0xffff;
	_ =	sdelay $0x1  }
0x198: {  	v11 =	vmul.f32 v11, v7;
	_ =	sdelay $0x1  }
0x199: {  	v19 =	vmul.f32 v8, v31;
	v11 =	vadd.f32 v11, v15;
	v15 =	vmul.f32 v16, v32  }
0x19a: {  	v16 =	vld.idx.msk [tilespmem:v3+s28+$0xFFFFFD40], $0xffff;
	[tilespmem:$0x1FF80] =	vst v10  }
0x19b: {  	v10 =	vmul.f32 v18, v35;
	[tilespmem:s5+$0x80] =	vst v11;
	v11 =	vadd.f32 v15, v19;
	_ =	sdelay $0x1  }
0x19c: {  	[tilespmem:s0+$0x80] =	vst v9;
	v9 =	vmul.f32 v17, v37;
	v10 =	vadd.f32 v10, v11  }
0x19d: {  	p1 =	por $0x0, $0x0;
	s0 =	simm.s32 $0x1  }
0x19e: {  	s0 =	simm.s32 @!p1 $0x0;
	v11 =	vmul.f32 v16, v36;
	v9 =	vadd.f32 v9, v10  }
0x19f: {  	v21 =	vld.idx.msk [tilespmem:v0+s28+$0xFFFFFD80], $0xffff;
	s0 =	sshll.u32 s0, $0x6  }
0x1a0: {  	v18 =	vld.idx.msk [tilespmem:v0+s28+$0xFFFFFF40], $0xffff;
	s7 =	sadd.s32 $0x0, s0;
	v9 =	vadd.f32 v11, v9  }
0x1a1: {  	v24 =	vld.idx.msk [tilespmem:v1+s28+$0xFFFFFD80], $0xffff;
	s0 =	sor.u32 $0x100, s7  }
0x1a2: {  	v53 =	vld.idx.msk [tilespmem:v1+s28+$0xFFFFFF40], $0xffff;
	[tilespmem:s0+$0x14880] =	vst v9  }
0x1a3: {  	v9 =	vld.idx.msk [tilespmem:v1+s28+$0xFFFFFDC0], $0xffff  }
0x1a4: {  	v54 =	vld.idx.msk [tilespmem:v2+s28+$0xFFFFFD80], $0xffff  }
0x1a5: {  	v55 =	vld.idx.msk [tilespmem:v2+s28+$0xFFFFFF40], $0xffff  }
0x1a6: {  	v56 =	vld.idx.msk [tilespmem:v3+s28+$0xFFFFFD80], $0xffff  }
0x1a7: {  	v57 =	vld.idx.msk [tilespmem:v3+s28+$0xFFFFFF40], $0xffff  }
0x1a8: {  	v52 =	vld.idx.msk [tilespmem:v0+s28+$0xFFFFFDC0], $0xffff;
	[tilespmem:$0x1FF70] =	vst v9  }
0x1a9: {  	v9 =	vld.idx.msk [tilespmem:v2+s28+$0xFFFFFDC0], $0xffff;
	_ =	sdelay $0x4  }
0x1aa: {  	[tilespmem:$0x1FF90] =	vst v9  }
0x1ab: {  	v9 =	vld.idx.msk [tilespmem:v3+s28+$0xFFFFFDC0], $0xffff;
	_ =	sdelay $0x4  }
0x1ac: {  	s31 =	simm.s32 $0x10240;
	[tilespmem:$0x1FFA0] =	vst v9  }
0x1ad: {  	s30 =	simm.s32 $0x87C0;
	v42 =	vld.idx.msk [tilespmem:v0+s31+$0x0], $0xffff  }
0x1ae: {  	s9 =	simm.s32 $0x40;
	v9 =	vld.idx.msk [tilespmem:v0+s30+$0xFFFFFE80], $0xffff  }
0x1af: {  	v41 =	vld [tilespmem:s9+$0x120B0]  }
0x1b0: {  	v40 =	vld.idx.msk [tilespmem:v1+s31+$0x0], $0xffff  }
0x1b1: {  	v10 =	vld.idx.msk [tilespmem:v1+s30+$0xFFFFFE80], $0xffff  }
0x1b2: {  	v39 =	vld.idx.msk [tilespmem:v2+s31+$0x0], $0xffff  }
0x1b3: {  	v11 =	vld.idx.msk [tilespmem:v2+s30+$0xFFFFFE80], $0xffff  }
0x1b4: {  	v38 =	vld.idx.msk [tilespmem:v3+s31+$0x0], $0xffff;
	v16 =	vmul.f32 v4, v41;
	v9 =	vmul.f32 v9, v42  }
0x1b5: {  	v17 =	vld.idx.msk [tilespmem:v3+s30+$0xFFFFFE80], $0xffff  }
0x1b6: {  	v46 =	vld [tilespmem:s9+$0x12080];
	v10 =	vmul.f32 v10, v40;
	v9 =	vadd.f32 v9, v16  }
0x1b7: {  	v15 =	vld.idx.msk [tilespmem:v0+s31+$0xFFFFFF40], $0xffff  }
0x1b8: {  	v58 =	vld.idx.msk [tilespmem:v0+s30+$0xFFFFFC40], $0xffff;
	v11 =	vmul.f32 v11, v39;
	v10 =	vadd.f32 v10, v9  }
0x1b9: {  	v45 =	vld [tilespmem:s9+$0x12090]  }
0x1ba: {  	s0 =	simm.s32 $0x100;
	v59 =	vld.idx.msk [tilespmem:v0+s30+$0xFFFFFC80], $0xffff;
	v16 =	vmul.f32 v17, v38;
	v11 =	vadd.f32 v11, v10  }
0x1bb: {  	s11 =	simm.s32 $0x70;
	s10 =	sand.u32 $0x1E00, s0;
	v60 =	vld.idx.msk [tilespmem:v0+s30+$0xFFFFFE40], $0xffff  }
0x1bc: {  	s5 =	sand.u32 $0x70, s11;
	s12 =	sadd.s32 $0x14880, s10;
	v61 =	vld.idx.msk [tilespmem:v1+s30+$0xFFFFFC40], $0xffff;
	v11 =	vadd.f32 v16, v11  }
0x1bd: {  	s5 =	sor.u32 s5, s12;
	v23 =	vld.idx.msk [tilespmem:v1+s30+$0xFFFFFC80], $0xffff  }
0x1be: {  	v14 =	vmul.f32 v8, v28;
	v26 =	vld.idx.msk [tilespmem:v1+s30+$0xFFFFFE40], $0xffff;
	[tilespmem:s5+$0x0] =	vst v11  }
0x1bf: {  	v19 =	vmul.f32 v8, v30;
	v21 =	vmul.f32 v21, v50;
	v16 =	vld.idx.msk [tilespmem:v0+s30+$0xFFFFFF00], $0xffff  }
0x1c0: {  	v20 =	vmul.f32 v22, v13;
	v13 =	vmul.f32 v18, v43;
	v18 =	vld.idx.msk [tilespmem:v2+s31+$0xFFFFFF40], $0xffff  }
0x1c1: {  	v19 =	vadd.f32 v21, v19;
	v21 =	vmul.f32 v24, v48;
	v62 =	vld.idx.msk [tilespmem:v1+s30+$0xFFFFFF00], $0xffff  }
0x1c2: {  	v24 =	vadd.f32 v13, v14;
	v13 =	vld.idx.msk [tilespmem:v2+s31+$0xFFFFFF80], $0xffff  }
0x1c3: {  	v53 =	vmul.f32 v53, v49;
	v19 =	vadd.f32 v21, v19;
	v21 =	vmul.f32 v54, v47;
	v63 =	vld.idx.msk [tilespmem:v2+s30+$0xFFFFFF00], $0xffff  }
0x1c4: {  	v54 =	vld.idx.msk [tilespmem:v2+s30+$0xFFFFFC80], $0xffff;
	v12 =	vmul.f32 v5, v41;
	v16 =	vmul.f32 v16, v42  }
0x1c5: {  	v22 =	vld.idx.msk [tilespmem:v3+s30+$0xFFFFFF00], $0xffff  }
0x1c6: {  	v24 =	vadd.f32 v53, v24;
	v53 =	vld.idx.msk [tilespmem:v2+s30+$0xFFFFFE40], $0xffff;
	v62 =	vmul.f32 v62, v40;
	v16 =	vadd.f32 v16, v12  }
0x1c7: {  	v21 =	vadd.f32 v21, v19;
	v19 =	vld.idx.msk [tilespmem:v3+s31+$0xFFFFFF40], $0xffff  }
0x1c8: {  	v17 =	vld.idx.msk [tilespmem:v1+s31+$0xFFFFFF40], $0xffff;
	v63 =	vmul.f32 v63, v39;
	v62 =	vadd.f32 v62, v16;
	v16 =	vcvt.s32.f32 v25  }
0x1c9: {  	v9 =	vld.idx.msk [tilespmem:v0+s31+$0xFFFFFF80], $0xffff  }
0x1ca: {  	v10 =	vld.idx.msk [tilespmem:v0+s31+$0xFFFFFFC0], $0xffff;
	v22 =	vmul.f32 v22, v38;
	v14 =	vmul.f32 v16, v27;
	v27 =	vadd.f32 v63, v62  }
0x1cb: {  	v11 =	vld.idx.msk [tilespmem:v1+s31+$0xFFFFFF80], $0xffff  }
0x1cc: {  	v12 =	vld.idx.msk [tilespmem:v1+s31+$0xFFFFFFC0], $0xffff;
	v22 =	vadd.f32 v22, v27;
	v27 =	vmul.f32 v55, v51  }
0x1cd: {  	v25 =	vld.idx.msk [tilespmem:v2+s30+$0xFFFFFC40], $0xffff;
	v62 =	vmul.f32 v56, v7;
	v56 =	vmul.f32 v57, v6  }
0x1ce: {  	v44 =	vld [tilespmem:s9+$0x120A0];
	[tilespmem:s5+$0x80] =	vst v22;
	v22 =	vadd.f32 v27, v24;
	v24 =	vmul.f32 v4, v46;
	v27 =	vmul.f32 v58, v15  }
0x1cf: {  	v20 =	vadd.f32 v20, v14;
	v21 =	vadd.f32 v62, v21;
	v62 =	vmul.f32 v59, v9;
	v59 =	vld.idx.msk [tilespmem:v3+s30+$0xFFFFFC40], $0xffff  }
0x1d0: {  	v14 =	vld.idx.msk [tilespmem:v2+s31+$0xFFFFFFC0], $0xffff;
	v56 =	vadd.f32 v56, v22;
	v22 =	vadd.f32 v27, v24;
	v24 =	vmul.f32 v61, v17  }
0x1d1: {  	v63 =	vmul.f32 v4, v45;
	s5 =	sadd.s32 $0x10, s26;
	v57 =	vld.idx.msk [tilespmem:v0+s30+$0xFFFFFF80], $0xffff  }
0x1d2: {  	s1 =	sand.u32 $0x3, s13;
	s3 =	sor.u32 $0x100, s5;
	v27 =	vld.idx.msk [tilespmem:v1+s30+$0xFFFFFF80], $0xffff;
	v22 =	vadd.f32 v24, v22;
	v24 =	vmul.f32 v25, v18  }
0x1d3: {  	s1 =	sshll.u32 s1, $0x5;
	v55 =	vld.idx.msk [tilespmem:v3+s30+$0xFFFFFC80], $0xffff;
	[tilespmem:s3+$0x14880] =	vst v21;
	v21 =	vadd.f32 v62, v63  }
0x1d4: {  	s1 =	sadd.s32 $0x0, s1;
	v63 =	vmul.f32 v23, v11;
	v23 =	vld.idx.msk [tilespmem:v3+s31+$0xFFFFFF80], $0xffff;
	v59 =	vmul.f32 v59, v19;
	v24 =	vadd.f32 v24, v22  }
0x1d5: {  	s13 =	sadd.s32 $0x20, s1;
	v60 =	vmul.f32 v60, v10;
	v58 =	vmul.f32 v4, v44;
	s3 =	simm.s32 $0x40;
	v25 =	vld.idx.msk [tilespmem:v2+s30+$0xFFFFFF80], $0xffff  }
0x1d6: {  	s1 =	sor.u32 $0x100, s13;
	v61 =	vmul.f32 v8, v41;
	v62 =	vld.idx.msk [tilespmem:v3+s30+$0xFFFFFF80], $0xffff;
	s21 =	sand.u32 $0x40, s3;
	v57 =	vmul.f32 v57, v42;
	v24 =	vadd.f32 v59, v24  }
0x1d7: {  	[tilespmem:s1+$0x14880] =	vst v56;
	s23 =	sor.u32 s21, s12;
	v22 =	vld.idx.msk [tilespmem:v3+s31+$0xFFFFFFC0], $0xffff;
	v27 =	vmul.f32 v27, v40  }
0x1d8: {  	v57 =	vadd.f32 v57, v61;
	v61 =	vadd.f32 v60, v58;
	v58 =	vld.idx.msk [tilespmem:v3+s30+$0xFFFFFE40], $0xffff;
	[tilespmem:s23+$0x0] =	vst v24  }
0x1d9: {  	v26 =	vmul.f32 v26, v12;
	v21 =	vadd.f32 v63, v21;
	v63 =	vld [tilespmem:$0x1FF50]  }
0x1da: {  	s1 =	simm.s32 $0x4;
	v25 =	vmul.f32 v25, v39;
	v27 =	vadd.f32 v27, v57  }
0x1db: {  	v54 =	vmul.f32 v54, v13;
	v53 =	vmul.f32 v53, v14;
	s24 =	sand.u32 $0x7, s1;
	v26 =	vadd.f32 v26, v61  }
0x1dc: {  	s6 =	sshll.u32 s24, $0x4;
	v60 =	vmul.f32 v62, v38;
	v25 =	vadd.f32 v25, v27  }
0x1dd: {  	v21 =	vadd.f32 v54, v21;
	s6 =	sadd.s32 $0x100, s6;
	v24 =	vmul.f32 v55, v23;
	v26 =	vadd.f32 v53, v26  }
0x1de: {  	s9 =	simm.s32 $0x50;
	v54 =	vld.idx.msk [tilespmem:v0+s28+$0xFFFFFE00], $0xffff;
	s25 =	sadd.s32 $0x30, s6;
	v25 =	vadd.f32 v60, v25;
	v34 =	vmul.f32 v63, v34;
	v63 =	vmul.f32 v58, v22  }
0x1df: {  	s9 =	sand.u32 $0x50, s9;
	s26 =	simm.s32 $0x60;
	s10 =	sor.u32 $0x100, s25;
	v55 =	vld.idx.msk [tilespmem:v0+s28+$0xFFFFFFC0], $0xffff;
	v21 =	vadd.f32 v24, v21  }
0x1e0: {  	s9 =	sor.u32 s9, s12;
	v61 =	vld [tilespmem:$0x1FF60];
	[tilespmem:s10+$0x14880] =	vst v25;
	s10 =	sand.u32 $0x60, s26;
	v26 =	vadd.f32 v63, v26  }
0x1e1: {  	v27 =	vld.idx.msk [tilespmem:v0+s30+$0xFFFFFCC0], $0xffff;
	[tilespmem:s9+$0x0] =	vst v21;
	s8 =	sor.u32 s10, s12  }
0x1e2: {  	v58 =	vld [tilespmem:$0x1FF70];
	[tilespmem:s8+$0x0] =	vst v26  }
0x1e3: {  	v59 =	vld [tilespmem:$0x1FF80]  }
0x1e4: {  	v62 =	vld.idx.msk [tilespmem:v2+s30+$0xFFFFFCC0], $0xffff  }
0x1e5: {  	v24 =	vld.idx.msk [tilespmem:v1+s30+$0xFFFFFCC0], $0xffff  }
0x1e6: {  	v32 =	vmul.f32 v52, v32;
	v21 =	vld.idx.msk [tilespmem:v3+s30+$0xFFFFFCC0], $0xffff;
	v33 =	vmul.f32 v61, v33;
	v20 =	vadd.f32 v34, v20  }
0x1e7: {  	v31 =	vmul.f32 v16, v31;
	v56 =	vmul.f32 v5, v46;
	v57 =	vld.idx.msk [tilespmem:v1+s30+$0xFFFFFD00], $0xffff  }
0x1e8: {  	v27 =	vmul.f32 v27, v15;
	v20 =	vadd.f32 v33, v20;
	v60 =	vld [tilespmem:$0x1FF90];
	v29 =	vmul.f32 v59, v29  }
0x1e9: {  	v31 =	vadd.f32 v32, v31;
	v32 =	vld.idx.msk [tilespmem:v2+s30+$0xFFFFFD00], $0xffff  }
0x1ea: {  	v24 =	vmul.f32 v24, v17;
	v26 =	vadd.f32 v27, v56;
	v20 =	vadd.f32 v29, v20;
	v29 =	vld [tilespmem:$0x1FFA0]  }
0x1eb: {  	v25 =	vld.idx.msk [tilespmem:v0+s30+$0xFFFFFD00], $0xffff;
	v33 =	vmul.f32 v58, v35  }
0x1ec: {  	v34 =	vmul.f32 v62, v18;
	v63 =	vld.idx.msk [tilespmem:v3+s30+$0xFFFFFD00], $0xffff;
	v24 =	vadd.f32 v24, v26  }
0x1ed: {  	v27 =	vld.idx.msk [tilespmem:v0+s30+$0x0], $0xffff;
	v31 =	vadd.f32 v33, v31;
	v35 =	vmul.f32 v60, v37  }
0x1ee: {  	v21 =	vmul.f32 v21, v19;
	v61 =	vld.idx.msk [tilespmem:v0+s30+$0xFFFFFEC0], $0xffff;
	v24 =	vadd.f32 v34, v24  }
0x1ef: {  	v62 =	vld.idx.msk [tilespmem:v1+s30+$0xFFFFFEC0], $0xffff;
	v31 =	vadd.f32 v35, v31;
	v29 =	vmul.f32 v29, v36  }
0x1f0: {  	s2 =	sor.u32 $0x180, s2;
	v30 =	vmul.f32 v16, v30;
	v26 =	vld.idx.msk [tilespmem:v1+s30+$0x0], $0xffff;
	v21 =	vadd.f32 v21, v24  }
0x1f1: {  	v41 =	vmul.f32 v16, v41;
	v34 =	vld.idx.msk [tilespmem:v3+s30+$0x0], $0xffff;
	[tilespmem:s2+$0x14880] =	vst v20;
	v20 =	vadd.f32 v29, v31  }
0x1f2: {  	s11 =	sor.u32 $0x180, s7;
	v25 =	vmul.f32 v25, v9;
	[tilespmem:s23+$0x80] =	vst v21;
	v29 =	vld.idx.msk [tilespmem:v2+s30+$0xFFFFFEC0], $0xffff;
	v31 =	vmul.f32 v5, v45  }
0x1f3: {  	v24 =	vmul.f32 v61, v10;
	v58 =	vld.idx.msk [tilespmem:v0+s30+$0xFFFFFD40], $0xffff;
	[tilespmem:s11+$0x14880] =	vst v20;
	v20 =	vmul.f32 v5, v44  }
0x1f4: {  	v56 =	vmul.f32 v57, v11;
	v27 =	vmul.f32 v27, v42;
	v25 =	vadd.f32 v25, v31;
	v31 =	vld.idx.msk [tilespmem:v3+s30+$0xFFFFFEC0], $0xffff  }
0x1f5: {  	v32 =	vmul.f32 v32, v13;
	v21 =	vmul.f32 v62, v12;
	v59 =	vld.idx.msk [tilespmem:v1+s30+$0xFFFFFD40], $0xffff;
	v20 =	vadd.f32 v24, v20  }
0x1f6: {  	v37 =	vmul.f32 v63, v23;
	v27 =	vadd.f32 v27, v41;
	v36 =	vld.idx.msk [tilespmem:v2+s30+$0x0], $0xffff;
	v25 =	vadd.f32 v56, v25  }
0x1f7: {  	v63 =	vld.idx.msk [tilespmem:v1+s28+$0xFFFFFFC0], $0xffff;
	v26 =	vmul.f32 v26, v40;
	v29 =	vmul.f32 v29, v14;
	v21 =	vadd.f32 v21, v20  }
0x1f8: {  	v57 =	vmul.f32 v8, v46;
	v62 =	vld.idx.msk [tilespmem:v1+s28+$0xFFFFFE00], $0xffff;
	v35 =	vmul.f32 v58, v15;
	v25 =	vadd.f32 v32, v25  }
0x1f9: {  	v60 =	vld.idx.msk [tilespmem:v2+s30+$0xFFFFFD40], $0xffff;
	v26 =	vadd.f32 v26, v27;
	v31 =	vmul.f32 v31, v22;
	v29 =	vadd.f32 v29, v21  }
0x1fa: {  	v61 =	vld.idx.msk [tilespmem:v3+s30+$0xFFFFFD40], $0xffff;
	v33 =	vmul.f32 v59, v17;
	v35 =	vadd.f32 v35, v57;
	v25 =	vadd.f32 v37, v25  }
0x1fb: {  	v27 =	vmul.f32 v36, v39;
	v24 =	vmul.f32 v16, v46;
	v29 =	vadd.f32 v31, v29;
	v31 =	vld.idx.msk [tilespmem:v2+s28+$0xFFFFFE00], $0xffff  }
0x1fc: {  	v46 =	vmul.f32 v8, v45;
	v20 =	vmul.f32 v16, v45;
	[tilespmem:s9+$0x80] =	vst v25;
	v25 =	vld.idx.msk [tilespmem:v2+s28+$0xFFFFFFC0], $0xffff  }
0x1fd: {  	v26 =	vadd.f32 v27, v26;
	v45 =	vmul.f32 v8, v44;
	v21 =	vmul.f32 v16, v44;
	v44 =	vld.idx.msk [tilespmem:v0+s30+$0xFFFFFD80], $0xffff  }
0x1fe: {  	v27 =	vmul.f32 v34, v38;
	v56 =	vld.idx.msk [tilespmem:v1+s30+$0xFFFFFD80], $0xffff;
	[tilespmem:s8+$0x80] =	vst v29;
	v29 =	vmul.f32 v54, v50  }
0x1ff: {  	v33 =	vadd.f32 v33, v35;
	v54 =	vmul.f32 v55, v43;
	v55 =	vmul.f32 v60, v18;
	v52 =	vld.idx.msk [tilespmem:v0+s30+$0xFFFFFF40], $0xffff  }
0x200: {  	p1 =	por !p1, !p1;
	v28 =	vmul.f32 v16, v28;
	s2 =	simm.s32 $0x1;
	v58 =	vmul.f32 v62, v48;
	v27 =	vadd.f32 v27, v26;
	v59 =	vld.idx.msk [tilespmem:v2+s30+$0xFFFFFD80], $0xffff  }
0x201: {  	s25 =	sor.u32 $0x180, s25;
	s2 =	simm.s32 @!p1 $0x0;
	v57 =	vld.idx.msk [tilespmem:v1+s30+$0xFFFFFF40], $0xffff;
	v29 =	vadd.f32 v29, v30;
	v30 =	vmul.f32 v61, v19;
	v33 =	vadd.f32 v55, v33  }
0x202: {  	s2 =	sshll.u32 s2, $0x6;
	v26 =	vmul.f32 v63, v49;
	[tilespmem:s25+$0x14880] =	vst v27;
	v62 =	vld.idx.msk [tilespmem:v3+s30+$0xFFFFFD80], $0xffff;
	v28 =	vadd.f32 v54, v28  }
0x203: {  	s14 =	sadd.s32 $0x100, s2;
	v60 =	vld.idx.msk [tilespmem:v2+s30+$0xFFFFFF40], $0xffff;
	v31 =	vmul.f32 v31, v47;
	v30 =	vadd.f32 v30, v33;
	v61 =	vmul.f32 v44, v9  }
0x204: {  	s19 =	sor.u32 $0x100, s14;
	s8 =	simm.s32 $0x2;
	v29 =	vadd.f32 v58, v29;
	v63 =	vadd.f32 v26, v28;
	v33 =	vld.idx.msk [tilespmem:v3+s30+$0xFFFFFF40], $0xffff;
	v28 =	vmul.f32 v52, v10  }
0x205: {  	s24 =	simm.s32 $0x4;
	s12 =	sand.u32 $0x3, s8;
	v35 =	vmul.f32 v56, v11;
	v26 =	vld.idx.msk [tilespmem:v3+s28+$0xFFFFFE00], $0xffff;
	[tilespmem:s19+$0x14880] =	vst v30;
	v32 =	vadd.f32 v61, v46  }
0x206: {  	s26 =	sadd.s32 $0x10, s6;
	p1 =	por !p1, !p1;
	s15 =	sshll.u32 s12, $0x5;
	v25 =	vmul.f32 v25, v51;
	v34 =	vmul.f32 v57, v12;
	v30 =	vld.idx.msk [tilespmem:v0+s30+$0xFFFFFDC0], $0xffff;
	v36 =	vadd.f32 v28, v45  }
0x207: {  	s2 =	sor.u32 $0x180, s13;
	s13 =	sor.u32 $0x180, s14;
	s21 =	sadd.s32 $0x100, s15;
	v38 =	vmul.f32 v59, v13;
	v27 =	vld.idx.msk [tilespmem:v3+s30+$0xFFFFFDC0], $0xffff;
	v28 =	vadd.f32 v31, v29;
	v35 =	vadd.f32 v35, v32  }
0x208: {  	s14 =	sor.u32 $0x180, s26;
	s12 =	sor.u32 $0x180, s5;
	s23 =	sadd.s32 $0x20, s21;
	v31 =	vld.idx.msk [tilespmem:v1+s30+$0xFFFFFDC0], $0xffff;
	v32 =	vadd.f32 v25, v63;
	v25 =	vadd.f32 v34, v36  }
0x209: {  	s21 =	sor.u32 $0x100, s26;
	s15 =	sor.u32 $0x100, s23;
	s7 =	sor.u32 $0x180, s23;
	v29 =	vld.idx.msk [tilespmem:v2+s30+$0xFFFFFDC0], $0xffff;
	v36 =	vmul.f32 v60, v14;
	v34 =	vadd.f32 v38, v35;
	v35 =	vmul.f32 v62, v23  }
.LBB2_5:
0x20a: {  	s4 =	simm.s32 $0x1  }
0x20b: {  	v36 =	vadd.f32 v36, v25;
	v33 =	vmul.f32 v33, v22;
	s31 =	sadd.s32 $0x100, s31;
	s8 =	sadd.s32 $0x2, s8;
	v37 =	vld.idx.msk [tilespmem:v3+s28+$0xFFFFFFC0], $0xffff;
	s4 =	simm.s32 @!p1 $0x0  }
0x20c: {  	s28 =	smov.u32 s30;
	s5 =	sand.u32 $0x3, s8;
	v34 =	vadd.f32 v35, v34;
	v35 =	vmul.f32 v26, v7;
	v7 =	vmov v23;
	s4 =	sshll.u32 s4, $0x6;
	v25 =	vld.idx.msk [tilespmem:v1+s31+$0x0], $0xffff  }
0x20d: {  	s30 =	sadd.s32 $0x400, s30;
	s0 =	sadd.s32 $0x100, s0;
	v15 =	vmul.f32 v30, v15;
	s5 =	sshll.u32 s5, $0x5;
	v23 =	vadd.f32 v33, v36;
	v26 =	vld.idx.msk [tilespmem:v0+s31+$0x0], $0xffff  }
0x20e: {  	s24 =	sadd.s32 $0x4, s24;
	v17 =	vmul.f32 v31, v17;
	s6 =	sadd.s32 s0, s5;
	s5 =	sshra.s32 s0, $0x2;
	v28 =	vadd.f32 v35, v28;
	v33 =	vld.idx.msk [tilespmem:v0+s30+$0xFFFFFE80], $0xffff;
	[tilespmem:s21+$0x14880] =	vst v34  }
0x20f: {  	p2 =	slt.u32 s24, $0x7C;
	s9 =	sadd.s32 s4, s0;
	v15 =	vadd.f32 v15, v24;
	v18 =	vmul.f32 v29, v18;
	s6 =	sadd.s32 $0x20, s6;
	v30 =	vld [tilespmem:s5+$0x120B0];
	[tilespmem:s15+$0x14880] =	vst v23  }
0x210: {  	s4 =	sor.u32 $0x100, s9;
	v19 =	vmul.f32 v27, v19;
	s15 =	sor.u32 $0x100, s6;
	s6 =	sor.u32 $0x180, s6;
	v23 =	vld.idx.msk [tilespmem:v1+s30+$0xFFFFFE80], $0xffff;
	[tilespmem:s12+$0x14880] =	vst v28  }
0x211: {  	s9 =	sor.u32 $0x180, s9;
	v15 =	vadd.f32 v17, v15;
	v17 =	vmul.f32 v37, v6;
	v6 =	vmov v22;
	s12 =	smov.u32 s14;
	v28 =	vld.idx.msk [tilespmem:v2+s31+$0x0], $0xffff  }
0x212: {  	v22 =	vld.idx.msk [tilespmem:v2+s30+$0xFFFFFE80], $0xffff  }
0x213: {  	v15 =	vadd.f32 v18, v15;
	v17 =	vadd.f32 v17, v32;
	v29 =	vld.idx.msk [tilespmem:v3+s31+$0x0], $0xffff  }
0x214: {  	v24 =	vmul.f32 v33, v26;
	v18 =	vmul.f32 v4, v30;
	v27 =	vld.idx.msk [tilespmem:v3+s30+$0xFFFFFE80], $0xffff  }
0x215: {  	v19 =	vadd.f32 v19, v15;
	v31 =	vld [tilespmem:s5+$0x12080];
	[tilespmem:s2+$0x14880] =	vst v17;
	s2 =	smov.u32 s7;
	s7 =	smov.u32 s6  }
0x216: {  	v15 =	vld.idx.msk [tilespmem:v0+s31+$0xFFFFFF40], $0xffff;
	v17 =	vadd.f32 v24, v18;
	v18 =	vmul.f32 v23, v25  }
0x217: {  	v23 =	vld.idx.msk [tilespmem:v0+s30+$0xFFFFFC40], $0xffff;
	[tilespmem:s13+$0x14880] =	vst v19;
	s13 =	smov.u32 s9  }
0x218: {  	v19 =	vld [tilespmem:s5+$0x12090];
	v17 =	vadd.f32 v18, v17;
	v18 =	vmul.f32 v22, v28  }
0x219: {  	v40 =	vld.idx.msk [tilespmem:v0+s31+$0xFFFFFF80], $0xffff  }
0x21a: {  	s3 =	sadd.s32 $0x40, s3;
	v22 =	vmul.f32 v4, v31;
	v33 =	vld.idx.msk [tilespmem:v0+s30+$0xFFFFFC80], $0xffff;
	v17 =	vadd.f32 v18, v17;
	v18 =	vmul.f32 v27, v29  }
0x21b: {  	s6 =	sand.u32 $0x1E00, s0;
	s9 =	sadd.s32 $0x10, s3;
	v37 =	vmul.f32 v5, v31;
	v32 =	vmul.f32 v8, v31;
	v34 =	vld [tilespmem:s5+$0x120A0];
	s5 =	sadd.s32 $0x30, s3  }
0x21c: {  	s10 =	sadd.s32 $0x14880, s6;
	s6 =	sadd.s32 $0x20, s3;
	v24 =	vmul.f32 v16, v31;
	v41 =	vld.idx.msk [tilespmem:v0+s31+$0xFFFFFFC0], $0xffff;
	s5 =	sand.u32 $0x70, s5;
	v18 =	vadd.f32 v18, v17  }
0x21d: {  	s11 =	sand.u32 $0x60, s6;
	s9 =	sand.u32 $0x50, s9;
	v23 =	vmul.f32 v23, v15;
	v35 =	vmul.f32 v4, v19;
	v36 =	vld.idx.msk [tilespmem:v0+s30+$0xFFFFFE40], $0xffff;
	s6 =	sor.u32 s5, s10  }
0x21e: {  	s14 =	sand.u32 $0x40, s3;
	s19 =	sor.u32 s9, s10;
	v39 =	vmul.f32 v5, v19;
	v27 =	vmul.f32 v8, v19;
	s5 =	sor.u32 s11, s10;
	v17 =	vld.idx.msk [tilespmem:v1+s31+$0xFFFFFF40], $0xffff;
	[tilespmem:s6+$0x0] =	vst v18  }
0x21f: {  	s23 =	sor.u32 s14, s10;
	v42 =	vmul.f32 v16, v19;
	v22 =	vadd.f32 v23, v22;
	v18 =	vld.idx.msk [tilespmem:v0+s30+$0xFFFFFF00], $0xffff  }
0x220: {  	v23 =	vmul.f32 v33, v40;
	v19 =	vld.idx.msk [tilespmem:v1+s30+$0xFFFFFC40], $0xffff;
	v43 =	vmul.f32 v4, v34  }
0x221: {  	v38 =	vmul.f32 v5, v34;
	v31 =	vmul.f32 v8, v34;
	v44 =	vld.idx.msk [tilespmem:v1+s30+$0xFFFFFF00], $0xffff  }
0x222: {  	v45 =	vmul.f32 v16, v34;
	v23 =	vadd.f32 v23, v35;
	v33 =	vld.idx.msk [tilespmem:v1+s31+$0xFFFFFF80], $0xffff  }
0x223: {  	v34 =	vmul.f32 v36, v41;
	v35 =	vld.idx.msk [tilespmem:v2+s30+$0xFFFFFF00], $0xffff  }
0x224: {  	v36 =	vld.idx.msk [tilespmem:v1+s30+$0xFFFFFC80], $0xffff  }
0x225: {  	v46 =	vmul.f32 v5, v30;
	v43 =	vadd.f32 v34, v43;
	v18 =	vmul.f32 v18, v26;
	v47 =	vld.idx.msk [tilespmem:v3+s30+$0xFFFFFF00], $0xffff  }
0x226: {  	v19 =	vmul.f32 v19, v17;
	v34 =	vld.idx.msk [tilespmem:v1+s31+$0xFFFFFFC0], $0xffff  }
0x227: {  	v46 =	vadd.f32 v18, v46;
	v44 =	vmul.f32 v44, v25;
	v48 =	vld.idx.msk [tilespmem:v1+s30+$0xFFFFFE40], $0xffff  }
0x228: {  	v22 =	vadd.f32 v19, v22;
	v18 =	vld.idx.msk [tilespmem:v2+s31+$0xFFFFFF40], $0xffff  }
0x229: {  	v19 =	vadd.f32 v44, v46;
	v44 =	vmul.f32 v35, v28;
	v49 =	vld.idx.msk [tilespmem:v2+s30+$0xFFFFFC40], $0xffff  }
0x22a: {  	v36 =	vmul.f32 v36, v33;
	v35 =	vld.idx.msk [tilespmem:v2+s31+$0xFFFFFF80], $0xffff  }
0x22b: {  	v19 =	vadd.f32 v44, v19;
	v44 =	vmul.f32 v47, v29;
	v46 =	vld.idx.msk [tilespmem:v2+s30+$0xFFFFFC80], $0xffff  }
0x22c: {  	v47 =	vadd.f32 v36, v23;
	v36 =	vld.idx.msk [tilespmem:v2+s31+$0xFFFFFFC0], $0xffff  }
0x22d: {  	v23 =	vmul.f32 v48, v34;
	v44 =	vadd.f32 v44, v19;
	v48 =	vld.idx.msk [tilespmem:v2+s30+$0xFFFFFE40], $0xffff  }
0x22e: {  	v19 =	vld.idx.msk [tilespmem:v3+s31+$0xFFFFFF40], $0xffff  }
0x22f: {  	v49 =	vmul.f32 v49, v18;
	v43 =	vadd.f32 v23, v43;
	v50 =	vld.idx.msk [tilespmem:v3+s30+$0xFFFFFC40], $0xffff;
	[tilespmem:s6+$0x80] =	vst v44  }
0x230: {  	v44 =	vld.idx.msk [tilespmem:v0+s30+$0xFFFFFF80], $0xffff  }
0x231: {  	v49 =	vadd.f32 v49, v22;
	v22 =	vmul.f32 v46, v35;
	v23 =	vld.idx.msk [tilespmem:v3+s31+$0xFFFFFF80], $0xffff  }
0x232: {  	v46 =	vld.idx.msk [tilespmem:v1+s30+$0xFFFFFF80], $0xffff  }
0x233: {  	v47 =	vadd.f32 v22, v47;
	v48 =	vmul.f32 v48, v36;
	v51 =	vld.idx.msk [tilespmem:v3+s30+$0xFFFFFC80], $0xffff  }
0x234: {  	v52 =	vld.idx.msk [tilespmem:v2+s30+$0xFFFFFF80], $0xffff  }
0x235: {  	v50 =	vmul.f32 v50, v19;
	v43 =	vadd.f32 v48, v43;
	v22 =	vld.idx.msk [tilespmem:v3+s31+$0xFFFFFFC0], $0xffff  }
0x236: {  	v48 =	vmul.f32 v8, v30;
	v44 =	vmul.f32 v44, v26;
	v53 =	vld.idx.msk [tilespmem:v3+s30+$0xFFFFFF80], $0xffff  }
0x237: {  	v49 =	vadd.f32 v50, v49;
	v50 =	vld.idx.msk [tilespmem:v3+s30+$0xFFFFFE40], $0xffff  }
0x238: {  	v44 =	vadd.f32 v44, v48;
	v46 =	vmul.f32 v46, v25;
	v48 =	vld.idx.msk [tilespmem:v0+s28+$0xFFFFFE00], $0xffff  }
0x239: {  	[tilespmem:s23+$0x0] =	vst v49;
	v49 =	vmul.f32 v51, v23;
	v51 =	vld.idx.msk [tilespmem:v0+s28+$0xFFFFFFC0], $0xffff  }
0x23a: {  	s1 =	sadd.s32 $0x4, s1;
	v44 =	vadd.f32 v46, v44;
	v46 =	vmul.f32 v52, v28;
	v54 =	vld.idx.msk [tilespmem:v0+s30+$0xFFFFFCC0], $0xffff  }
0x23b: {  	s6 =	sand.u32 $0x7, s1;
	v52 =	vld.idx.msk [tilespmem:v1+s30+$0xFFFFFCC0], $0xffff;
	v47 =	vadd.f32 v49, v47  }
0x23c: {  	s6 =	sshll.u32 s6, $0x4;
	v44 =	vadd.f32 v46, v44;
	v46 =	vmul.f32 v53, v29;
	v49 =	vld.idx.msk [tilespmem:v2+s30+$0xFFFFFCC0], $0xffff  }
0x23d: {  	s9 =	sadd.s32 s0, s6;
	v53 =	vld.idx.msk [tilespmem:v3+s30+$0xFFFFFCC0], $0xffff;
	[tilespmem:s19+$0x0] =	vst v47;
	v47 =	vmul.f32 v50, v22  }
0x23e: {  	s6 =	sadd.s32 $0x30, s9;
	s9 =	sadd.s32 $0x10, s9;
	v44 =	vadd.f32 v46, v44;
	v46 =	vmul.f32 v48, v9;
	v9 =	vmov v40;
	v50 =	vld.idx.msk [tilespmem:v0+s30+$0xFFFFFD00], $0xffff  }
0x23f: {  	s21 =	sor.u32 $0x100, s9;
	s14 =	sor.u32 $0x180, s9;
	s9 =	sor.u32 $0x100, s6;
	v40 =	vld.idx.msk [tilespmem:v1+s30+$0xFFFFFD00], $0xffff;
	v43 =	vadd.f32 v47, v43;
	v47 =	vmul.f32 v51, v10;
	v10 =	vmov v41  }
0x240: {  	v41 =	vmul.f32 v54, v15;
	v48 =	vld.idx.msk [tilespmem:v2+s30+$0xFFFFFD00], $0xffff;
	[tilespmem:s9+$0x14880] =	vst v44;
	v44 =	vadd.f32 v46, v20;
	v20 =	vmov v42  }
0x241: {  	v42 =	vmul.f32 v52, v17;
	[tilespmem:s5+$0x0] =	vst v43;
	v43 =	vld.idx.msk [tilespmem:v0+s30+$0x0], $0xffff;
	v46 =	vadd.f32 v47, v21;
	v21 =	vmov v45  }
0x242: {  	v37 =	vadd.f32 v41, v37;
	v41 =	vmul.f32 v49, v18;
	v45 =	vld.idx.msk [tilespmem:v0+s30+$0xFFFFFEC0], $0xffff  }
0x243: {  	v47 =	vmul.f32 v53, v19;
	v49 =	vld.idx.msk [tilespmem:v1+s30+$0x0], $0xffff  }
0x244: {  	v37 =	vadd.f32 v42, v37;
	v42 =	vmul.f32 v50, v9;
	v50 =	vld.idx.msk [tilespmem:v1+s30+$0xFFFFFEC0], $0xffff  }
0x245: {  	v40 =	vmul.f32 v40, v33;
	v51 =	vld.idx.msk [tilespmem:v2+s30+$0x0], $0xffff  }
0x246: {  	v37 =	vadd.f32 v41, v37;
	v39 =	vadd.f32 v42, v39;
	v41 =	vmul.f32 v48, v35;
	v42 =	vld.idx.msk [tilespmem:v2+s30+$0xFFFFFEC0], $0xffff  }
0x247: {  	v30 =	vmul.f32 v16, v30;
	v26 =	vmul.f32 v43, v26;
	v43 =	vld.idx.msk [tilespmem:v3+s30+$0x0], $0xffff  }
0x248: {  	v37 =	vadd.f32 v47, v37;
	v39 =	vadd.f32 v40, v39;
	v45 =	vmul.f32 v45, v10;
	v40 =	vld.idx.msk [tilespmem:v3+s30+$0xFFFFFD00], $0xffff  }
0x249: {  	v26 =	vadd.f32 v26, v30;
	v25 =	vmul.f32 v49, v25;
	v47 =	vld.idx.msk [tilespmem:v3+s30+$0xFFFFFEC0], $0xffff  }
0x24a: {  	v30 =	vadd.f32 v41, v39;
	[tilespmem:s23+$0x80] =	vst v37;
	v37 =	vadd.f32 v45, v38;
	v38 =	vmul.f32 v50, v34  }
0x24b: {  	v25 =	vadd.f32 v25, v26;
	v26 =	vmul.f32 v51, v28;
	v39 =	vld.idx.msk [tilespmem:v0+s30+$0xFFFFFD40], $0xffff  }
0x24c: {  	v28 =	vld.idx.msk [tilespmem:v1+s30+$0xFFFFFD40], $0xffff;
	v37 =	vadd.f32 v38, v37;
	v38 =	vmul.f32 v42, v36  }
0x24d: {  	v25 =	vadd.f32 v26, v25;
	v26 =	vmul.f32 v43, v29;
	v41 =	vld.idx.msk [tilespmem:v2+s30+$0xFFFFFD40], $0xffff  }
0x24e: {  	v40 =	vmul.f32 v40, v23;
	v29 =	vld.idx.msk [tilespmem:v3+s30+$0xFFFFFD40], $0xffff;
	v37 =	vadd.f32 v38, v37  }
0x24f: {  	v38 =	vmul.f32 v47, v22;
	v25 =	vadd.f32 v26, v25;
	v26 =	vld.idx.msk [tilespmem:v1+s28+$0xFFFFFE00], $0xffff  }
0x250: {  	s6 =	sor.u32 $0x180, s6;
	v30 =	vadd.f32 v40, v30;
	v40 =	vld.idx.msk [tilespmem:v1+s28+$0xFFFFFFC0], $0xffff  }
0x251: {  	v39 =	vmul.f32 v39, v15;
	v37 =	vadd.f32 v38, v37;
	[tilespmem:s6+$0x14880] =	vst v25;
	v25 =	vld.idx.msk [tilespmem:v2+s28+$0xFFFFFE00], $0xffff  }
0x252: {  	v28 =	vmul.f32 v28, v17;
	[tilespmem:s19+$0x80] =	vst v30;
	v30 =	vld.idx.msk [tilespmem:v2+s28+$0xFFFFFFC0], $0xffff  }
0x253: {  	v32 =	vadd.f32 v39, v32;
	v38 =	vmul.f32 v41, v18;
	v39 =	vld.idx.msk [tilespmem:v0+s30+$0xFFFFFD80], $0xffff;
	[tilespmem:s5+$0x80] =	vst v37  }
0x254: {  	v29 =	vmul.f32 v29, v19;
	v37 =	vld.idx.msk [tilespmem:v0+s30+$0xFFFFFF40], $0xffff  }
0x255: {  	v28 =	vadd.f32 v28, v32;
	v26 =	vmul.f32 v26, v11;
	v11 =	vmov v33;
	v41 =	vld.idx.msk [tilespmem:v1+s30+$0xFFFFFD80], $0xffff  }
0x256: {  	v32 =	vmul.f32 v40, v12;
	v12 =	vmov v34;
	v42 =	vld.idx.msk [tilespmem:v1+s30+$0xFFFFFF40], $0xffff  }
0x257: {  	v28 =	vadd.f32 v38, v28;
	v26 =	vadd.f32 v26, v44;
	v25 =	vmul.f32 v25, v13;
	v34 =	vld.idx.msk [tilespmem:v2+s30+$0xFFFFFD80], $0xffff  }
0x258: {  	v13 =	vmovc v35;
	v32 =	vadd.f32 v32, v46;
	v30 =	vmul.f32 v30, v14;
	v14 =	vmov v36;
	v38 =	vld.idx.msk [tilespmem:v2+s30+$0xFFFFFF40], $0xffff  }
0x259: {  	v29 =	vadd.f32 v29, v28;
	v35 =	vmul.f32 v39, v9;
	v28 =	vadd.f32 v25, v26;
	v39 =	vld.idx.msk [tilespmem:v3+s30+$0xFFFFFD80], $0xffff  }
0x25a: {  	v25 =	vmul.f32 v37, v10;
	v32 =	vadd.f32 v30, v32;
	v33 =	vld.idx.msk [tilespmem:v3+s30+$0xFFFFFF40], $0xffff  }
.Ltmp1:
0x25b: {  	v27 =	vadd.f32 v35, v27;
	[tilespmem:s4+$0x14880] =	vst v29;
	v29 =	vmul.f32 v41, v11;
	v26 =	vld.idx.msk [tilespmem:v3+s28+$0xFFFFFE00], $0xffff;
	(pc) =	sbr.rel @p2 .LBB2_5-.Ltmp1, $4  }
0x25c: {  	v25 =	vadd.f32 v25, v31;
	v35 =	vmul.f32 v42, v12;
	v30 =	vld.idx.msk [tilespmem:v0+s30+$0xFFFFFDC0], $0xffff  }
0x25d: {  	v34 =	vmul.f32 v34, v13;
	v31 =	vld.idx.msk [tilespmem:v1+s30+$0xFFFFFDC0], $0xffff;
	v37 =	vadd.f32 v29, v27  }
0x25e: {  	v25 =	vadd.f32 v35, v25;
	v36 =	vmul.f32 v38, v14;
	v29 =	vld.idx.msk [tilespmem:v2+s30+$0xFFFFFDC0], $0xffff  }
0x25f: {  	p1 =	por !p1, !p1;
	v35 =	vmul.f32 v39, v23;
	v27 =	vld.idx.msk [tilespmem:v3+s30+$0xFFFFFDC0], $0xffff;
	v34 =	vadd.f32 v34, v37  }
0x260: {  	_ = 	snop  }
0x261: {  	v4 =	vadd.f32 v36, v25;
	v5 =	vmul.f32 v33, v22  }
0x262: {  	v8 =	vadd.f32 v35, v34  }
0x263: {  	v4 =	vadd.f32 v5, v4  }
0x264: {  	v5 =	vld.idx.msk [tilespmem:v3+s28+$0xFFFFFFC0], $0xffff;
	[tilespmem:s21+$0x14880] =	vst v8  }
0x265: {  	[tilespmem:s15+$0x14880] =	vst v4;
	v4 =	vld.idx.msk [tilespmem:v0+s30+$0xFFFFFE00], $0xffff  }
0x266: {  	v53 =	vld.idx.msk [tilespmem:v0+s30+$0xFFFFFFC0], $0xffff  }
0x267: {  	v16 =	vld.idx.msk [tilespmem:v1+s30+$0xFFFFFE00], $0xffff  }
0x268: {  	v7 =	vmul.f32 v26, v7;
	v54 =	vld.idx.msk [tilespmem:v1+s30+$0xFFFFFFC0], $0xffff  }
0x269: {  	v15 =	vmul.f32 v30, v15;
	v55 =	vld.idx.msk [tilespmem:v2+s30+$0xFFFFFE00], $0xffff  }
0x26a: {  	v17 =	vmul.f32 v31, v17;
	v7 =	vadd.f32 v7, v28;
	v56 =	vld.idx.msk [tilespmem:v2+s30+$0xFFFFFFC0], $0xffff;
	v4 =	vmul.f32 v4, v9  }
0x26b: {  	v15 =	vadd.f32 v15, v24;
	v18 =	vmul.f32 v29, v18;
	v57 =	vld.idx.msk [tilespmem:v3+s30+$0xFFFFFE00], $0xffff;
	v8 =	vmul.f32 v53, v10  }
0x26c: {  	v19 =	vmul.f32 v27, v19;
	v58 =	vld.idx.msk [tilespmem:v3+s30+$0xFFFFFFC0], $0xffff;
	v11 =	vmul.f32 v16, v11;
	v4 =	vadd.f32 v4, v20  }
0x26d: {  	v15 =	vadd.f32 v17, v15;
	v12 =	vmul.f32 v54, v12;
	v8 =	vadd.f32 v8, v21  }
0x26e: {  	v5 =	vmul.f32 v5, v6;
	v59 =	vmul.f32 v55, v13;
	v4 =	vadd.f32 v11, v4  }
0x26f: {  	v60 =	vadd.f32 v18, v15;
	v9 =	vmul.f32 v56, v14;
	v8 =	vadd.f32 v12, v8  }
0x270: {  	v5 =	vadd.f32 v5, v32;
	v61 =	vmul.f32 v57, v23;
	v4 =	vadd.f32 v59, v4  }
0x271: {  	[tilespmem:s12+$0x14880] =	vst v7;
	v62 =	vadd.f32 v19, v60;
	v63 =	vmul.f32 v58, v22;
	v8 =	vadd.f32 v9, v8  }
0x272: {  	[tilespmem:s2+$0x14880] =	vst v5;
	v4 =	vadd.f32 v61, v4  }
0x273: {  	[tilespmem:s13+$0x14880] =	vst v62;
	v5 =	vadd.f32 v63, v8  }
0x274: {  	[tilespmem:s14+$0x14880] =	vst v4  }
.Ltmp2:
0x275: {  	[tilespmem:s7+$0x14880] =	vst v5;
	(pc) =	sbr.rel @p0 .LBB2_2-.Ltmp2, $4  }
0x276: {  	s0 =	rddreg [dreg:$0xc]  }
0x277: {  	s1 =	simm.s32 $0x14880;
	s0 =	sadd.s32 s29, s0  }
0x278: {  	[hbm4b:s0+s17] =	stream.strided.scatter [tilespmem:s1], [sflag:$0x4], $0x2000, s18, s17, $0x38;
	[tilespmem:$0x16880] =	vst v63  }
0x279: {  	p1 =	por $0x0, $0x0;
	s0 =	simm.s32 $0x1  }
0x27a: {  	s0 =	simm.s32 $0x3  }
0x27b: {  	_ =	swait.ge [sflag:s0], $0x2000  }
0x27c: {  	[sflag:s0] =	ssyncset.done $0x0  }
0x27d: {  	s1 =	simm.s32 $0x4;
	[sflag:s0] =	ssyncadd.s32 $0xFFFFE000  }
0x27e: {  	_ =	swait.ge [sflag:s1], $0x2000  }
0x27f: {  	s2 =	rddreg [dreg:$0xe]  }
0x280: {  	s31 =	rddreg [dreg:$0xd];
	s2 =	sadd.s32 $0x1, s2  }
0x281: {  	p0 =	sne.s32 s2, s31  }
.Ltmp3:
0x282: {  	_ = 	snop;
	(pc) =	sbr.rel @p0 .LBB2_1-.Ltmp3, $3  }
0x283: {  	_ =	sdelay $0x1  }
0x284: {  	[sflag:s1] =	ssyncset.done $0x0  }
0x285: {  	[sflag:s1] =	ssyncadd.s32 $0xFFFFE000  }
0x286: {  	_ =	sfence.sel $0x180000  }
0x287: {  	[bflag:$0x0] =	sbarrier.arrive $0xFFFF  }
0x288: {  	_ =	strace $0x90000047  }
0x289: {  	s0 =	stileid.u32;
	[bflag:$0x2] =	sbarrier.arrive $0xFFFF  }
0x28a: {  	p0 =	sne.s32 s0, $0x0;
	s0 =	rddreg [dreg:$0x5]  }
0x28b: {  	s0 =	sadd.s32 @!p0 $0x100000, s0  }
0x28c: {  	[sflag:s0] =	ssyncadd.tile.s32 @!p0 $0x1;
	_ =	shalt  }
.Lfunc_end2:
_tile_overlayer_lowered:
.L_overlay_start_2:
0x28d: {  	(tag) =	ssettag $0x2  }
0x28e: {  	s0 =	rddreg [dreg:$0x0];
	s2 =	stileid.u32  }
0x28f: {  	s1 =	rddreg [dreg:$0x1];
	p0 =	sne.s32 s2, $0x0  }
0x290: {  	s3 =	rddreg [dreg:$0x2];
	[bflag:$0x3] =	sbarrier.arrive $0xFFFF;
	s2 =	simm.s32 @!p0 $0x1C05  }
0x291: {  	[timem:s3], [sflag:s2] =	dma.local @!p0 [hbm:s0], s1  }
0x292: {  	s0 =	simm.s32 @!p0 $0x5  }
0x293: {  	_ =	swait.ge @!p0 [sflag:s0], s1  }
0x294: {  	s1 =	ssub.s32 @!p0 $0x0, s1;
	[sflag:s0] =	ssyncset.done @!p0 $0x0  }
0x295: {  	[sflag:s0] =	ssyncadd.s32 @!p0 s1  }
0x296: {  	[bflag:$0x3] =	sbarrier.arrive $0xFFFF  }
0x297: {  	_ =	shalt  }

</sc_bundles>
